<compile_context>
chip_gen: v7x
topology: tpu7x:2x2x1
jax: 0.10.2.dev20260603
libtpu: 0.0.44.dev20260713+nightly
codegen_flags: <defaults>
</compile_context>

<pallas_src>
import functools

import jax
import jax.numpy as jnp
from jax import lax
from jax.experimental import pallas as pl
from jax.experimental.pallas import tpu as pltpu
from jax.experimental.pallas import tpu_sc as plsc

N = 10000
E = 320000
D = 128
DH = D // 2
G = 64
EPS = 1e-10
SCALAR = 20.0

_NC = 2
_NS = 16
_CHUNK = 128
_NBUF = 5
_C = 160
_EPT = _C * _CHUNK
_EPAD = _NS * _EPT
_RPAD = 10240
_ZR = _RPAD // _NS


def _sc_agg(xt, slo3, shi3, dst3):
    mesh = plsc.VectorSubcoreMesh(core_axis_name="c", subcore_axis_name="s")

    @functools.partial(
        pl.kernel,
        out_type=jax.ShapeDtypeStruct((_NC, N, DH), jnp.float32),
        mesh=mesh,
        scratch_types=[
            pltpu.VMEM((_C, _CHUNK), jnp.int32),
            pltpu.VMEM((_C, _CHUNK), jnp.int32),
            pltpu.VMEM((_CHUNK, DH), jnp.float32),
            pltpu.VMEM((_CHUNK, DH), jnp.float32),
            pltpu.VMEM((_CHUNK, DH), jnp.float32),
            pltpu.VMEM((_CHUNK, DH), jnp.float32),
            pltpu.VMEM((_CHUNK, DH), jnp.float32),
            pltpu.VMEM_SHARED((_RPAD, DH), jnp.float32),
            pltpu.SemaphoreType.DMA,
            pltpu.SemaphoreType.DMA,
        ],
        compiler_params=pltpu.CompilerParams(use_tc_tiling_on_sc=False),
    )
    def k(xt_hbm, slo_hbm, shi_hbm, dst_hbm, z_hbm, out_hbm,
          sidx, didx, b0, b1, b2, b3, b4, agg, gsem, ssem):
        bufs = (b0, b1, b2, b3, b4)
        c = lax.axis_index("c")
        s = lax.axis_index("s")

        @pl.when(c == 0)
        def _():
            pltpu.sync_copy(slo_hbm.at[s], sidx)

        @pl.when(c == 1)
        def _():
            pltpu.sync_copy(shi_hbm.at[s], sidx)

        pltpu.sync_copy(dst_hbm.at[s], didx)

        for b in range(_NBUF):
            pltpu.make_async_copy(xt_hbm.at[sidx.at[b]], bufs[b], gsem).start()

        pltpu.make_async_copy(
            z_hbm, agg.at[pl.ds(pl.multiple_of(s * _ZR, 8), _ZR)], ssem).start()
        pltpu.make_async_copy(
            z_hbm, agg.at[pl.ds(pl.multiple_of(s * _ZR, 8), _ZR)], ssem).wait()
        plsc.subcore_barrier()

        def body(jj, carry):
            for b in range(_NBUF):
                j = jj * _NBUF + b
                pltpu.make_async_copy(xt_hbm.at[sidx.at[j]], bufs[b], gsem).wait()
                pltpu.sync_copy(bufs[b], agg.at[didx.at[j]], add=True)

                @pl.when(j + _NBUF < _C)
                def _():
                    pltpu.make_async_copy(
                        xt_hbm.at[sidx.at[j + _NBUF]], bufs[b], gsem).start()
            return carry

        lax.fori_loop(0, _C // _NBUF, body, 0)
        plsc.subcore_barrier()

        @pl.when(s < _NS - 1)
        def _():
            st = pl.multiple_of(s * 624, 8)
            pltpu.sync_copy(agg.at[pl.ds(st, 624)],
                            out_hbm.at[c, pl.ds(st, 624)])

        @pl.when(s == _NS - 1)
        def _():
            pltpu.sync_copy(agg.at[pl.ds(9360, 640)],
                            out_hbm.at[c, pl.ds(9360, 640)])

    return k(xt, slo3, shi3, dst3, jnp.zeros((_ZR, DH), jnp.float32))


def _prep(x, node_imp_col, batch_col, batch_row):

    def body(x_ref, imp_ref, bcol_ref, brow_ref, o_ref):
        imp_col = imp_ref[...]
        brow = brow_ref[...]
        gid = lax.broadcasted_iota(jnp.int32, (D, N), 0)
        ohT = (jnp.broadcast_to(brow, (D, N)) == gid)
        imp_row = jnp.broadcast_to(
            jnp.reshape(imp_col, (1, N)), (D, N))
        masked = jnp.where(ohT, imp_row, -3e38)
        segmax_col = jnp.max(masked, axis=1, keepdims=True)
        inv_col = 1.0 / (segmax_col + EPS)
        bcol = bcol_ref[...]
        lane = lax.broadcasted_iota(jnp.int32, (N, D), 1)
        oh = (jnp.broadcast_to(bcol, (N, D)) == lane).astype(jnp.float32)
        inv_node = jnp.dot(oh, inv_col, preferred_element_type=jnp.float32)
        factor = (2.0 * (imp_col * inv_node) - 1.0) / (2.0 * SCALAR) + 1.0
        o_ref[...] = x_ref[...] * factor

    return pl.pallas_call(
        body,
        out_shape=jax.ShapeDtypeStruct((N, D), jnp.float32),
    )(x, node_imp_col, batch_col, batch_row)


_BR = 2000


def _mlp(x, parts, W1, b1, W2, b2):

    def body(x_ref, alo_ref, ahi_ref, w1_ref, b1_ref, w2_ref, b2_ref, o_ref):
        agg = jnp.concatenate([alo_ref[0], ahi_ref[0]], axis=1)
        h = x_ref[...] + agg
        h = jnp.maximum(
            jnp.dot(h, w1_ref[...], preferred_element_type=jnp.float32)
            + b1_ref[...], 0.0)
        o_ref[...] = jnp.maximum(
            jnp.dot(h, w2_ref[...], preferred_element_type=jnp.float32)
            + b2_ref[...], 0.0)

    row = lambda i: (i, 0)
    full = lambda i: (0, 0)
    return pl.pallas_call(
        body,
        grid=(N // _BR,),
        in_specs=[
            pl.BlockSpec((_BR, D), row),
            pl.BlockSpec((1, _BR, DH), lambda i: (0, i, 0)),
            pl.BlockSpec((1, _BR, DH), lambda i: (1, i, 0)),
            pl.BlockSpec((D, D), full),
            pl.BlockSpec((1, D), full),
            pl.BlockSpec((D, D), full),
            pl.BlockSpec((1, D), full),
        ],
        out_specs=pl.BlockSpec((_BR, D), row),
        out_shape=jax.ShapeDtypeStruct((N, D), jnp.float32),
    )(x, parts, parts, W1, b1, W2, b2)


def _mlp_pool(x, parts, W1, b1, W2, b2, batch_col):
    ngrid = N // _BR

    def body(x_ref, alo_ref, ahi_ref, w1_ref, b1_ref, w2_ref, b2_ref,
             bcol_ref, o_ref, p_ref, acc, cnt):
        i = pl.program_id(0)
        agg = jnp.concatenate([alo_ref[0], ahi_ref[0]], axis=1)
        h = x_ref[...] + agg
        h = jnp.maximum(
            jnp.dot(h, w1_ref[...], preferred_element_type=jnp.float32)
            + b1_ref[...], 0.0)
        xo = jnp.maximum(
            jnp.dot(h, w2_ref[...], preferred_element_type=jnp.float32)
            + b2_ref[...], 0.0)
        o_ref[...] = xo
        bcol = bcol_ref[...]
        lane = lax.broadcasted_iota(jnp.int32, (_BR, D), 1)
        oh = (jnp.broadcast_to(bcol, (_BR, D)) == lane).astype(jnp.float32)
        psum = lax.dot_general(
            oh, xo, (((0,), (0,)), ((), ())),
            preferred_element_type=jnp.float32)
        pcnt = jnp.sum(oh, axis=0, keepdims=True)

        @pl.when(i == 0)
        def _():
            acc[...] = psum
            cnt[...] = pcnt

        @pl.when(i > 0)
        def _():
            acc[...] = acc[...] + psum
            cnt[...] = cnt[...] + pcnt

        @pl.when(i == ngrid - 1)
        def _():
            r = lax.broadcasted_iota(jnp.int32, (D, D), 0)
            l = lax.broadcasted_iota(jnp.int32, (D, D), 1)
            eye = (r == l).astype(jnp.float32)
            cnt_col = lax.dot_general(
                eye, cnt[...], (((1,), (1,)), ((), ())),
                preferred_element_type=jnp.float32)
            p_ref[...] = (acc[...] / jnp.maximum(cnt_col, 1.0))[0:G, :]

    row = lambda i: (i, 0)
    full = lambda i: (0, 0)
    return pl.pallas_call(
        body,
        grid=(ngrid,),
        in_specs=[
            pl.BlockSpec((_BR, D), row),
            pl.BlockSpec((1, _BR, DH), lambda i: (0, i, 0)),
            pl.BlockSpec((1, _BR, DH), lambda i: (1, i, 0)),
            pl.BlockSpec((D, D), full),
            pl.BlockSpec((1, D), full),
            pl.BlockSpec((D, D), full),
            pl.BlockSpec((1, D), full),
            pl.BlockSpec((_BR, 1), lambda i: (i, 0)),
        ],
        out_specs=[
            pl.BlockSpec((_BR, D), row),
            pl.BlockSpec((G, D), full),
        ],
        out_shape=[
            jax.ShapeDtypeStruct((N, D), jnp.float32),
            jax.ShapeDtypeStruct((G, D), jnp.float32),
        ],
        scratch_shapes=[
            pltpu.VMEM((D, D), jnp.float32),
            pltpu.VMEM((1, D), jnp.float32),
        ],
    )(x, parts, parts, W1, b1, W2, b2, batch_col)


def kernel(x, edge_index, batch, node_imp,
           W1_0, b1_0, W2_0, b2_0,
           W1_1, b1_1, W2_1, b2_1,
           W1_2, b1_2, W2_2, b2_2):
    src = edge_index[0]
    dst = edge_index[1]
    pad = _EPAD - E
    src_p = jnp.concatenate([src, jnp.zeros((pad,), jnp.int32)])
    dst_p = jnp.concatenate(
        [dst, N + (jnp.arange(pad, dtype=jnp.int32) % (_RPAD - N))])
    slo3 = (2 * src_p).reshape(_NS, _C, _CHUNK)
    shi3 = (2 * src_p + 1).reshape(_NS, _C, _CHUNK)
    dst3 = dst_p.reshape(_NS, _C, _CHUNK)

    batch_col = batch.reshape(N, 1)
    batch_row = batch.reshape(1, N)
    imp_col = node_imp.reshape(N, 1)

    params = [(W1_0, b1_0.reshape(1, D), W2_0, b2_0.reshape(1, D)),
              (W1_1, b1_1.reshape(1, D), W2_1, b2_1.reshape(1, D)),
              (W1_2, b1_2.reshape(1, D), W2_2, b2_2.reshape(1, D))]

    h = _prep(x, imp_col, batch_col, batch_row)
    xs = []
    for li, (W1, b1, W2, b2) in enumerate(params):
        parts = _sc_agg(h.reshape(2 * N, DH), slo3, shi3, dst3)
        if li < 2:
            h = _mlp(h, parts, W1, b1, W2, b2)
        else:
            h, emb = _mlp_pool(h, parts, W1, b1, W2, b2, batch_col)
        xs.append(h)
    return (emb, jnp.concatenate(xs, axis=1))

# --- scband reference (transcript-rebuilt; emitter-appended) ---
"""Pipeline reference for scband-msib-57724360458772 (READ-ONLY COPY).

The authoritative reference and input builder live on the scoring server;
editing this copy changes nothing except your own understanding.
"""

import jax, jax.numpy as jnp
import numpy as np

N = 10000
E = 320000
D = 128
G = 64
L = 3
EPS = 1e-10
SCALAR = 20.0


def setup_inputs(seed: int = 0) -> dict:
    key = jax.random.key(seed)
    ks = jax.random.split(key, 4 + 4 * L)
    inp = {}
    inp['x'] = jax.random.normal(ks[0], (N, D), dtype=jnp.float32)
    inp['edge_index'] = jax.random.randint(ks[1], (2, E), 0, N, dtype=jnp.int32)
    inp['batch'] = jnp.sort(jax.random.randint(ks[2], (N,), 0, G, dtype=jnp.int32))
    inp['node_imp'] = jax.random.uniform(ks[3], (N, 1), dtype=jnp.float32)
    # GIN layer MLP params: Linear(in, dim) -> ReLU -> Linear(dim, dim)
    for i in range(L):
        fan_in = D  # layer 0 has num_features == dim == 128
        k0 = ks[4 + 4 * i]
        k1 = ks[4 + 4 * i + 1]
        k2 = ks[4 + 4 * i + 2]
        k3 = ks[4 + 4 * i + 3]
        inp[f'W1_{i}'] = jax.random.normal(k0, (fan_in, D), dtype=jnp.float32) / np.sqrt(fan_in)
        inp[f'b1_{i}'] = jax.random.normal(k1, (D,), dtype=jnp.float32) * 0.01
        inp[f'W2_{i}'] = jax.random.normal(k2, (D, D), dtype=jnp.float32) / np.sqrt(D)
        inp[f'b2_{i}'] = jax.random.normal(k3, (D,), dtype=jnp.float32) * 0.01
    return inp


def _gin_conv(x, src, dst, W1, b1, W2, b2):
    # PyG GINConv with eps=0: nn((1+eps)*x + sum_{j in N(i)} x_j)
    agg = jnp.zeros_like(x).at[dst].add(x[src])
    h = x + agg
    h = jnp.maximum(h @ W1 + b1, 0.0)
    return h @ W2 + b2


def reference(x, edge_index, batch, node_imp,
              W1_0, b1_0, W2_0, b2_0,
              W1_1, b1_1, W2_1, b2_1,
              W1_2, b1_2, W2_2, b2_2):
    src = edge_index[0]
    dst = edge_index[1]
    # node importance normalization (scatter_max per graph, detached max)
    seg_max = jax.ops.segment_max(jax.lax.stop_gradient(node_imp[:, 0]), batch, num_segments=G)
    out = seg_max[batch][:, None]
    imp = node_imp / (out + EPS)
    imp = (2.0 * imp - 1.0) / (2.0 * SCALAR) + 1.0
    x = x * imp
    params = [(W1_0, b1_0, W2_0, b2_0), (W1_1, b1_1, W2_1, b2_1), (W1_2, b1_2, W2_2, b2_2)]
    xs = []
    for (W1, b1, W2, b2) in params:
        x = jnp.maximum(_gin_conv(x, src, dst, W1, b1, W2, b2), 0.0)
        xs.append(x)
    # readout == 'last', pooling == 'mean' (global_mean_pool)
    sums = jax.ops.segment_sum(xs[-1], batch, num_segments=G)
    counts = jax.ops.segment_sum(jnp.ones((N,), dtype=jnp.float32), batch, num_segments=G)
    graph_emb = sums / jnp.maximum(counts, 1.0)[:, None]
    return (graph_emb, jnp.concatenate(xs, axis=1))

if __name__ == "__main__":
    import jax
    _d = setup_inputs()
    print(jax.jit(kernel)(*tuple(_d.values())))

</pallas_src>

<mosaic_0001>
#map = affine_map<(d0, d1) -> (0, 0)>
#map1 = affine_map<(d0, d1) -> (0, 0, 0)>
module attributes {stable_mosaic.version = 14 : i64} {
  func.func @k(%arg0: i32, %arg1: i32, %arg2: memref<20000x64xf32, #tpu.memory_space<hbm>>, %arg3: memref<16x160x128xi32, #tpu.memory_space<hbm>>, %arg4: memref<16x160x128xi32, #tpu.memory_space<hbm>>, %arg5: memref<16x160x128xi32, #tpu.memory_space<hbm>>, %arg6: memref<640x64xf32, #tpu.memory_space<hbm>>, %arg7: memref<2x10000x64xf32, #tpu.memory_space<hbm>>, %arg8: memref<160x128xi32, #tpu.memory_space<vmem>>, %arg9: memref<160x128xi32, #tpu.memory_space<vmem>>, %arg10: memref<128x64xf32, #tpu.memory_space<vmem>>, %arg11: memref<128x64xf32, #tpu.memory_space<vmem>>, %arg12: memref<128x64xf32, #tpu.memory_space<vmem>>, %arg13: memref<128x64xf32, #tpu.memory_space<vmem>>, %arg14: memref<128x64xf32, #tpu.memory_space<vmem>>, %arg15: memref<10240x64xf32, #tpu.memory_space<vmem_shared>>, %arg16: memref<!tpu.dma_semaphore, #tpu.memory_space<semaphore_mem>>, %arg17: memref<!tpu.dma_semaphore, #tpu.memory_space<semaphore_mem>>) attributes {dimension_semantics = [#tpu.dimension_semantics<core_parallel>, #tpu.dimension_semantics<subcore_parallel>], iteration_bounds = array<i64: 2, 16>, scalar_prefetch = 0 : i64, scratch_operands = 10 : i64, tpu.core_type = #tpu.core_type<sc_vector_subcore>, window_params = [{transform_indices = #map}, {transform_indices = #map1}, {transform_indices = #map1}, {transform_indices = #map1}, {transform_indices = #map}, {transform_indices = #map1}]} {
    %eq3A = arith.constant 0 : i32
    %eq3A_0 = arith.cmpi eq, %arg0, %eq3A : i32
    %convert_element_type3A = arith.extui %eq3A_0 : i1 to i32
    %cond3A = arith.constant 0 : i32
    %cond3A_1 = arith.cmpi ne, %convert_element_type3A, %cond3A : i32
    scf.if %cond3A_1 {
      "tpu.region"() ({
        %run_scoped3A = tpu.sem_alloc : memref<!tpu.dma_semaphore, #tpu.memory_space<semaphore_mem>>
        %dma_start3A_63 = arith.constant 0 : i32
        %dma_start3A_64 = arith.constant 0 : i32
        %dma_start3A_65 = tpu.memref_slice %arg3[%arg1, %dma_start3A_63, %dma_start3A_64] : memref<16x160x128xi32, #tpu.memory_space<hbm>> -> memref<1x160x128xi32, #tpu.memory_space<hbm>>
        %dma_start3A_66 = tpu.memref_squeeze %dma_start3A_65 : memref<1x160x128xi32, #tpu.memory_space<hbm>> -> memref<160x128xi32, #tpu.memory_space<hbm>>
        %dma_start3A_67 = arith.constant 0 : i32
        %dma_start3A_68 = arith.constant 0 : i32
        %dma_start3A_69 = tpu.memref_slice %arg3[%arg1, %dma_start3A_67, %dma_start3A_68] : memref<16x160x128xi32, #tpu.memory_space<hbm>> -> memref<1x160x128xi32, #tpu.memory_space<hbm>>
        %dma_start3A_70 = tpu.memref_squeeze %dma_start3A_69 : memref<1x160x128xi32, #tpu.memory_space<hbm>> -> memref<160x128xi32, #tpu.memory_space<hbm>>
        tpu.enqueue_dma source(%dma_start3A_70 : memref<160x128xi32, #tpu.memory_space<hbm>>) target(%arg8 : memref<160x128xi32, #tpu.memory_space<vmem>>) target_semaphore(%run_scoped3A : memref<!tpu.dma_semaphore, #tpu.memory_space<semaphore_mem>>)
        %dma_wait3A_71 = arith.constant 0 : i32
        %dma_wait3A_72 = arith.constant 0 : i32
        %dma_wait3A_73 = tpu.memref_slice %arg3[%arg1, %dma_wait3A_71, %dma_wait3A_72] : memref<16x160x128xi32, #tpu.memory_space<hbm>> -> memref<1x160x128xi32, #tpu.memory_space<hbm>>
        %dma_wait3A_74 = tpu.memref_squeeze %dma_wait3A_73 : memref<1x160x128xi32, #tpu.memory_space<hbm>> -> memref<160x128xi32, #tpu.memory_space<hbm>>
        %dma_wait3A_75 = arith.constant 0 : i32
        %dma_wait3A_76 = arith.constant 0 : i32
        %dma_wait3A_77 = tpu.memref_slice %arg3[%arg1, %dma_wait3A_75, %dma_wait3A_76] : memref<16x160x128xi32, #tpu.memory_space<hbm>> -> memref<1x160x128xi32, #tpu.memory_space<hbm>>
        %dma_wait3A_78 = tpu.memref_squeeze %dma_wait3A_77 : memref<1x160x128xi32, #tpu.memory_space<hbm>> -> memref<160x128xi32, #tpu.memory_space<hbm>>
        tpu.wait_dma2 semaphore(%run_scoped3A : memref<!tpu.dma_semaphore, #tpu.memory_space<semaphore_mem>>) src(%dma_wait3A_78 : memref<160x128xi32, #tpu.memory_space<hbm>>) dst(%arg8 : memref<160x128xi32, #tpu.memory_space<vmem>>)
        tpu.yield
      }) : () -> ()
    } else {
    }
    %eq3A_2 = arith.constant 1 : i32
    %eq3A_3 = arith.cmpi eq, %arg0, %eq3A_2 : i32
    %convert_element_type3A_4 = arith.extui %eq3A_3 : i1 to i32
    %cond3A_5 = arith.constant 0 : i32
    %cond3A_6 = arith.cmpi ne, %convert_element_type3A_4, %cond3A_5 : i32
    scf.if %cond3A_6 {
      "tpu.region"() ({
        %run_scoped3A = tpu.sem_alloc : memref<!tpu.dma_semaphore, #tpu.memory_space<semaphore_mem>>
        %dma_start3A_63 = arith.constant 0 : i32
        %dma_start3A_64 = arith.constant 0 : i32
        %dma_start3A_65 = tpu.memref_slice %arg4[%arg1, %dma_start3A_63, %dma_start3A_64] : memref<16x160x128xi32, #tpu.memory_space<hbm>> -> memref<1x160x128xi32, #tpu.memory_space<hbm>>
        %dma_start3A_66 = tpu.memref_squeeze %dma_start3A_65 : memref<1x160x128xi32, #tpu.memory_space<hbm>> -> memref<160x128xi32, #tpu.memory_space<hbm>>
        %dma_start3A_67 = arith.constant 0 : i32
        %dma_start3A_68 = arith.constant 0 : i32
        %dma_start3A_69 = tpu.memref_slice %arg4[%arg1, %dma_start3A_67, %dma_start3A_68] : memref<16x160x128xi32, #tpu.memory_space<hbm>> -> memref<1x160x128xi32, #tpu.memory_space<hbm>>
        %dma_start3A_70 = tpu.memref_squeeze %dma_start3A_69 : memref<1x160x128xi32, #tpu.memory_space<hbm>> -> memref<160x128xi32, #tpu.memory_space<hbm>>
        tpu.enqueue_dma source(%dma_start3A_70 : memref<160x128xi32, #tpu.memory_space<hbm>>) target(%arg8 : memref<160x128xi32, #tpu.memory_space<vmem>>) target_semaphore(%run_scoped3A : memref<!tpu.dma_semaphore, #tpu.memory_space<semaphore_mem>>)
        %dma_wait3A_71 = arith.constant 0 : i32
        %dma_wait3A_72 = arith.constant 0 : i32
        %dma_wait3A_73 = tpu.memref_slice %arg4[%arg1, %dma_wait3A_71, %dma_wait3A_72] : memref<16x160x128xi32, #tpu.memory_space<hbm>> -> memref<1x160x128xi32, #tpu.memory_space<hbm>>
        %dma_wait3A_74 = tpu.memref_squeeze %dma_wait3A_73 : memref<1x160x128xi32, #tpu.memory_space<hbm>> -> memref<160x128xi32, #tpu.memory_space<hbm>>
        %dma_wait3A_75 = arith.constant 0 : i32
        %dma_wait3A_76 = arith.constant 0 : i32
        %dma_wait3A_77 = tpu.memref_slice %arg4[%arg1, %dma_wait3A_75, %dma_wait3A_76] : memref<16x160x128xi32, #tpu.memory_space<hbm>> -> memref<1x160x128xi32, #tpu.memory_space<hbm>>
        %dma_wait3A_78 = tpu.memref_squeeze %dma_wait3A_77 : memref<1x160x128xi32, #tpu.memory_space<hbm>> -> memref<160x128xi32, #tpu.memory_space<hbm>>
        tpu.wait_dma2 semaphore(%run_scoped3A : memref<!tpu.dma_semaphore, #tpu.memory_space<semaphore_mem>>) src(%dma_wait3A_78 : memref<160x128xi32, #tpu.memory_space<hbm>>) dst(%arg8 : memref<160x128xi32, #tpu.memory_space<vmem>>)
        tpu.yield
      }) : () -> ()
    } else {
    }
    "tpu.region"() ({
      %run_scoped3A = tpu.sem_alloc : memref<!tpu.dma_semaphore, #tpu.memory_space<semaphore_mem>>
      %dma_start3A_63 = arith.constant 0 : i32
      %dma_start3A_64 = arith.constant 0 : i32
      %dma_start3A_65 = tpu.memref_slice %arg5[%arg1, %dma_start3A_63, %dma_start3A_64] : memref<16x160x128xi32, #tpu.memory_space<hbm>> -> memref<1x160x128xi32, #tpu.memory_space<hbm>>
      %dma_start3A_66 = tpu.memref_squeeze %dma_start3A_65 : memref<1x160x128xi32, #tpu.memory_space<hbm>> -> memref<160x128xi32, #tpu.memory_space<hbm>>
      %dma_start3A_67 = arith.constant 0 : i32
      %dma_start3A_68 = arith.constant 0 : i32
      %dma_start3A_69 = tpu.memref_slice %arg5[%arg1, %dma_start3A_67, %dma_start3A_68] : memref<16x160x128xi32, #tpu.memory_space<hbm>> -> memref<1x160x128xi32, #tpu.memory_space<hbm>>
      %dma_start3A_70 = tpu.memref_squeeze %dma_start3A_69 : memref<1x160x128xi32, #tpu.memory_space<hbm>> -> memref<160x128xi32, #tpu.memory_space<hbm>>
      tpu.enqueue_dma source(%dma_start3A_70 : memref<160x128xi32, #tpu.memory_space<hbm>>) target(%arg9 : memref<160x128xi32, #tpu.memory_space<vmem>>) target_semaphore(%run_scoped3A : memref<!tpu.dma_semaphore, #tpu.memory_space<semaphore_mem>>)
      %dma_wait3A_71 = arith.constant 0 : i32
      %dma_wait3A_72 = arith.constant 0 : i32
      %dma_wait3A_73 = tpu.memref_slice %arg5[%arg1, %dma_wait3A_71, %dma_wait3A_72] : memref<16x160x128xi32, #tpu.memory_space<hbm>> -> memref<1x160x128xi32, #tpu.memory_space<hbm>>
      %dma_wait3A_74 = tpu.memref_squeeze %dma_wait3A_73 : memref<1x160x128xi32, #tpu.memory_space<hbm>> -> memref<160x128xi32, #tpu.memory_space<hbm>>
      %dma_wait3A_75 = arith.constant 0 : i32
      %dma_wait3A_76 = arith.constant 0 : i32
      %dma_wait3A_77 = tpu.memref_slice %arg5[%arg1, %dma_wait3A_75, %dma_wait3A_76] : memref<16x160x128xi32, #tpu.memory_space<hbm>> -> memref<1x160x128xi32, #tpu.memory_space<hbm>>
      %dma_wait3A_78 = tpu.memref_squeeze %dma_wait3A_77 : memref<1x160x128xi32, #tpu.memory_space<hbm>> -> memref<160x128xi32, #tpu.memory_space<hbm>>
      tpu.wait_dma2 semaphore(%run_scoped3A : memref<!tpu.dma_semaphore, #tpu.memory_space<semaphore_mem>>) src(%dma_wait3A_78 : memref<160x128xi32, #tpu.memory_space<hbm>>) dst(%arg9 : memref<160x128xi32, #tpu.memory_space<vmem>>)
      tpu.yield
    }) : () -> ()
    %dma_start3A = arith.constant 0 : i32
    %dma_start3A_7 = arith.constant 0 : i32
    %dma_start3A_8 = tpu.memref_slice %arg8[%dma_start3A, %dma_start3A_7] : memref<160x128xi32, #tpu.memory_space<vmem>> -> memref<1x128xi32, #tpu.memory_space<vmem>>
    %dma_start3A_9 = tpu.memref_squeeze %dma_start3A_8 : memref<1x128xi32, #tpu.memory_space<vmem>> -> memref<128xi32, #tpu.memory_space<vmem>>
    %dma_start3A_10 = arith.constant 0 : i32
    %dma_start3A_11 = arith.constant 0 : i32
    %dma_start3A_12 = tpu.memref_slice %arg2[%dma_start3A_10, %dma_start3A_11] : memref<20000x64xf32, #tpu.memory_space<hbm>> -> memref<20000x64xf32, #tpu.memory_space<hbm>>
    tpu.enqueue_indirect_dma source(%dma_start3A_12 : memref<20000x64xf32, #tpu.memory_space<hbm>>) target(%arg10 : memref<128x64xf32, #tpu.memory_space<vmem>>) offsets(%dma_start3A_9 : memref<128xi32, #tpu.memory_space<vmem>>) semaphore(%arg16 : memref<!tpu.dma_semaphore, #tpu.memory_space<semaphore_mem>>)
    %dma_start3A_13 = arith.constant 1 : i32
    %dma_start3A_14 = arith.constant 0 : i32
    %dma_start3A_15 = tpu.memref_slice %arg8[%dma_start3A_13, %dma_start3A_14] : memref<160x128xi32, #tpu.memory_space<vmem>> -> memref<1x128xi32, #tpu.memory_space<vmem>>
    %dma_start3A_16 = tpu.memref_squeeze %dma_start3A_15 : memref<1x128xi32, #tpu.memory_space<vmem>> -> memref<128xi32, #tpu.memory_space<vmem>>
    %dma_start3A_17 = arith.constant 0 : i32
    %dma_start3A_18 = arith.constant 0 : i32
    %dma_start3A_19 = tpu.memref_slice %arg2[%dma_start3A_17, %dma_start3A_18] : memref<20000x64xf32, #tpu.memory_space<hbm>> -> memref<20000x64xf32, #tpu.memory_space<hbm>>
    tpu.enqueue_indirect_dma source(%dma_start3A_19 : memref<20000x64xf32, #tpu.memory_space<hbm>>) target(%arg11 : memref<128x64xf32, #tpu.memory_space<vmem>>) offsets(%dma_start3A_16 : memref<128xi32, #tpu.memory_space<vmem>>) semaphore(%arg16 : memref<!tpu.dma_semaphore, #tpu.memory_space<semaphore_mem>>)
    %dma_start3A_20 = arith.constant 2 : i32
    %dma_start3A_21 = arith.constant 0 : i32
    %dma_start3A_22 = tpu.memref_slice %arg8[%dma_start3A_20, %dma_start3A_21] : memref<160x128xi32, #tpu.memory_space<vmem>> -> memref<1x128xi32, #tpu.memory_space<vmem>>
    %dma_start3A_23 = tpu.memref_squeeze %dma_start3A_22 : memref<1x128xi32, #tpu.memory_space<vmem>> -> memref<128xi32, #tpu.memory_space<vmem>>
    %dma_start3A_24 = arith.constant 0 : i32
    %dma_start3A_25 = arith.constant 0 : i32
    %dma_start3A_26 = tpu.memref_slice %arg2[%dma_start3A_24, %dma_start3A_25] : memref<20000x64xf32, #tpu.memory_space<hbm>> -> memref<20000x64xf32, #tpu.memory_space<hbm>>
    tpu.enqueue_indirect_dma source(%dma_start3A_26 : memref<20000x64xf32, #tpu.memory_space<hbm>>) target(%arg12 : memref<128x64xf32, #tpu.memory_space<vmem>>) offsets(%dma_start3A_23 : memref<128xi32, #tpu.memory_space<vmem>>) semaphore(%arg16 : memref<!tpu.dma_semaphore, #tpu.memory_space<semaphore_mem>>)
    %dma_start3A_27 = arith.constant 3 : i32
    %dma_start3A_28 = arith.constant 0 : i32
    %dma_start3A_29 = tpu.memref_slice %arg8[%dma_start3A_27, %dma_start3A_28] : memref<160x128xi32, #tpu.memory_space<vmem>> -> memref<1x128xi32, #tpu.memory_space<vmem>>
    %dma_start3A_30 = tpu.memref_squeeze %dma_start3A_29 : memref<1x128xi32, #tpu.memory_space<vmem>> -> memref<128xi32, #tpu.memory_space<vmem>>
    %dma_start3A_31 = arith.constant 0 : i32
    %dma_start3A_32 = arith.constant 0 : i32
    %dma_start3A_33 = tpu.memref_slice %arg2[%dma_start3A_31, %dma_start3A_32] : memref<20000x64xf32, #tpu.memory_space<hbm>> -> memref<20000x64xf32, #tpu.memory_space<hbm>>
    tpu.enqueue_indirect_dma source(%dma_start3A_33 : memref<20000x64xf32, #tpu.memory_space<hbm>>) target(%arg13 : memref<128x64xf32, #tpu.memory_space<vmem>>) offsets(%dma_start3A_30 : memref<128xi32, #tpu.memory_space<vmem>>) semaphore(%arg16 : memref<!tpu.dma_semaphore, #tpu.memory_space<semaphore_mem>>)
    %dma_start3A_34 = arith.constant 4 : i32
    %dma_start3A_35 = arith.constant 0 : i32
    %dma_start3A_36 = tpu.memref_slice %arg8[%dma_start3A_34, %dma_start3A_35] : memref<160x128xi32, #tpu.memory_space<vmem>> -> memref<1x128xi32, #tpu.memory_space<vmem>>
    %dma_start3A_37 = tpu.memref_squeeze %dma_start3A_36 : memref<1x128xi32, #tpu.memory_space<vmem>> -> memref<128xi32, #tpu.memory_space<vmem>>
    %dma_start3A_38 = arith.constant 0 : i32
    %dma_start3A_39 = arith.constant 0 : i32
    %dma_start3A_40 = tpu.memref_slice %arg2[%dma_start3A_38, %dma_start3A_39] : memref<20000x64xf32, #tpu.memory_space<hbm>> -> memref<20000x64xf32, #tpu.memory_space<hbm>>
    tpu.enqueue_indirect_dma source(%dma_start3A_40 : memref<20000x64xf32, #tpu.memory_space<hbm>>) target(%arg14 : memref<128x64xf32, #tpu.memory_space<vmem>>) offsets(%dma_start3A_37 : memref<128xi32, #tpu.memory_space<vmem>>) semaphore(%arg16 : memref<!tpu.dma_semaphore, #tpu.memory_space<semaphore_mem>>)
    %mul3A = arith.constant 640 : i32
    %mul3A_41 = arith.muli %arg1, %mul3A : i32
    %multiple_of3A = tpu.assume_multiple %mul3A_41, 8 : i32
    %dma_start3A_42 = arith.constant 0 : i32
    %dma_start3A_43 = tpu.memref_slice %arg15[%multiple_of3A, %dma_start3A_42] : memref<10240x64xf32, #tpu.memory_space<vmem_shared>> -> memref<640x64xf32, #tpu.memory_space<vmem_shared>>
    tpu.enqueue_dma source(%arg6 : memref<640x64xf32, #tpu.memory_space<hbm>>) target(%dma_start3A_43 : memref<640x64xf32, #tpu.memory_space<vmem_shared>>) target_semaphore(%arg17 : memref<!tpu.dma_semaphore, #tpu.memory_space<semaphore_mem>>)
    %mul3A_44 = arith.constant 640 : i32
    %mul3A_45 = arith.muli %arg1, %mul3A_44 : i32
    %multiple_of3A_46 = tpu.assume_multiple %mul3A_45, 8 : i32
    %dma_wait3A = arith.constant 0 : i32
    %dma_wait3A_47 = tpu.memref_slice %arg15[%multiple_of3A_46, %dma_wait3A] : memref<10240x64xf32, #tpu.memory_space<vmem_shared>> -> memref<640x64xf32, #tpu.memory_space<vmem_shared>>
    tpu.wait_dma2 semaphore(%arg17 : memref<!tpu.dma_semaphore, #tpu.memory_space<semaphore_mem>>) src(%arg6 : memref<640x64xf32, #tpu.memory_space<hbm>>) dst(%dma_wait3A_47 : memref<640x64xf32, #tpu.memory_space<vmem_shared>>)
    %barrier3A = arith.constant 0 : index
    tpu.barrier barrier_id(%barrier3A)
    %scan3A = arith.constant 0 : i32
    %scan3A_48 = arith.constant 0 : i32
    %scan3A_49 = arith.constant 32 : i32
    %scan3A_50 = arith.addi %scan3A_48, %scan3A_49 : i32
    %scan3A_51 = arith.constant 1 : i32
    scf.for %scan3A_63 = %scan3A_48 to %scan3A_50 step %scan3A_51  : i32 {
      %mul3A_64 = arith.constant 5 : i32
      %mul3A_65 = arith.muli %scan3A_63, %mul3A_64 : i32
      %add3A = arith.constant 0 : i32
      %add3A_66 = arith.addi %mul3A_65, %add3A : i32
      %dma_wait3A_67 = arith.constant 0 : i32
      %dma_wait3A_68 = tpu.memref_slice %arg8[%add3A_66, %dma_wait3A_67] : memref<160x128xi32, #tpu.memory_space<vmem>> -> memref<1x128xi32, #tpu.memory_space<vmem>>
      %dma_wait3A_69 = tpu.memref_squeeze %dma_wait3A_68 : memref<1x128xi32, #tpu.memory_space<vmem>> -> memref<128xi32, #tpu.memory_space<vmem>>
      %dma_wait3A_70 = arith.constant 0 : i32
      %dma_wait3A_71 = arith.constant 0 : i32
      %dma_wait3A_72 = tpu.memref_slice %arg2[%dma_wait3A_70, %dma_wait3A_71] : memref<20000x64xf32, #tpu.memory_space<hbm>> -> memref<20000x64xf32, #tpu.memory_space<hbm>>
      tpu.wait_indirect_dma semaphore(%arg16 : memref<!tpu.dma_semaphore, #tpu.memory_space<semaphore_mem>>) src(%dma_wait3A_72 : memref<20000x64xf32, #tpu.memory_space<hbm>>) dst(%arg10 : memref<128x64xf32, #tpu.memory_space<vmem>>)
      "tpu.region"() ({
        %run_scoped3A = tpu.sem_alloc : memref<!tpu.dma_semaphore, #tpu.memory_space<semaphore_mem>>
        %dma_start3A_148 = arith.constant 0 : i32
        %dma_start3A_149 = tpu.memref_slice %arg9[%add3A_66, %dma_start3A_148] : memref<160x128xi32, #tpu.memory_space<vmem>> -> memref<1x128xi32, #tpu.memory_space<vmem>>
        %dma_start3A_150 = tpu.memref_squeeze %dma_start3A_149 : memref<1x128xi32, #tpu.memory_space<vmem>> -> memref<128xi32, #tpu.memory_space<vmem>>
        %dma_start3A_151 = arith.constant 0 : i32
        %dma_start3A_152 = arith.constant 0 : i32
        %dma_start3A_153 = tpu.memref_slice %arg15[%dma_start3A_151, %dma_start3A_152] : memref<10240x64xf32, #tpu.memory_space<vmem_shared>> -> memref<10240x64xf32, #tpu.memory_space<vmem_shared>>
        tpu.enqueue_indirect_dma source(%arg10 : memref<128x64xf32, #tpu.memory_space<vmem>>) target(%dma_start3A_153 : memref<10240x64xf32, #tpu.memory_space<vmem_shared>>) offsets(%dma_start3A_150 : memref<128xi32, #tpu.memory_space<vmem>>) semaphore(%run_scoped3A : memref<!tpu.dma_semaphore, #tpu.memory_space<semaphore_mem>>) {add = true}
        %dma_wait3A_154 = arith.constant 0 : i32
        %dma_wait3A_155 = tpu.memref_slice %arg9[%add3A_66, %dma_wait3A_154] : memref<160x128xi32, #tpu.memory_space<vmem>> -> memref<1x128xi32, #tpu.memory_space<vmem>>
        %dma_wait3A_156 = tpu.memref_squeeze %dma_wait3A_155 : memref<1x128xi32, #tpu.memory_space<vmem>> -> memref<128xi32, #tpu.memory_space<vmem>>
        %dma_wait3A_157 = arith.constant 0 : i32
        %dma_wait3A_158 = arith.constant 0 : i32
        %dma_wait3A_159 = tpu.memref_slice %arg15[%dma_wait3A_157, %dma_wait3A_158] : memref<10240x64xf32, #tpu.memory_space<vmem_shared>> -> memref<10240x64xf32, #tpu.memory_space<vmem_shared>>
        tpu.wait_indirect_dma semaphore(%run_scoped3A : memref<!tpu.dma_semaphore, #tpu.memory_space<semaphore_mem>>) src(%arg10 : memref<128x64xf32, #tpu.memory_space<vmem>>) dst(%dma_wait3A_159 : memref<10240x64xf32, #tpu.memory_space<vmem_shared>>)
        tpu.yield
      }) : () -> ()
      %add3A_73 = arith.constant 5 : i32
      %add3A_74 = arith.addi %add3A_66, %add3A_73 : i32
      %lt3A_75 = arith.constant 160 : i32
      %lt3A_76 = arith.cmpi slt, %add3A_74, %lt3A_75 : i32
      %convert_element_type3A_77 = arith.extui %lt3A_76 : i1 to i32
      %cond3A_78 = arith.constant 0 : i32
      %cond3A_79 = arith.cmpi ne, %convert_element_type3A_77, %cond3A_78 : i32
      scf.if %cond3A_79 {
        %add3A_148 = arith.constant 5 : i32
        %add3A_149 = arith.addi %add3A_66, %add3A_148 : i32
        %dma_start3A_150 = arith.constant 0 : i32
        %dma_start3A_151 = tpu.memref_slice %arg8[%add3A_149, %dma_start3A_150] : memref<160x128xi32, #tpu.memory_space<vmem>> -> memref<1x128xi32, #tpu.memory_space<vmem>>
        %dma_start3A_152 = tpu.memref_squeeze %dma_start3A_151 : memref<1x128xi32, #tpu.memory_space<vmem>> -> memref<128xi32, #tpu.memory_space<vmem>>
        %dma_start3A_153 = arith.constant 0 : i32
        %dma_start3A_154 = arith.constant 0 : i32
        %dma_start3A_155 = tpu.memref_slice %arg2[%dma_start3A_153, %dma_start3A_154] : memref<20000x64xf32, #tpu.memory_space<hbm>> -> memref<20000x64xf32, #tpu.memory_space<hbm>>
        tpu.enqueue_indirect_dma source(%dma_start3A_155 : memref<20000x64xf32, #tpu.memory_space<hbm>>) target(%arg10 : memref<128x64xf32, #tpu.memory_space<vmem>>) offsets(%dma_start3A_152 : memref<128xi32, #tpu.memory_space<vmem>>) semaphore(%arg16 : memref<!tpu.dma_semaphore, #tpu.memory_space<semaphore_mem>>)
      } else {
      }
      %mul3A_80 = arith.constant 5 : i32
      %mul3A_81 = arith.muli %scan3A_63, %mul3A_80 : i32
      %add3A_82 = arith.constant 1 : i32
      %add3A_83 = arith.addi %mul3A_81, %add3A_82 : i32
      %dma_wait3A_84 = arith.constant 0 : i32
      %dma_wait3A_85 = tpu.memref_slice %arg8[%add3A_83, %dma_wait3A_84] : memref<160x128xi32, #tpu.memory_space<vmem>> -> memref<1x128xi32, #tpu.memory_space<vmem>>
      %dma_wait3A_86 = tpu.memref_squeeze %dma_wait3A_85 : memref<1x128xi32, #tpu.memory_space<vmem>> -> memref<128xi32, #tpu.memory_space<vmem>>
      %dma_wait3A_87 = arith.constant 0 : i32
      %dma_wait3A_88 = arith.constant 0 : i32
      %dma_wait3A_89 = tpu.memref_slice %arg2[%dma_wait3A_87, %dma_wait3A_88] : memref<20000x64xf32, #tpu.memory_space<hbm>> -> memref<20000x64xf32, #tpu.memory_space<hbm>>
      tpu.wait_indirect_dma semaphore(%arg16 : memref<!tpu.dma_semaphore, #tpu.memory_space<semaphore_mem>>) src(%dma_wait3A_89 : memref<20000x64xf32, #tpu.memory_space<hbm>>) dst(%arg11 : memref<128x64xf32, #tpu.memory_space<vmem>>)
      "tpu.region"() ({
        %run_scoped3A = tpu.sem_alloc : memref<!tpu.dma_semaphore, #tpu.memory_space<semaphore_mem>>
        %dma_start3A_148 = arith.constant 0 : i32
        %dma_start3A_149 = tpu.memref_slice %arg9[%add3A_83, %dma_start3A_148] : memref<160x128xi32, #tpu.memory_space<vmem>> -> memref<1x128xi32, #tpu.memory_space<vmem>>
        %dma_start3A_150 = tpu.memref_squeeze %dma_start3A_149 : memref<1x128xi32, #tpu.memory_space<vmem>> -> memref<128xi32, #tpu.memory_space<vmem>>
        %dma_start3A_151 = arith.constant 0 : i32
        %dma_start3A_152 = arith.constant 0 : i32
        %dma_start3A_153 = tpu.memref_slice %arg15[%dma_start3A_151, %dma_start3A_152] : memref<10240x64xf32, #tpu.memory_space<vmem_shared>> -> memref<10240x64xf32, #tpu.memory_space<vmem_shared>>
        tpu.enqueue_indirect_dma source(%arg11 : memref<128x64xf32, #tpu.memory_space<vmem>>) target(%dma_start3A_153 : memref<10240x64xf32, #tpu.memory_space<vmem_shared>>) offsets(%dma_start3A_150 : memref<128xi32, #tpu.memory_space<vmem>>) semaphore(%run_scoped3A : memref<!tpu.dma_semaphore, #tpu.memory_space<semaphore_mem>>) {add = true}
        %dma_wait3A_154 = arith.constant 0 : i32
        %dma_wait3A_155 = tpu.memref_slice %arg9[%add3A_83, %dma_wait3A_154] : memref<160x128xi32, #tpu.memory_space<vmem>> -> memref<1x128xi32, #tpu.memory_space<vmem>>
        %dma_wait3A_156 = tpu.memref_squeeze %dma_wait3A_155 : memref<1x128xi32, #tpu.memory_space<vmem>> -> memref<128xi32, #tpu.memory_space<vmem>>
        %dma_wait3A_157 = arith.constant 0 : i32
        %dma_wait3A_158 = arith.constant 0 : i32
        %dma_wait3A_159 = tpu.memref_slice %arg15[%dma_wait3A_157, %dma_wait3A_158] : memref<10240x64xf32, #tpu.memory_space<vmem_shared>> -> memref<10240x64xf32, #tpu.memory_space<vmem_shared>>
        tpu.wait_indirect_dma semaphore(%run_scoped3A : memref<!tpu.dma_semaphore, #tpu.memory_space<semaphore_mem>>) src(%arg11 : memref<128x64xf32, #tpu.memory_space<vmem>>) dst(%dma_wait3A_159 : memref<10240x64xf32, #tpu.memory_space<vmem_shared>>)
        tpu.yield
      }) : () -> ()
      %add3A_90 = arith.constant 5 : i32
      %add3A_91 = arith.addi %add3A_83, %add3A_90 : i32
      %lt3A_92 = arith.constant 160 : i32
      %lt3A_93 = arith.cmpi slt, %add3A_91, %lt3A_92 : i32
      %convert_element_type3A_94 = arith.extui %lt3A_93 : i1 to i32
      %cond3A_95 = arith.constant 0 : i32
      %cond3A_96 = arith.cmpi ne, %convert_element_type3A_94, %cond3A_95 : i32
      scf.if %cond3A_96 {
        %add3A_148 = arith.constant 5 : i32
        %add3A_149 = arith.addi %add3A_83, %add3A_148 : i32
        %dma_start3A_150 = arith.constant 0 : i32
        %dma_start3A_151 = tpu.memref_slice %arg8[%add3A_149, %dma_start3A_150] : memref<160x128xi32, #tpu.memory_space<vmem>> -> memref<1x128xi32, #tpu.memory_space<vmem>>
        %dma_start3A_152 = tpu.memref_squeeze %dma_start3A_151 : memref<1x128xi32, #tpu.memory_space<vmem>> -> memref<128xi32, #tpu.memory_space<vmem>>
        %dma_start3A_153 = arith.constant 0 : i32
        %dma_start3A_154 = arith.constant 0 : i32
        %dma_start3A_155 = tpu.memref_slice %arg2[%dma_start3A_153, %dma_start3A_154] : memref<20000x64xf32, #tpu.memory_space<hbm>> -> memref<20000x64xf32, #tpu.memory_space<hbm>>
        tpu.enqueue_indirect_dma source(%dma_start3A_155 : memref<20000x64xf32, #tpu.memory_space<hbm>>) target(%arg11 : memref<128x64xf32, #tpu.memory_space<vmem>>) offsets(%dma_start3A_152 : memref<128xi32, #tpu.memory_space<vmem>>) semaphore(%arg16 : memref<!tpu.dma_semaphore, #tpu.memory_space<semaphore_mem>>)
      } else {
      }
      %mul3A_97 = arith.constant 5 : i32
      %mul3A_98 = arith.muli %scan3A_63, %mul3A_97 : i32
      %add3A_99 = arith.constant 2 : i32
      %add3A_100 = arith.addi %mul3A_98, %add3A_99 : i32
      %dma_wait3A_101 = arith.constant 0 : i32
      %dma_wait3A_102 = tpu.memref_slice %arg8[%add3A_100, %dma_wait3A_101] : memref<160x128xi32, #tpu.memory_space<vmem>> -> memref<1x128xi32, #tpu.memory_space<vmem>>
      %dma_wait3A_103 = tpu.memref_squeeze %dma_wait3A_102 : memref<1x128xi32, #tpu.memory_space<vmem>> -> memref<128xi32, #tpu.memory_space<vmem>>
      %dma_wait3A_104 = arith.constant 0 : i32
      %dma_wait3A_105 = arith.constant 0 : i32
      %dma_wait3A_106 = tpu.memref_slice %arg2[%dma_wait3A_104, %dma_wait3A_105] : memref<20000x64xf32, #tpu.memory_space<hbm>> -> memref<20000x64xf32, #tpu.memory_space<hbm>>
      tpu.wait_indirect_dma semaphore(%arg16 : memref<!tpu.dma_semaphore, #tpu.memory_space<semaphore_mem>>) src(%dma_wait3A_106 : memref<20000x64xf32, #tpu.memory_space<hbm>>) dst(%arg12 : memref<128x64xf32, #tpu.memory_space<vmem>>)
      "tpu.region"() ({
        %run_scoped3A = tpu.sem_alloc : memref<!tpu.dma_semaphore, #tpu.memory_space<semaphore_mem>>
        %dma_start3A_148 = arith.constant 0 : i32
        %dma_start3A_149 = tpu.memref_slice %arg9[%add3A_100, %dma_start3A_148] : memref<160x128xi32, #tpu.memory_space<vmem>> -> memref<1x128xi32, #tpu.memory_space<vmem>>
        %dma_start3A_150 = tpu.memref_squeeze %dma_start3A_149 : memref<1x128xi32, #tpu.memory_space<vmem>> -> memref<128xi32, #tpu.memory_space<vmem>>
        %dma_start3A_151 = arith.constant 0 : i32
        %dma_start3A_152 = arith.constant 0 : i32
        %dma_start3A_153 = tpu.memref_slice %arg15[%dma_start3A_151, %dma_start3A_152] : memref<10240x64xf32, #tpu.memory_space<vmem_shared>> -> memref<10240x64xf32, #tpu.memory_space<vmem_shared>>
        tpu.enqueue_indirect_dma source(%arg12 : memref<128x64xf32, #tpu.memory_space<vmem>>) target(%dma_start3A_153 : memref<10240x64xf32, #tpu.memory_space<vmem_shared>>) offsets(%dma_start3A_150 : memref<128xi32, #tpu.memory_space<vmem>>) semaphore(%run_scoped3A : memref<!tpu.dma_semaphore, #tpu.memory_space<semaphore_mem>>) {add = true}
        %dma_wait3A_154 = arith.constant 0 : i32
        %dma_wait3A_155 = tpu.memref_slice %arg9[%add3A_100, %dma_wait3A_154] : memref<160x128xi32, #tpu.memory_space<vmem>> -> memref<1x128xi32, #tpu.memory_space<vmem>>
        %dma_wait3A_156 = tpu.memref_squeeze %dma_wait3A_155 : memref<1x128xi32, #tpu.memory_space<vmem>> -> memref<128xi32, #tpu.memory_space<vmem>>
        %dma_wait3A_157 = arith.constant 0 : i32
        %dma_wait3A_158 = arith.constant 0 : i32
        %dma_wait3A_159 = tpu.memref_slice %arg15[%dma_wait3A_157, %dma_wait3A_158] : memref<10240x64xf32, #tpu.memory_space<vmem_shared>> -> memref<10240x64xf32, #tpu.memory_space<vmem_shared>>
        tpu.wait_indirect_dma semaphore(%run_scoped3A : memref<!tpu.dma_semaphore, #tpu.memory_space<semaphore_mem>>) src(%arg12 : memref<128x64xf32, #tpu.memory_space<vmem>>) dst(%dma_wait3A_159 : memref<10240x64xf32, #tpu.memory_space<vmem_shared>>)
        tpu.yield
      }) : () -> ()
      %add3A_107 = arith.constant 5 : i32
      %add3A_108 = arith.addi %add3A_100, %add3A_107 : i32
      %lt3A_109 = arith.constant 160 : i32
      %lt3A_110 = arith.cmpi slt, %add3A_108, %lt3A_109 : i32
      %convert_element_type3A_111 = arith.extui %lt3A_110 : i1 to i32
      %cond3A_112 = arith.constant 0 : i32
      %cond3A_113 = arith.cmpi ne, %convert_element_type3A_111, %cond3A_112 : i32
      scf.if %cond3A_113 {
        %add3A_148 = arith.constant 5 : i32
        %add3A_149 = arith.addi %add3A_100, %add3A_148 : i32
        %dma_start3A_150 = arith.constant 0 : i32
        %dma_start3A_151 = tpu.memref_slice %arg8[%add3A_149, %dma_start3A_150] : memref<160x128xi32, #tpu.memory_space<vmem>> -> memref<1x128xi32, #tpu.memory_space<vmem>>
        %dma_start3A_152 = tpu.memref_squeeze %dma_start3A_151 : memref<1x128xi32, #tpu.memory_space<vmem>> -> memref<128xi32, #tpu.memory_space<vmem>>
        %dma_start3A_153 = arith.constant 0 : i32
        %dma_start3A_154 = arith.constant 0 : i32
        %dma_start3A_155 = tpu.memref_slice %arg2[%dma_start3A_153, %dma_start3A_154] : memref<20000x64xf32, #tpu.memory_space<hbm>> -> memref<20000x64xf32, #tpu.memory_space<hbm>>
        tpu.enqueue_indirect_dma source(%dma_start3A_155 : memref<20000x64xf32, #tpu.memory_space<hbm>>) target(%arg12 : memref<128x64xf32, #tpu.memory_space<vmem>>) offsets(%dma_start3A_152 : memref<128xi32, #tpu.memory_space<vmem>>) semaphore(%arg16 : memref<!tpu.dma_semaphore, #tpu.memory_space<semaphore_mem>>)
      } else {
      }
      %mul3A_114 = arith.constant 5 : i32
      %mul3A_115 = arith.muli %scan3A_63, %mul3A_114 : i32
      %add3A_116 = arith.constant 3 : i32
      %add3A_117 = arith.addi %mul3A_115, %add3A_116 : i32
      %dma_wait3A_118 = arith.constant 0 : i32
      %dma_wait3A_119 = tpu.memref_slice %arg8[%add3A_117, %dma_wait3A_118] : memref<160x128xi32, #tpu.memory_space<vmem>> -> memref<1x128xi32, #tpu.memory_space<vmem>>
      %dma_wait3A_120 = tpu.memref_squeeze %dma_wait3A_119 : memref<1x128xi32, #tpu.memory_space<vmem>> -> memref<128xi32, #tpu.memory_space<vmem>>
      %dma_wait3A_121 = arith.constant 0 : i32
      %dma_wait3A_122 = arith.constant 0 : i32
      %dma_wait3A_123 = tpu.memref_slice %arg2[%dma_wait3A_121, %dma_wait3A_122] : memref<20000x64xf32, #tpu.memory_space<hbm>> -> memref<20000x64xf32, #tpu.memory_space<hbm>>
      tpu.wait_indirect_dma semaphore(%arg16 : memref<!tpu.dma_semaphore, #tpu.memory_space<semaphore_mem>>) src(%dma_wait3A_123 : memref<20000x64xf32, #tpu.memory_space<hbm>>) dst(%arg13 : memref<128x64xf32, #tpu.memory_space<vmem>>)
      "tpu.region"() ({
        %run_scoped3A = tpu.sem_alloc : memref<!tpu.dma_semaphore, #tpu.memory_space<semaphore_mem>>
        %dma_start3A_148 = arith.constant 0 : i32
        %dma_start3A_149 = tpu.memref_slice %arg9[%add3A_117, %dma_start3A_148] : memref<160x128xi32, #tpu.memory_space<vmem>> -> memref<1x128xi32, #tpu.memory_space<vmem>>
        %dma_start3A_150 = tpu.memref_squeeze %dma_start3A_149 : memref<1x128xi32, #tpu.memory_space<vmem>> -> memref<128xi32, #tpu.memory_space<vmem>>
        %dma_start3A_151 = arith.constant 0 : i32
        %dma_start3A_152 = arith.constant 0 : i32
        %dma_start3A_153 = tpu.memref_slice %arg15[%dma_start3A_151, %dma_start3A_152] : memref<10240x64xf32, #tpu.memory_space<vmem_shared>> -> memref<10240x64xf32, #tpu.memory_space<vmem_shared>>
        tpu.enqueue_indirect_dma source(%arg13 : memref<128x64xf32, #tpu.memory_space<vmem>>) target(%dma_start3A_153 : memref<10240x64xf32, #tpu.memory_space<vmem_shared>>) offsets(%dma_start3A_150 : memref<128xi32, #tpu.memory_space<vmem>>) semaphore(%run_scoped3A : memref<!tpu.dma_semaphore, #tpu.memory_space<semaphore_mem>>) {add = true}
        %dma_wait3A_154 = arith.constant 0 : i32
        %dma_wait3A_155 = tpu.memref_slice %arg9[%add3A_117, %dma_wait3A_154] : memref<160x128xi32, #tpu.memory_space<vmem>> -> memref<1x128xi32, #tpu.memory_space<vmem>>
        %dma_wait3A_156 = tpu.memref_squeeze %dma_wait3A_155 : memref<1x128xi32, #tpu.memory_space<vmem>> -> memref<128xi32, #tpu.memory_space<vmem>>
        %dma_wait3A_157 = arith.constant 0 : i32
        %dma_wait3A_158 = arith.constant 0 : i32
        %dma_wait3A_159 = tpu.memref_slice %arg15[%dma_wait3A_157, %dma_wait3A_158] : memref<10240x64xf32, #tpu.memory_space<vmem_shared>> -> memref<10240x64xf32, #tpu.memory_space<vmem_shared>>
        tpu.wait_indirect_dma semaphore(%run_scoped3A : memref<!tpu.dma_semaphore, #tpu.memory_space<semaphore_mem>>) src(%arg13 : memref<128x64xf32, #tpu.memory_space<vmem>>) dst(%dma_wait3A_159 : memref<10240x64xf32, #tpu.memory_space<vmem_shared>>)
        tpu.yield
      }) : () -> ()
      %add3A_124 = arith.constant 5 : i32
      %add3A_125 = arith.addi %add3A_117, %add3A_124 : i32
      %lt3A_126 = arith.constant 160 : i32
      %lt3A_127 = arith.cmpi slt, %add3A_125, %lt3A_126 : i32
      %convert_element_type3A_128 = arith.extui %lt3A_127 : i1 to i32
      %cond3A_129 = arith.constant 0 : i32
      %cond3A_130 = arith.cmpi ne, %convert_element_type3A_128, %cond3A_129 : i32
      scf.if %cond3A_130 {
        %add3A_148 = arith.constant 5 : i32
        %add3A_149 = arith.addi %add3A_117, %add3A_148 : i32
        %dma_start3A_150 = arith.constant 0 : i32
        %dma_start3A_151 = tpu.memref_slice %arg8[%add3A_149, %dma_start3A_150] : memref<160x128xi32, #tpu.memory_space<vmem>> -> memref<1x128xi32, #tpu.memory_space<vmem>>
        %dma_start3A_152 = tpu.memref_squeeze %dma_start3A_151 : memref<1x128xi32, #tpu.memory_space<vmem>> -> memref<128xi32, #tpu.memory_space<vmem>>
        %dma_start3A_153 = arith.constant 0 : i32
        %dma_start3A_154 = arith.constant 0 : i32
        %dma_start3A_155 = tpu.memref_slice %arg2[%dma_start3A_153, %dma_start3A_154] : memref<20000x64xf32, #tpu.memory_space<hbm>> -> memref<20000x64xf32, #tpu.memory_space<hbm>>
        tpu.enqueue_indirect_dma source(%dma_start3A_155 : memref<20000x64xf32, #tpu.memory_space<hbm>>) target(%arg13 : memref<128x64xf32, #tpu.memory_space<vmem>>) offsets(%dma_start3A_152 : memref<128xi32, #tpu.memory_space<vmem>>) semaphore(%arg16 : memref<!tpu.dma_semaphore, #tpu.memory_space<semaphore_mem>>)
      } else {
      }
      %mul3A_131 = arith.constant 5 : i32
      %mul3A_132 = arith.muli %scan3A_63, %mul3A_131 : i32
      %add3A_133 = arith.constant 4 : i32
      %add3A_134 = arith.addi %mul3A_132, %add3A_133 : i32
      %dma_wait3A_135 = arith.constant 0 : i32
      %dma_wait3A_136 = tpu.memref_slice %arg8[%add3A_134, %dma_wait3A_135] : memref<160x128xi32, #tpu.memory_space<vmem>> -> memref<1x128xi32, #tpu.memory_space<vmem>>
      %dma_wait3A_137 = tpu.memref_squeeze %dma_wait3A_136 : memref<1x128xi32, #tpu.memory_space<vmem>> -> memref<128xi32, #tpu.memory_space<vmem>>
      %dma_wait3A_138 = arith.constant 0 : i32
      %dma_wait3A_139 = arith.constant 0 : i32
      %dma_wait3A_140 = tpu.memref_slice %arg2[%dma_wait3A_138, %dma_wait3A_139] : memref<20000x64xf32, #tpu.memory_space<hbm>> -> memref<20000x64xf32, #tpu.memory_space<hbm>>
      tpu.wait_indirect_dma semaphore(%arg16 : memref<!tpu.dma_semaphore, #tpu.memory_space<semaphore_mem>>) src(%dma_wait3A_140 : memref<20000x64xf32, #tpu.memory_space<hbm>>) dst(%arg14 : memref<128x64xf32, #tpu.memory_space<vmem>>)
      "tpu.region"() ({
        %run_scoped3A = tpu.sem_alloc : memref<!tpu.dma_semaphore, #tpu.memory_space<semaphore_mem>>
        %dma_start3A_148 = arith.constant 0 : i32
        %dma_start3A_149 = tpu.memref_slice %arg9[%add3A_134, %dma_start3A_148] : memref<160x128xi32, #tpu.memory_space<vmem>> -> memref<1x128xi32, #tpu.memory_space<vmem>>
        %dma_start3A_150 = tpu.memref_squeeze %dma_start3A_149 : memref<1x128xi32, #tpu.memory_space<vmem>> -> memref<128xi32, #tpu.memory_space<vmem>>
        %dma_start3A_151 = arith.constant 0 : i32
        %dma_start3A_152 = arith.constant 0 : i32
        %dma_start3A_153 = tpu.memref_slice %arg15[%dma_start3A_151, %dma_start3A_152] : memref<10240x64xf32, #tpu.memory_space<vmem_shared>> -> memref<10240x64xf32, #tpu.memory_space<vmem_shared>>
        tpu.enqueue_indirect_dma source(%arg14 : memref<128x64xf32, #tpu.memory_space<vmem>>) target(%dma_start3A_153 : memref<10240x64xf32, #tpu.memory_space<vmem_shared>>) offsets(%dma_start3A_150 : memref<128xi32, #tpu.memory_space<vmem>>) semaphore(%run_scoped3A : memref<!tpu.dma_semaphore, #tpu.memory_space<semaphore_mem>>) {add = true}
        %dma_wait3A_154 = arith.constant 0 : i32
        %dma_wait3A_155 = tpu.memref_slice %arg9[%add3A_134, %dma_wait3A_154] : memref<160x128xi32, #tpu.memory_space<vmem>> -> memref<1x128xi32, #tpu.memory_space<vmem>>
        %dma_wait3A_156 = tpu.memref_squeeze %dma_wait3A_155 : memref<1x128xi32, #tpu.memory_space<vmem>> -> memref<128xi32, #tpu.memory_space<vmem>>
        %dma_wait3A_157 = arith.constant 0 : i32
        %dma_wait3A_158 = arith.constant 0 : i32
        %dma_wait3A_159 = tpu.memref_slice %arg15[%dma_wait3A_157, %dma_wait3A_158] : memref<10240x64xf32, #tpu.memory_space<vmem_shared>> -> memref<10240x64xf32, #tpu.memory_space<vmem_shared>>
        tpu.wait_indirect_dma semaphore(%run_scoped3A : memref<!tpu.dma_semaphore, #tpu.memory_space<semaphore_mem>>) src(%arg14 : memref<128x64xf32, #tpu.memory_space<vmem>>) dst(%dma_wait3A_159 : memref<10240x64xf32, #tpu.memory_space<vmem_shared>>)
        tpu.yield
      }) : () -> ()
      %add3A_141 = arith.constant 5 : i32
      %add3A_142 = arith.addi %add3A_134, %add3A_141 : i32
      %lt3A_143 = arith.constant 160 : i32
      %lt3A_144 = arith.cmpi slt, %add3A_142, %lt3A_143 : i32
      %convert_element_type3A_145 = arith.extui %lt3A_144 : i1 to i32
      %cond3A_146 = arith.constant 0 : i32
      %cond3A_147 = arith.cmpi ne, %convert_element_type3A_145, %cond3A_146 : i32
      scf.if %cond3A_147 {
        %add3A_148 = arith.constant 5 : i32
        %add3A_149 = arith.addi %add3A_134, %add3A_148 : i32
        %dma_start3A_150 = arith.constant 0 : i32
        %dma_start3A_151 = tpu.memref_slice %arg8[%add3A_149, %dma_start3A_150] : memref<160x128xi32, #tpu.memory_space<vmem>> -> memref<1x128xi32, #tpu.memory_space<vmem>>
        %dma_start3A_152 = tpu.memref_squeeze %dma_start3A_151 : memref<1x128xi32, #tpu.memory_space<vmem>> -> memref<128xi32, #tpu.memory_space<vmem>>
        %dma_start3A_153 = arith.constant 0 : i32
        %dma_start3A_154 = arith.constant 0 : i32
        %dma_start3A_155 = tpu.memref_slice %arg2[%dma_start3A_153, %dma_start3A_154] : memref<20000x64xf32, #tpu.memory_space<hbm>> -> memref<20000x64xf32, #tpu.memory_space<hbm>>
        tpu.enqueue_indirect_dma source(%dma_start3A_155 : memref<20000x64xf32, #tpu.memory_space<hbm>>) target(%arg14 : memref<128x64xf32, #tpu.memory_space<vmem>>) offsets(%dma_start3A_152 : memref<128xi32, #tpu.memory_space<vmem>>) semaphore(%arg16 : memref<!tpu.dma_semaphore, #tpu.memory_space<semaphore_mem>>)
      } else {
      }
    }
    %scan3A_52 = arith.constant 32 : i32
    %barrier3A_53 = arith.constant 0 : index
    tpu.barrier barrier_id(%barrier3A_53)
    %lt3A = arith.constant 15 : i32
    %lt3A_54 = arith.cmpi slt, %arg1, %lt3A : i32
    %convert_element_type3A_55 = arith.extui %lt3A_54 : i1 to i32
    %cond3A_56 = arith.constant 0 : i32
    %cond3A_57 = arith.cmpi ne, %convert_element_type3A_55, %cond3A_56 : i32
    scf.if %cond3A_57 {
      %mul3A_63 = arith.constant 624 : i32
      %mul3A_64 = arith.muli %arg1, %mul3A_63 : i32
      %multiple_of3A_65 = tpu.assume_multiple %mul3A_64, 8 : i32
      "tpu.region"() ({
        %run_scoped3A = tpu.sem_alloc : memref<!tpu.dma_semaphore, #tpu.memory_space<semaphore_mem>>
        %dma_start3A_66 = arith.constant 0 : i32
        %dma_start3A_67 = tpu.memref_slice %arg7[%arg0, %multiple_of3A_65, %dma_start3A_66] : memref<2x10000x64xf32, #tpu.memory_space<hbm>> -> memref<1x624x64xf32, #tpu.memory_space<hbm>>
        %dma_start3A_68 = tpu.memref_squeeze %dma_start3A_67 : memref<1x624x64xf32, #tpu.memory_space<hbm>> -> memref<624x64xf32, #tpu.memory_space<hbm>>
        %dma_start3A_69 = arith.constant 0 : i32
        %dma_start3A_70 = tpu.memref_slice %arg15[%multiple_of3A_65, %dma_start3A_69] : memref<10240x64xf32, #tpu.memory_space<vmem_shared>> -> memref<624x64xf32, #tpu.memory_space<vmem_shared>>
        tpu.enqueue_dma source(%dma_start3A_70 : memref<624x64xf32, #tpu.memory_space<vmem_shared>>) target(%dma_start3A_68 : memref<624x64xf32, #tpu.memory_space<hbm>>) target_semaphore(%run_scoped3A : memref<!tpu.dma_semaphore, #tpu.memory_space<semaphore_mem>>)
        %dma_wait3A_71 = arith.constant 0 : i32
        %dma_wait3A_72 = tpu.memref_slice %arg7[%arg0, %multiple_of3A_65, %dma_wait3A_71] : memref<2x10000x64xf32, #tpu.memory_space<hbm>> -> memref<1x624x64xf32, #tpu.memory_space<hbm>>
        %dma_wait3A_73 = tpu.memref_squeeze %dma_wait3A_72 : memref<1x624x64xf32, #tpu.memory_space<hbm>> -> memref<624x64xf32, #tpu.memory_space<hbm>>
        %dma_wait3A_74 = arith.constant 0 : i32
        %dma_wait3A_75 = tpu.memref_slice %arg15[%multiple_of3A_65, %dma_wait3A_74] : memref<10240x64xf32, #tpu.memory_space<vmem_shared>> -> memref<624x64xf32, #tpu.memory_space<vmem_shared>>
        tpu.wait_dma2 semaphore(%run_scoped3A : memref<!tpu.dma_semaphore, #tpu.memory_space<semaphore_mem>>) src(%dma_wait3A_75 : memref<624x64xf32, #tpu.memory_space<vmem_shared>>) dst(%dma_wait3A_73 : memref<624x64xf32, #tpu.memory_space<hbm>>)
        tpu.yield
      }) : () -> ()
    } else {
    }
    %eq3A_58 = arith.constant 15 : i32
    %eq3A_59 = arith.cmpi eq, %arg1, %eq3A_58 : i32
    %convert_element_type3A_60 = arith.extui %eq3A_59 : i1 to i32
    %cond3A_61 = arith.constant 0 : i32
    %cond3A_62 = arith.cmpi ne, %convert_element_type3A_60, %cond3A_61 : i32
    scf.if %cond3A_62 {
      "tpu.region"() ({
        %run_scoped3A = tpu.sem_alloc : memref<!tpu.dma_semaphore, #tpu.memory_space<semaphore_mem>>
        %dma_start3A_63 = arith.constant 9360 : i32
        %dma_start3A_64 = arith.constant 0 : i32
        %dma_start3A_65 = tpu.memref_slice %arg7[%arg0, %dma_start3A_63, %dma_start3A_64] : memref<2x10000x64xf32, #tpu.memory_space<hbm>> -> memref<1x640x64xf32, #tpu.memory_space<hbm>>
        %dma_start3A_66 = tpu.memref_squeeze %dma_start3A_65 : memref<1x640x64xf32, #tpu.memory_space<hbm>> -> memref<640x64xf32, #tpu.memory_space<hbm>>
        %dma_start3A_67 = arith.constant 9360 : i32
        %dma_start3A_68 = arith.constant 0 : i32
        %dma_start3A_69 = tpu.memref_slice %arg15[%dma_start3A_67, %dma_start3A_68] : memref<10240x64xf32, #tpu.memory_space<vmem_shared>> -> memref<640x64xf32, #tpu.memory_space<vmem_shared>>
        tpu.enqueue_dma source(%dma_start3A_69 : memref<640x64xf32, #tpu.memory_space<vmem_shared>>) target(%dma_start3A_66 : memref<640x64xf32, #tpu.memory_space<hbm>>) target_semaphore(%run_scoped3A : memref<!tpu.dma_semaphore, #tpu.memory_space<semaphore_mem>>)
        %dma_wait3A_70 = arith.constant 9360 : i32
        %dma_wait3A_71 = arith.constant 0 : i32
        %dma_wait3A_72 = tpu.memref_slice %arg7[%arg0, %dma_wait3A_70, %dma_wait3A_71] : memref<2x10000x64xf32, #tpu.memory_space<hbm>> -> memref<1x640x64xf32, #tpu.memory_space<hbm>>
        %dma_wait3A_73 = tpu.memref_squeeze %dma_wait3A_72 : memref<1x640x64xf32, #tpu.memory_space<hbm>> -> memref<640x64xf32, #tpu.memory_space<hbm>>
        %dma_wait3A_74 = arith.constant 9360 : i32
        %dma_wait3A_75 = arith.constant 0 : i32
        %dma_wait3A_76 = tpu.memref_slice %arg15[%dma_wait3A_74, %dma_wait3A_75] : memref<10240x64xf32, #tpu.memory_space<vmem_shared>> -> memref<640x64xf32, #tpu.memory_space<vmem_shared>>
        tpu.wait_dma2 semaphore(%run_scoped3A : memref<!tpu.dma_semaphore, #tpu.memory_space<semaphore_mem>>) src(%dma_wait3A_76 : memref<640x64xf32, #tpu.memory_space<vmem_shared>>) dst(%dma_wait3A_73 : memref<640x64xf32, #tpu.memory_space<hbm>>)
        tpu.yield
      }) : () -> ()
    } else {
    }
    return
  }
}

#map = affine_map<(d0, d1) -> (0, 0)>
#map1 = affine_map<(d0, d1) -> (0, 0, 0)>
module attributes {stable_mosaic.version = 14 : i64} {
  func.func @k(%arg0: i32, %arg1: i32, %arg2: memref<20000x64xf32, #tpu.memory_space<hbm>>, %arg3: memref<16x160x128xi32, #tpu.memory_space<hbm>>, %arg4: memref<16x160x128xi32, #tpu.memory_space<hbm>>, %arg5: memref<16x160x128xi32, #tpu.memory_space<hbm>>, %arg6: memref<640x64xf32, #tpu.memory_space<hbm>>, %arg7: memref<2x10000x64xf32, #tpu.memory_space<hbm>>, %arg8: memref<160x128xi32, #tpu.memory_space<vmem>>, %arg9: memref<160x128xi32, #tpu.memory_space<vmem>>, %arg10: memref<128x64xf32, #tpu.memory_space<vmem>>, %arg11: memref<128x64xf32, #tpu.memory_space<vmem>>, %arg12: memref<128x64xf32, #tpu.memory_space<vmem>>, %arg13: memref<128x64xf32, #tpu.memory_space<vmem>>, %arg14: memref<128x64xf32, #tpu.memory_space<vmem>>, %arg15: memref<10240x64xf32, #tpu.memory_space<vmem_shared>>, %arg16: memref<!tpu.dma_semaphore, #tpu.memory_space<semaphore_mem>>, %arg17: memref<!tpu.dma_semaphore, #tpu.memory_space<semaphore_mem>>) attributes {dimension_semantics = [#tpu.dimension_semantics<core_parallel>, #tpu.dimension_semantics<subcore_parallel>], iteration_bounds = array<i64: 2, 16>, scalar_prefetch = 0 : i64, scratch_operands = 10 : i64, tpu.core_type = #tpu.core_type<sc_vector_subcore>, window_params = [{transform_indices = #map}, {transform_indices = #map1}, {transform_indices = #map1}, {transform_indices = #map1}, {transform_indices = #map}, {transform_indices = #map1}]} {
    %eq3A = arith.constant 0 : i32
    %eq3A_0 = arith.cmpi eq, %arg0, %eq3A : i32
    %convert_element_type3A = arith.extui %eq3A_0 : i1 to i32
    %cond3A = arith.constant 0 : i32
    %cond3A_1 = arith.cmpi ne, %convert_element_type3A, %cond3A : i32
    scf.if %cond3A_1 {
      "tpu.region"() ({
        %run_scoped3A = tpu.sem_alloc : memref<!tpu.dma_semaphore, #tpu.memory_space<semaphore_mem>>
        %dma_start3A_63 = arith.constant 0 : i32
        %dma_start3A_64 = arith.constant 0 : i32
        %dma_start3A_65 = tpu.memref_slice %arg3[%arg1, %dma_start3A_63, %dma_start3A_64] : memref<16x160x128xi32, #tpu.memory_space<hbm>> -> memref<1x160x128xi32, #tpu.memory_space<hbm>>
        %dma_start3A_66 = tpu.memref_squeeze %dma_start3A_65 : memref<1x160x128xi32, #tpu.memory_space<hbm>> -> memref<160x128xi32, #tpu.memory_space<hbm>>
        %dma_start3A_67 = arith.constant 0 : i32
        %dma_start3A_68 = arith.constant 0 : i32
        %dma_start3A_69 = tpu.memref_slice %arg3[%arg1, %dma_start3A_67, %dma_start3A_68] : memref<16x160x128xi32, #tpu.memory_space<hbm>> -> memref<1x160x128xi32, #tpu.memory_space<hbm>>
        %dma_start3A_70 = tpu.memref_squeeze %dma_start3A_69 : memref<1x160x128xi32, #tpu.memory_space<hbm>> -> memref<160x128xi32, #tpu.memory_space<hbm>>
        tpu.enqueue_dma source(%dma_start3A_70 : memref<160x128xi32, #tpu.memory_space<hbm>>) target(%arg8 : memref<160x128xi32, #tpu.memory_space<vmem>>) target_semaphore(%run_scoped3A : memref<!tpu.dma_semaphore, #tpu.memory_space<semaphore_mem>>)
        %dma_wait3A_71 = arith.constant 0 : i32
        %dma_wait3A_72 = arith.constant 0 : i32
        %dma_wait3A_73 = tpu.memref_slice %arg3[%arg1, %dma_wait3A_71, %dma_wait3A_72] : memref<16x160x128xi32, #tpu.memory_space<hbm>> -> memref<1x160x128xi32, #tpu.memory_space<hbm>>
        %dma_wait3A_74 = tpu.memref_squeeze %dma_wait3A_73 : memref<1x160x128xi32, #tpu.memory_space<hbm>> -> memref<160x128xi32, #tpu.memory_space<hbm>>
        %dma_wait3A_75 = arith.constant 0 : i32
        %dma_wait3A_76 = arith.constant 0 : i32
        %dma_wait3A_77 = tpu.memref_slice %arg3[%arg1, %dma_wait3A_75, %dma_wait3A_76] : memref<16x160x128xi32, #tpu.memory_space<hbm>> -> memref<1x160x128xi32, #tpu.memory_space<hbm>>
        %dma_wait3A_78 = tpu.memref_squeeze %dma_wait3A_77 : memref<1x160x128xi32, #tpu.memory_space<hbm>> -> memref<160x128xi32, #tpu.memory_space<hbm>>
        tpu.wait_dma2 semaphore(%run_scoped3A : memref<!tpu.dma_semaphore, #tpu.memory_space<semaphore_mem>>) src(%dma_wait3A_78 : memref<160x128xi32, #tpu.memory_space<hbm>>) dst(%arg8 : memref<160x128xi32, #tpu.memory_space<vmem>>)
        tpu.yield
      }) : () -> ()
    } else {
    }
    %eq3A_2 = arith.constant 1 : i32
    %eq3A_3 = arith.cmpi eq, %arg0, %eq3A_2 : i32
    %convert_element_type3A_4 = arith.extui %eq3A_3 : i1 to i32
    %cond3A_5 = arith.constant 0 : i32
    %cond3A_6 = arith.cmpi ne, %convert_element_type3A_4, %cond3A_5 : i32
    scf.if %cond3A_6 {
      "tpu.region"() ({
        %run_scoped3A = tpu.sem_alloc : memref<!tpu.dma_semaphore, #tpu.memory_space<semaphore_mem>>
        %dma_start3A_63 = arith.constant 0 : i32
        %dma_start3A_64 = arith.constant 0 : i32
        %dma_start3A_65 = tpu.memref_slice %arg4[%arg1, %dma_start3A_63, %dma_start3A_64] : memref<16x160x128xi32, #tpu.memory_space<hbm>> -> memref<1x160x128xi32, #tpu.memory_space<hbm>>
        %dma_start3A_66 = tpu.memref_squeeze %dma_start3A_65 : memref<1x160x128xi32, #tpu.memory_space<hbm>> -> memref<160x128xi32, #tpu.memory_space<hbm>>
        %dma_start3A_67 = arith.constant 0 : i32
        %dma_start3A_68 = arith.constant 0 : i32
        %dma_start3A_69 = tpu.memref_slice %arg4[%arg1, %dma_start3A_67, %dma_start3A_68] : memref<16x160x128xi32, #tpu.memory_space<hbm>> -> memref<1x160x128xi32, #tpu.memory_space<hbm>>
        %dma_start3A_70 = tpu.memref_squeeze %dma_start3A_69 : memref<1x160x128xi32, #tpu.memory_space<hbm>> -> memref<160x128xi32, #tpu.memory_space<hbm>>
        tpu.enqueue_dma source(%dma_start3A_70 : memref<160x128xi32, #tpu.memory_space<hbm>>) target(%arg8 : memref<160x128xi32, #tpu.memory_space<vmem>>) target_semaphore(%run_scoped3A : memref<!tpu.dma_semaphore, #tpu.memory_space<semaphore_mem>>)
        %dma_wait3A_71 = arith.constant 0 : i32
        %dma_wait3A_72 = arith.constant 0 : i32
        %dma_wait3A_73 = tpu.memref_slice %arg4[%arg1, %dma_wait3A_71, %dma_wait3A_72] : memref<16x160x128xi32, #tpu.memory_space<hbm>> -> memref<1x160x128xi32, #tpu.memory_space<hbm>>
        %dma_wait3A_74 = tpu.memref_squeeze %dma_wait3A_73 : memref<1x160x128xi32, #tpu.memory_space<hbm>> -> memref<160x128xi32, #tpu.memory_space<hbm>>
        %dma_wait3A_75 = arith.constant 0 : i32
        %dma_wait3A_76 = arith.constant 0 : i32
        %dma_wait3A_77 = tpu.memref_slice %arg4[%arg1, %dma_wait3A_75, %dma_wait3A_76] : memref<16x160x128xi32, #tpu.memory_space<hbm>> -> memref<1x160x128xi32, #tpu.memory_space<hbm>>
        %dma_wait3A_78 = tpu.memref_squeeze %dma_wait3A_77 : memref<1x160x128xi32, #tpu.memory_space<hbm>> -> memref<160x128xi32, #tpu.memory_space<hbm>>
        tpu.wait_dma2 semaphore(%run_scoped3A : memref<!tpu.dma_semaphore, #tpu.memory_space<semaphore_mem>>) src(%dma_wait3A_78 : memref<160x128xi32, #tpu.memory_space<hbm>>) dst(%arg8 : memref<160x128xi32, #tpu.memory_space<vmem>>)
        tpu.yield
      }) : () -> ()
    } else {
    }
    "tpu.region"() ({
      %run_scoped3A = tpu.sem_alloc : memref<!tpu.dma_semaphore, #tpu.memory_space<semaphore_mem>>
      %dma_start3A_63 = arith.constant 0 : i32
      %dma_start3A_64 = arith.constant 0 : i32
      %dma_start3A_65 = tpu.memref_slice %arg5[%arg1, %dma_start3A_63, %dma_start3A_64] : memref<16x160x128xi32, #tpu.memory_space<hbm>> -> memref<1x160x128xi32, #tpu.memory_space<hbm>>
      %dma_start3A_66 = tpu.memref_squeeze %dma_start3A_65 : memref<1x160x128xi32, #tpu.memory_space<hbm>> -> memref<160x128xi32, #tpu.memory_space<hbm>>
      %dma_start3A_67 = arith.constant 0 : i32
      %dma_start3A_68 = arith.constant 0 : i32
      %dma_start3A_69 = tpu.memref_slice %arg5[%arg1, %dma_start3A_67, %dma_start3A_68] : memref<16x160x128xi32, #tpu.memory_space<hbm>> -> memref<1x160x128xi32, #tpu.memory_space<hbm>>
      %dma_start3A_70 = tpu.memref_squeeze %dma_start3A_69 : memref<1x160x128xi32, #tpu.memory_space<hbm>> -> memref<160x128xi32, #tpu.memory_space<hbm>>
      tpu.enqueue_dma source(%dma_start3A_70 : memref<160x128xi32, #tpu.memory_space<hbm>>) target(%arg9 : memref<160x128xi32, #tpu.memory_space<vmem>>) target_semaphore(%run_scoped3A : memref<!tpu.dma_semaphore, #tpu.memory_space<semaphore_mem>>)
      %dma_wait3A_71 = arith.constant 0 : i32
      %dma_wait3A_72 = arith.constant 0 : i32
      %dma_wait3A_73 = tpu.memref_slice %arg5[%arg1, %dma_wait3A_71, %dma_wait3A_72] : memref<16x160x128xi32, #tpu.memory_space<hbm>> -> memref<1x160x128xi32, #tpu.memory_space<hbm>>
      %dma_wait3A_74 = tpu.memref_squeeze %dma_wait3A_73 : memref<1x160x128xi32, #tpu.memory_space<hbm>> -> memref<160x128xi32, #tpu.memory_space<hbm>>
      %dma_wait3A_75 = arith.constant 0 : i32
      %dma_wait3A_76 = arith.constant 0 : i32
      %dma_wait3A_77 = tpu.memref_slice %arg5[%arg1, %dma_wait3A_75, %dma_wait3A_76] : memref<16x160x128xi32, #tpu.memory_space<hbm>> -> memref<1x160x128xi32, #tpu.memory_space<hbm>>
      %dma_wait3A_78 = tpu.memref_squeeze %dma_wait3A_77 : memref<1x160x128xi32, #tpu.memory_space<hbm>> -> memref<160x128xi32, #tpu.memory_space<hbm>>
      tpu.wait_dma2 semaphore(%run_scoped3A : memref<!tpu.dma_semaphore, #tpu.memory_space<semaphore_mem>>) src(%dma_wait3A_78 : memref<160x128xi32, #tpu.memory_space<hbm>>) dst(%arg9 : memref<160x128xi32, #tpu.memory_space<vmem>>)
      tpu.yield
    }) : () -> ()
    %dma_start3A = arith.constant 0 : i32
    %dma_start3A_7 = arith.constant 0 : i32
    %dma_start3A_8 = tpu.memref_slice %arg8[%dma_start3A, %dma_start3A_7] : memref<160x128xi32, #tpu.memory_space<vmem>> -> memref<1x128xi32, #tpu.memory_space<vmem>>
    %dma_start3A_9 = tpu.memref_squeeze %dma_start3A_8 : memref<1x128xi32, #tpu.memory_space<vmem>> -> memref<128xi32, #tpu.memory_space<vmem>>
    %dma_start3A_10 = arith.constant 0 : i32
    %dma_start3A_11 = arith.constant 0 : i32
    %dma_start3A_12 = tpu.memref_slice %arg2[%dma_start3A_10, %dma_start3A_11] : memref<20000x64xf32, #tpu.memory_space<hbm>> -> memref<20000x64xf32, #tpu.memory_space<hbm>>
    tpu.enqueue_indirect_dma source(%dma_start3A_12 : memref<20000x64xf32, #tpu.memory_space<hbm>>) target(%arg10 : memref<128x64xf32, #tpu.memory_space<vmem>>) offsets(%dma_start3A_9 : memref<128xi32, #tpu.memory_space<vmem>>) semaphore(%arg16 : memref<!tpu.dma_semaphore, #tpu.memory_space<semaphore_mem>>)
    %dma_start3A_13 = arith.constant 1 : i32
    %dma_start3A_14 = arith.constant 0 : i32
    %dma_start3A_15 = tpu.memref_slice %arg8[%dma_start3A_13, %dma_start3A_14] : memref<160x128xi32, #tpu.memory_space<vmem>> -> memref<1x128xi32, #tpu.memory_space<vmem>>
    %dma_start3A_16 = tpu.memref_squeeze %dma_start3A_15 : memref<1x128xi32, #tpu.memory_space<vmem>> -> memref<128xi32, #tpu.memory_space<vmem>>
    %dma_start3A_17 = arith.constant 0 : i32
    %dma_start3A_18 = arith.constant 0 : i32
    %dma_start3A_19 = tpu.memref_slice %arg2[%dma_start3A_17, %dma_start3A_18] : memref<20000x64xf32, #tpu.memory_space<hbm>> -> memref<20000x64xf32, #tpu.memory_space<hbm>>
    tpu.enqueue_indirect_dma source(%dma_start3A_19 : memref<20000x64xf32, #tpu.memory_space<hbm>>) target(%arg11 : memref<128x64xf32, #tpu.memory_space<vmem>>) offsets(%dma_start3A_16 : memref<128xi32, #tpu.memory_space<vmem>>) semaphore(%arg16 : memref<!tpu.dma_semaphore, #tpu.memory_space<semaphore_mem>>)
    %dma_start3A_20 = arith.constant 2 : i32
    %dma_start3A_21 = arith.constant 0 : i32
    %dma_start3A_22 = tpu.memref_slice %arg8[%dma_start3A_20, %dma_start3A_21] : memref<160x128xi32, #tpu.memory_space<vmem>> -> memref<1x128xi32, #tpu.memory_space<vmem>>
    %dma_start3A_23 = tpu.memref_squeeze %dma_start3A_22 : memref<1x128xi32, #tpu.memory_space<vmem>> -> memref<128xi32, #tpu.memory_space<vmem>>
    %dma_start3A_24 = arith.constant 0 : i32
    %dma_start3A_25 = arith.constant 0 : i32
    %dma_start3A_26 = tpu.memref_slice %arg2[%dma_start3A_24, %dma_start3A_25] : memref<20000x64xf32, #tpu.memory_space<hbm>> -> memref<20000x64xf32, #tpu.memory_space<hbm>>
    tpu.enqueue_indirect_dma source(%dma_start3A_26 : memref<20000x64xf32, #tpu.memory_space<hbm>>) target(%arg12 : memref<128x64xf32, #tpu.memory_space<vmem>>) offsets(%dma_start3A_23 : memref<128xi32, #tpu.memory_space<vmem>>) semaphore(%arg16 : memref<!tpu.dma_semaphore, #tpu.memory_space<semaphore_mem>>)
    %dma_start3A_27 = arith.constant 3 : i32
    %dma_start3A_28 = arith.constant 0 : i32
    %dma_start3A_29 = tpu.memref_slice %arg8[%dma_start3A_27, %dma_start3A_28] : memref<160x128xi32, #tpu.memory_space<vmem>> -> memref<1x128xi32, #tpu.memory_space<vmem>>
    %dma_start3A_30 = tpu.memref_squeeze %dma_start3A_29 : memref<1x128xi32, #tpu.memory_space<vmem>> -> memref<128xi32, #tpu.memory_space<vmem>>
    %dma_start3A_31 = arith.constant 0 : i32
    %dma_start3A_32 = arith.constant 0 : i32
    %dma_start3A_33 = tpu.memref_slice %arg2[%dma_start3A_31, %dma_start3A_32] : memref<20000x64xf32, #tpu.memory_space<hbm>> -> memref<20000x64xf32, #tpu.memory_space<hbm>>
    tpu.enqueue_indirect_dma source(%dma_start3A_33 : memref<20000x64xf32, #tpu.memory_space<hbm>>) target(%arg13 : memref<128x64xf32, #tpu.memory_space<vmem>>) offsets(%dma_start3A_30 : memref<128xi32, #tpu.memory_space<vmem>>) semaphore(%arg16 : memref<!tpu.dma_semaphore, #tpu.memory_space<semaphore_mem>>)
    %dma_start3A_34 = arith.constant 4 : i32
    %dma_start3A_35 = arith.constant 0 : i32
    %dma_start3A_36 = tpu.memref_slice %arg8[%dma_start3A_34, %dma_start3A_35] : memref<160x128xi32, #tpu.memory_space<vmem>> -> memref<1x128xi32, #tpu.memory_space<vmem>>
    %dma_start3A_37 = tpu.memref_squeeze %dma_start3A_36 : memref<1x128xi32, #tpu.memory_space<vmem>> -> memref<128xi32, #tpu.memory_space<vmem>>
    %dma_start3A_38 = arith.constant 0 : i32
    %dma_start3A_39 = arith.constant 0 : i32
    %dma_start3A_40 = tpu.memref_slice %arg2[%dma_start3A_38, %dma_start3A_39] : memref<20000x64xf32, #tpu.memory_space<hbm>> -> memref<20000x64xf32, #tpu.memory_space<hbm>>
    tpu.enqueue_indirect_dma source(%dma_start3A_40 : memref<20000x64xf32, #tpu.memory_space<hbm>>) target(%arg14 : memref<128x64xf32, #tpu.memory_space<vmem>>) offsets(%dma_start3A_37 : memref<128xi32, #tpu.memory_space<vmem>>) semaphore(%arg16 : memref<!tpu.dma_semaphore, #tpu.memory_space<semaphore_mem>>)
    %mul3A = arith.constant 640 : i32
    %mul3A_41 = arith.muli %arg1, %mul3A : i32
    %multiple_of3A = tpu.assume_multiple %mul3A_41, 8 : i32
    %dma_start3A_42 = arith.constant 0 : i32
    %dma_start3A_43 = tpu.memref_slice %arg15[%multiple_of3A, %dma_start3A_42] : memref<10240x64xf32, #tpu.memory_space<vmem_shared>> -> memref<640x64xf32, #tpu.memory_space<vmem_shared>>
    tpu.enqueue_dma source(%arg6 : memref<640x64xf32, #tpu.memory_space<hbm>>) target(%dma_start3A_43 : memref<640x64xf32, #tpu.memory_space<vmem_shared>>) target_semaphore(%arg17 : memref<!tpu.dma_semaphore, #tpu.memory_space<semaphore_mem>>)
    %mul3A_44 = arith.constant 640 : i32
    %mul3A_45 = arith.muli %arg1, %mul3A_44 : i32
    %multiple_of3A_46 = tpu.assume_multiple %mul3A_45, 8 : i32
    %dma_wait3A = arith.constant 0 : i32
    %dma_wait3A_47 = tpu.memref_slice %arg15[%multiple_of3A_46, %dma_wait3A] : memref<10240x64xf32, #tpu.memory_space<vmem_shared>> -> memref<640x64xf32, #tpu.memory_space<vmem_shared>>
    tpu.wait_dma2 semaphore(%arg17 : memref<!tpu.dma_semaphore, #tpu.memory_space<semaphore_mem>>) src(%arg6 : memref<640x64xf32, #tpu.memory_space<hbm>>) dst(%dma_wait3A_47 : memref<640x64xf32, #tpu.memory_space<vmem_shared>>)
    %barrier3A = arith.constant 0 : index
    tpu.barrier barrier_id(%barrier3A)
    %scan3A = arith.constant 0 : i32
    %scan3A_48 = arith.constant 0 : i32
    %scan3A_49 = arith.constant 32 : i32
    %scan3A_50 = arith.addi %scan3A_48, %scan3A_49 : i32
    %scan3A_51 = arith.constant 1 : i32
    scf.for %scan3A_63 = %scan3A_48 to %scan3A_50 step %scan3A_51  : i32 {
      %mul3A_64 = arith.constant 5 : i32
      %mul3A_65 = arith.muli %scan3A_63, %mul3A_64 : i32
      %add3A = arith.constant 0 : i32
      %add3A_66 = arith.addi %mul3A_65, %add3A : i32
      %dma_wait3A_67 = arith.constant 0 : i32
      %dma_wait3A_68 = tpu.memref_slice %arg8[%add3A_66, %dma_wait3A_67] : memref<160x128xi32, #tpu.memory_space<vmem>> -> memref<1x128xi32, #tpu.memory_space<vmem>>
      %dma_wait3A_69 = tpu.memref_squeeze %dma_wait3A_68 : memref<1x128xi32, #tpu.memory_space<vmem>> -> memref<128xi32, #tpu.memory_space<vmem>>
      %dma_wait3A_70 = arith.constant 0 : i32
      %dma_wait3A_71 = arith.constant 0 : i32
      %dma_wait3A_72 = tpu.memref_slice %arg2[%dma_wait3A_70, %dma_wait3A_71] : memref<20000x64xf32, #tpu.memory_space<hbm>> -> memref<20000x64xf32, #tpu.memory_space<hbm>>
      tpu.wait_indirect_dma semaphore(%arg16 : memref<!tpu.dma_semaphore, #tpu.memory_space<semaphore_mem>>) src(%dma_wait3A_72 : memref<20000x64xf32, #tpu.memory_space<hbm>>) dst(%arg10 : memref<128x64xf32, #tpu.memory_space<vmem>>)
      "tpu.region"() ({
        %run_scoped3A = tpu.sem_alloc : memref<!tpu.dma_semaphore, #tpu.memory_space<semaphore_mem>>
        %dma_start3A_148 = arith.constant 0 : i32
        %dma_start3A_149 = tpu.memref_slice %arg9[%add3A_66, %dma_start3A_148] : memref<160x128xi32, #tpu.memory_space<vmem>> -> memref<1x128xi32, #tpu.memory_space<vmem>>
        %dma_start3A_150 = tpu.memref_squeeze %dma_start3A_149 : memref<1x128xi32, #tpu.memory_space<vmem>> -> memref<128xi32, #tpu.memory_space<vmem>>
        %dma_start3A_151 = arith.constant 0 : i32
        %dma_start3A_152 = arith.constant 0 : i32
        %dma_start3A_153 = tpu.memref_slice %arg15[%dma_start3A_151, %dma_start3A_152] : memref<10240x64xf32, #tpu.memory_space<vmem_shared>> -> memref<10240x64xf32, #tpu.memory_space<vmem_shared>>
        tpu.enqueue_indirect_dma source(%arg10 : memref<128x64xf32, #tpu.memory_space<vmem>>) target(%dma_start3A_153 : memref<10240x64xf32, #tpu.memory_space<vmem_shared>>) offsets(%dma_start3A_150 : memref<128xi32, #tpu.memory_space<vmem>>) semaphore(%run_scoped3A : memref<!tpu.dma_semaphore, #tpu.memory_space<semaphore_mem>>) {add = true}
        %dma_wait3A_154 = arith.constant 0 : i32
        %dma_wait3A_155 = tpu.memref_slice %arg9[%add3A_66, %dma_wait3A_154] : memref<160x128xi32, #tpu.memory_space<vmem>> -> memref<1x128xi32, #tpu.memory_space<vmem>>
        %dma_wait3A_156 = tpu.memref_squeeze %dma_wait3A_155 : memref<1x128xi32, #tpu.memory_space<vmem>> -> memref<128xi32, #tpu.memory_space<vmem>>
        %dma_wait3A_157 = arith.constant 0 : i32
        %dma_wait3A_158 = arith.constant 0 : i32
        %dma_wait3A_159 = tpu.memref_slice %arg15[%dma_wait3A_157, %dma_wait3A_158] : memref<10240x64xf32, #tpu.memory_space<vmem_shared>> -> memref<10240x64xf32, #tpu.memory_space<vmem_shared>>
        tpu.wait_indirect_dma semaphore(%run_scoped3A : memref<!tpu.dma_semaphore, #tpu.memory_space<semaphore_mem>>) src(%arg10 : memref<128x64xf32, #tpu.memory_space<vmem>>) dst(%dma_wait3A_159 : memref<10240x64xf32, #tpu.memory_space<vmem_shared>>)
        tpu.yield
      }) : () -> ()
      %add3A_73 = arith.constant 5 : i32
      %add3A_74 = arith.addi %add3A_66, %add3A_73 : i32
      %lt3A_75 = arith.constant 160 : i32
      %lt3A_76 = arith.cmpi slt, %add3A_74, %lt3A_75 : i32
      %convert_element_type3A_77 = arith.extui %lt3A_76 : i1 to i32
      %cond3A_78 = arith.constant 0 : i32
      %cond3A_79 = arith.cmpi ne, %convert_element_type3A_77, %cond3A_78 : i32
      scf.if %cond3A_79 {
        %add3A_148 = arith.constant 5 : i32
        %add3A_149 = arith.addi %add3A_66, %add3A_148 : i32
        %dma_start3A_150 = arith.constant 0 : i32
        %dma_start3A_151 = tpu.memref_slice %arg8[%add3A_149, %dma_start3A_150] : memref<160x128xi32, #tpu.memory_space<vmem>> -> memref<1x128xi32, #tpu.memory_space<vmem>>
        %dma_start3A_152 = tpu.memref_squeeze %dma_start3A_151 : memref<1x128xi32, #tpu.memory_space<vmem>> -> memref<128xi32, #tpu.memory_space<vmem>>
        %dma_start3A_153 = arith.constant 0 : i32
        %dma_start3A_154 = arith.constant 0 : i32
        %dma_start3A_155 = tpu.memref_slice %arg2[%dma_start3A_153, %dma_start3A_154] : memref<20000x64xf32, #tpu.memory_space<hbm>> -> memref<20000x64xf32, #tpu.memory_space<hbm>>
        tpu.enqueue_indirect_dma source(%dma_start3A_155 : memref<20000x64xf32, #tpu.memory_space<hbm>>) target(%arg10 : memref<128x64xf32, #tpu.memory_space<vmem>>) offsets(%dma_start3A_152 : memref<128xi32, #tpu.memory_space<vmem>>) semaphore(%arg16 : memref<!tpu.dma_semaphore, #tpu.memory_space<semaphore_mem>>)
      } else {
      }
      %mul3A_80 = arith.constant 5 : i32
      %mul3A_81 = arith.muli %scan3A_63, %mul3A_80 : i32
      %add3A_82 = arith.constant 1 : i32
      %add3A_83 = arith.addi %mul3A_81, %add3A_82 : i32
      %dma_wait3A_84 = arith.constant 0 : i32
      %dma_wait3A_85 = tpu.memref_slice %arg8[%add3A_83, %dma_wait3A_84] : memref<160x128xi32, #tpu.memory_space<vmem>> -> memref<1x128xi32, #tpu.memory_space<vmem>>
      %dma_wait3A_86 = tpu.memref_squeeze %dma_wait3A_85 : memref<1x128xi32, #tpu.memory_space<vmem>> -> memref<128xi32, #tpu.memory_space<vmem>>
      %dma_wait3A_87 = arith.constant 0 : i32
      %dma_wait3A_88 = arith.constant 0 : i32
      %dma_wait3A_89 = tpu.memref_slice %arg2[%dma_wait3A_87, %dma_wait3A_88] : memref<20000x64xf32, #tpu.memory_space<hbm>> -> memref<20000x64xf32, #tpu.memory_space<hbm>>
      tpu.wait_indirect_dma semaphore(%arg16 : memref<!tpu.dma_semaphore, #tpu.memory_space<semaphore_mem>>) src(%dma_wait3A_89 : memref<20000x64xf32, #tpu.memory_space<hbm>>) dst(%arg11 : memref<128x64xf32, #tpu.memory_space<vmem>>)
      "tpu.region"() ({
        %run_scoped3A = tpu.sem_alloc : memref<!tpu.dma_semaphore, #tpu.memory_space<semaphore_mem>>
        %dma_start3A_148 = arith.constant 0 : i32
        %dma_start3A_149 = tpu.memref_slice %arg9[%add3A_83, %dma_start3A_148] : memref<160x128xi32, #tpu.memory_space<vmem>> -> memref<1x128xi32, #tpu.memory_space<vmem>>
        %dma_start3A_150 = tpu.memref_squeeze %dma_start3A_149 : memref<1x128xi32, #tpu.memory_space<vmem>> -> memref<128xi32, #tpu.memory_space<vmem>>
        %dma_start3A_151 = arith.constant 0 : i32
        %dma_start3A_152 = arith.constant 0 : i32
        %dma_start3A_153 = tpu.memref_slice %arg15[%dma_start3A_151, %dma_start3A_152] : memref<10240x64xf32, #tpu.memory_space<vmem_shared>> -> memref<10240x64xf32, #tpu.memory_space<vmem_shared>>
        tpu.enqueue_indirect_dma source(%arg11 : memref<128x64xf32, #tpu.memory_space<vmem>>) target(%dma_start3A_153 : memref<10240x64xf32, #tpu.memory_space<vmem_shared>>) offsets(%dma_start3A_150 : memref<128xi32, #tpu.memory_space<vmem>>) semaphore(%run_scoped3A : memref<!tpu.dma_semaphore, #tpu.memory_space<semaphore_mem>>) {add = true}
        %dma_wait3A_154 = arith.constant 0 : i32
        %dma_wait3A_155 = tpu.memref_slice %arg9[%add3A_83, %dma_wait3A_154] : memref<160x128xi32, #tpu.memory_space<vmem>> -> memref<1x128xi32, #tpu.memory_space<vmem>>
        %dma_wait3A_156 = tpu.memref_squeeze %dma_wait3A_155 : memref<1x128xi32, #tpu.memory_space<vmem>> -> memref<128xi32, #tpu.memory_space<vmem>>
        %dma_wait3A_157 = arith.constant 0 : i32
        %dma_wait3A_158 = arith.constant 0 : i32
        %dma_wait3A_159 = tpu.memref_slice %arg15[%dma_wait3A_157, %dma_wait3A_158] : memref<10240x64xf32, #tpu.memory_space<vmem_shared>> -> memref<10240x64xf32, #tpu.memory_space<vmem_shared>>
        tpu.wait_indirect_dma semaphore(%run_scoped3A : memref<!tpu.dma_semaphore, #tpu.memory_space<semaphore_mem>>) src(%arg11 : memref<128x64xf32, #tpu.memory_space<vmem>>) dst(%dma_wait3A_159 : memref<10240x64xf32, #tpu.memory_space<vmem_shared>>)
        tpu.yield
      }) : () -> ()
      %add3A_90 = arith.constant 5 : i32
      %add3A_91 = arith.addi %add3A_83, %add3A_90 : i32
      %lt3A_92 = arith.constant 160 : i32
      %lt3A_93 = arith.cmpi slt, %add3A_91, %lt3A_92 : i32
      %convert_element_type3A_94 = arith.extui %lt3A_93 : i1 to i32
      %cond3A_95 = arith.constant 0 : i32
      %cond3A_96 = arith.cmpi ne, %convert_element_type3A_94, %cond3A_95 : i32
      scf.if %cond3A_96 {
        %add3A_148 = arith.constant 5 : i32
        %add3A_149 = arith.addi %add3A_83, %add3A_148 : i32
        %dma_start3A_150 = arith.constant 0 : i32
        %dma_start3A_151 = tpu.memref_slice %arg8[%add3A_149, %dma_start3A_150] : memref<160x128xi32, #tpu.memory_space<vmem>> -> memref<1x128xi32, #tpu.memory_space<vmem>>
        %dma_start3A_152 = tpu.memref_squeeze %dma_start3A_151 : memref<1x128xi32, #tpu.memory_space<vmem>> -> memref<128xi32, #tpu.memory_space<vmem>>
        %dma_start3A_153 = arith.constant 0 : i32
        %dma_start3A_154 = arith.constant 0 : i32
        %dma_start3A_155 = tpu.memref_slice %arg2[%dma_start3A_153, %dma_start3A_154] : memref<20000x64xf32, #tpu.memory_space<hbm>> -> memref<20000x64xf32, #tpu.memory_space<hbm>>
        tpu.enqueue_indirect_dma source(%dma_start3A_155 : memref<20000x64xf32, #tpu.memory_space<hbm>>) target(%arg11 : memref<128x64xf32, #tpu.memory_space<vmem>>) offsets(%dma_start3A_152 : memref<128xi32, #tpu.memory_space<vmem>>) semaphore(%arg16 : memref<!tpu.dma_semaphore, #tpu.memory_space<semaphore_mem>>)
      } else {
      }
      %mul3A_97 = arith.constant 5 : i32
      %mul3A_98 = arith.muli %scan3A_63, %mul3A_97 : i32
      %add3A_99 = arith.constant 2 : i32
      %add3A_100 = arith.addi %mul3A_98, %add3A_99 : i32
      %dma_wait3A_101 = arith.constant 0 : i32
      %dma_wait3A_102 = tpu.memref_slice %arg8[%add3A_100, %dma_wait3A_101] : memref<160x128xi32, #tpu.memory_space<vmem>> -> memref<1x128xi32, #tpu.memory_space<vmem>>
      %dma_wait3A_103 = tpu.memref_squeeze %dma_wait3A_102 : memref<1x128xi32, #tpu.memory_space<vmem>> -> memref<128xi32, #tpu.memory_space<vmem>>
      %dma_wait3A_104 = arith.constant 0 : i32
      %dma_wait3A_105 = arith.constant 0 : i32
      %dma_wait3A_106 = tpu.memref_slice %arg2[%dma_wait3A_104, %dma_wait3A_105] : memref<20000x64xf32, #tpu.memory_space<hbm>> -> memref<20000x64xf32, #tpu.memory_space<hbm>>
      tpu.wait_indirect_dma semaphore(%arg16 : memref<!tpu.dma_semaphore, #tpu.memory_space<semaphore_mem>>) src(%dma_wait3A_106 : memref<20000x64xf32, #tpu.memory_space<hbm>>) dst(%arg12 : memref<128x64xf32, #tpu.memory_space<vmem>>)
      "tpu.region"() ({
        %run_scoped3A = tpu.sem_alloc : memref<!tpu.dma_semaphore, #tpu.memory_space<semaphore_mem>>
        %dma_start3A_148 = arith.constant 0 : i32
        %dma_start3A_149 = tpu.memref_slice %arg9[%add3A_100, %dma_start3A_148] : memref<160x128xi32, #tpu.memory_space<vmem>> -> memref<1x128xi32, #tpu.memory_space<vmem>>
        %dma_start3A_150 = tpu.memref_squeeze %dma_start3A_149 : memref<1x128xi32, #tpu.memory_space<vmem>> -> memref<128xi32, #tpu.memory_space<vmem>>
        %dma_start3A_151 = arith.constant 0 : i32
        %dma_start3A_152 = arith.constant 0 : i32
        %dma_start3A_153 = tpu.memref_slice %arg15[%dma_start3A_151, %dma_start3A_152] : memref<10240x64xf32, #tpu.memory_space<vmem_shared>> -> memref<10240x64xf32, #tpu.memory_space<vmem_shared>>
        tpu.enqueue_indirect_dma source(%arg12 : memref<128x64xf32, #tpu.memory_space<vmem>>) target(%dma_start3A_153 : memref<10240x64xf32, #tpu.memory_space<vmem_shared>>) offsets(%dma_start3A_150 : memref<128xi32, #tpu.memory_space<vmem>>) semaphore(%run_scoped3A : memref<!tpu.dma_semaphore, #tpu.memory_space<semaphore_mem>>) {add = true}
        %dma_wait3A_154 = arith.constant 0 : i32
        %dma_wait3A_155 = tpu.memref_slice %arg9[%add3A_100, %dma_wait3A_154] : memref<160x128xi32, #tpu.memory_space<vmem>> -> memref<1x128xi32, #tpu.memory_space<vmem>>
        %dma_wait3A_156 = tpu.memref_squeeze %dma_wait3A_155 : memref<1x128xi32, #tpu.memory_space<vmem>> -> memref<128xi32, #tpu.memory_space<vmem>>
        %dma_wait3A_157 = arith.constant 0 : i32
        %dma_wait3A_158 = arith.constant 0 : i32
        %dma_wait3A_159 = tpu.memref_slice %arg15[%dma_wait3A_157, %dma_wait3A_158] : memref<10240x64xf32, #tpu.memory_space<vmem_shared>> -> memref<10240x64xf32, #tpu.memory_space<vmem_shared>>
        tpu.wait_indirect_dma semaphore(%run_scoped3A : memref<!tpu.dma_semaphore, #tpu.memory_space<semaphore_mem>>) src(%arg12 : memref<128x64xf32, #tpu.memory_space<vmem>>) dst(%dma_wait3A_159 : memref<10240x64xf32, #tpu.memory_space<vmem_shared>>)
        tpu.yield
      }) : () -> ()
      %add3A_107 = arith.constant 5 : i32
      %add3A_108 = arith.addi %add3A_100, %add3A_107 : i32
      %lt3A_109 = arith.constant 160 : i32
      %lt3A_110 = arith.cmpi slt, %add3A_108, %lt3A_109 : i32
      %convert_element_type3A_111 = arith.extui %lt3A_110 : i1 to i32
      %cond3A_112 = arith.constant 0 : i32
      %cond3A_113 = arith.cmpi ne, %convert_element_type3A_111, %cond3A_112 : i32
      scf.if %cond3A_113 {
        %add3A_148 = arith.constant 5 : i32
        %add3A_149 = arith.addi %add3A_100, %add3A_148 : i32
        %dma_start3A_150 = arith.constant 0 : i32
        %dma_start3A_151 = tpu.memref_slice %arg8[%add3A_149, %dma_start3A_150] : memref<160x128xi32, #tpu.memory_space<vmem>> -> memref<1x128xi32, #tpu.memory_space<vmem>>
        %dma_start3A_152 = tpu.memref_squeeze %dma_start3A_151 : memref<1x128xi32, #tpu.memory_space<vmem>> -> memref<128xi32, #tpu.memory_space<vmem>>
        %dma_start3A_153 = arith.constant 0 : i32
        %dma_start3A_154 = arith.constant 0 : i32
        %dma_start3A_155 = tpu.memref_slice %arg2[%dma_start3A_153, %dma_start3A_154] : memref<20000x64xf32, #tpu.memory_space<hbm>> -> memref<20000x64xf32, #tpu.memory_space<hbm>>
        tpu.enqueue_indirect_dma source(%dma_start3A_155 : memref<20000x64xf32, #tpu.memory_space<hbm>>) target(%arg12 : memref<128x64xf32, #tpu.memory_space<vmem>>) offsets(%dma_start3A_152 : memref<128xi32, #tpu.memory_space<vmem>>) semaphore(%arg16 : memref<!tpu.dma_semaphore, #tpu.memory_space<semaphore_mem>>)
      } else {
      }
      %mul3A_114 = arith.constant 5 : i32
      %mul3A_115 = arith.muli %scan3A_63, %mul3A_114 : i32
      %add3A_116 = arith.constant 3 : i32
      %add3A_117 = arith.addi %mul3A_115, %add3A_116 : i32
      %dma_wait3A_118 = arith.constant 0 : i32
      %dma_wait3A_119 = tpu.memref_slice %arg8[%add3A_117, %dma_wait3A_118] : memref<160x128xi32, #tpu.memory_space<vmem>> -> memref<1x128xi32, #tpu.memory_space<vmem>>
      %dma_wait3A_120 = tpu.memref_squeeze %dma_wait3A_119 : memref<1x128xi32, #tpu.memory_space<vmem>> -> memref<128xi32, #tpu.memory_space<vmem>>
      %dma_wait3A_121 = arith.constant 0 : i32
      %dma_wait3A_122 = arith.constant 0 : i32
      %dma_wait3A_123 = tpu.memref_slice %arg2[%dma_wait3A_121, %dma_wait3A_122] : memref<20000x64xf32, #tpu.memory_space<hbm>> -> memref<20000x64xf32, #tpu.memory_space<hbm>>
      tpu.wait_indirect_dma semaphore(%arg16 : memref<!tpu.dma_semaphore, #tpu.memory_space<semaphore_mem>>) src(%dma_wait3A_123 : memref<20000x64xf32, #tpu.memory_space<hbm>>) dst(%arg13 : memref<128x64xf32, #tpu.memory_space<vmem>>)
      "tpu.region"() ({
        %run_scoped3A = tpu.sem_alloc : memref<!tpu.dma_semaphore, #tpu.memory_space<semaphore_mem>>
        %dma_start3A_148 = arith.constant 0 : i32
        %dma_start3A_149 = tpu.memref_slice %arg9[%add3A_117, %dma_start3A_148] : memref<160x128xi32, #tpu.memory_space<vmem>> -> memref<1x128xi32, #tpu.memory_space<vmem>>
        %dma_start3A_150 = tpu.memref_squeeze %dma_start3A_149 : memref<1x128xi32, #tpu.memory_space<vmem>> -> memref<128xi32, #tpu.memory_space<vmem>>
        %dma_start3A_151 = arith.constant 0 : i32
        %dma_start3A_152 = arith.constant 0 : i32
        %dma_start3A_153 = tpu.memref_slice %arg15[%dma_start3A_151, %dma_start3A_152] : memref<10240x64xf32, #tpu.memory_space<vmem_shared>> -> memref<10240x64xf32, #tpu.memory_space<vmem_shared>>
        tpu.enqueue_indirect_dma source(%arg13 : memref<128x64xf32, #tpu.memory_space<vmem>>) target(%dma_start3A_153 : memref<10240x64xf32, #tpu.memory_space<vmem_shared>>) offsets(%dma_start3A_150 : memref<128xi32, #tpu.memory_space<vmem>>) semaphore(%run_scoped3A : memref<!tpu.dma_semaphore, #tpu.memory_space<semaphore_mem>>) {add = true}
        %dma_wait3A_154 = arith.constant 0 : i32
        %dma_wait3A_155 = tpu.memref_slice %arg9[%add3A_117, %dma_wait3A_154] : memref<160x128xi32, #tpu.memory_space<vmem>> -> memref<1x128xi32, #tpu.memory_space<vmem>>
        %dma_wait3A_156 = tpu.memref_squeeze %dma_wait3A_155 : memref<1x128xi32, #tpu.memory_space<vmem>> -> memref<128xi32, #tpu.memory_space<vmem>>
        %dma_wait3A_157 = arith.constant 0 : i32
        %dma_wait3A_158 = arith.constant 0 : i32
        %dma_wait3A_159 = tpu.memref_slice %arg15[%dma_wait3A_157, %dma_wait3A_158] : memref<10240x64xf32, #tpu.memory_space<vmem_shared>> -> memref<10240x64xf32, #tpu.memory_space<vmem_shared>>
        tpu.wait_indirect_dma semaphore(%run_scoped3A : memref<!tpu.dma_semaphore, #tpu.memory_space<semaphore_mem>>) src(%arg13 : memref<128x64xf32, #tpu.memory_space<vmem>>) dst(%dma_wait3A_159 : memref<10240x64xf32, #tpu.memory_space<vmem_shared>>)
        tpu.yield
      }) : () -> ()
      %add3A_124 = arith.constant 5 : i32
      %add3A_125 = arith.addi %add3A_117, %add3A_124 : i32
      %lt3A_126 = arith.constant 160 : i32
      %lt3A_127 = arith.cmpi slt, %add3A_125, %lt3A_126 : i32
      %convert_element_type3A_128 = arith.extui %lt3A_127 : i1 to i32
      %cond3A_129 = arith.constant 0 : i32
      %cond3A_130 = arith.cmpi ne, %convert_element_type3A_128, %cond3A_129 : i32
      scf.if %cond3A_130 {
        %add3A_148 = arith.constant 5 : i32
        %add3A_149 = arith.addi %add3A_117, %add3A_148 : i32
        %dma_start3A_150 = arith.constant 0 : i32
        %dma_start3A_151 = tpu.memref_slice %arg8[%add3A_149, %dma_start3A_150] : memref<160x128xi32, #tpu.memory_space<vmem>> -> memref<1x128xi32, #tpu.memory_space<vmem>>
        %dma_start3A_152 = tpu.memref_squeeze %dma_start3A_151 : memref<1x128xi32, #tpu.memory_space<vmem>> -> memref<128xi32, #tpu.memory_space<vmem>>
        %dma_start3A_153 = arith.constant 0 : i32
        %dma_start3A_154 = arith.constant 0 : i32
        %dma_start3A_155 = tpu.memref_slice %arg2[%dma_start3A_153, %dma_start3A_154] : memref<20000x64xf32, #tpu.memory_space<hbm>> -> memref<20000x64xf32, #tpu.memory_space<hbm>>
        tpu.enqueue_indirect_dma source(%dma_start3A_155 : memref<20000x64xf32, #tpu.memory_space<hbm>>) target(%arg13 : memref<128x64xf32, #tpu.memory_space<vmem>>) offsets(%dma_start3A_152 : memref<128xi32, #tpu.memory_space<vmem>>) semaphore(%arg16 : memref<!tpu.dma_semaphore, #tpu.memory_space<semaphore_mem>>)
      } else {
      }
      %mul3A_131 = arith.constant 5 : i32
      %mul3A_132 = arith.muli %scan3A_63, %mul3A_131 : i32
      %add3A_133 = arith.constant 4 : i32
      %add3A_134 = arith.addi %mul3A_132, %add3A_133 : i32
      %dma_wait3A_135 = arith.constant 0 : i32
      %dma_wait3A_136 = tpu.memref_slice %arg8[%add3A_134, %dma_wait3A_135] : memref<160x128xi32, #tpu.memory_space<vmem>> -> memref<1x128xi32, #tpu.memory_space<vmem>>
      %dma_wait3A_137 = tpu.memref_squeeze %dma_wait3A_136 : memref<1x128xi32, #tpu.memory_space<vmem>> -> memref<128xi32, #tpu.memory_space<vmem>>
      %dma_wait3A_138 = arith.constant 0 : i32
      %dma_wait3A_139 = arith.constant 0 : i32
      %dma_wait3A_140 = tpu.memref_slice %arg2[%dma_wait3A_138, %dma_wait3A_139] : memref<20000x64xf32, #tpu.memory_space<hbm>> -> memref<20000x64xf32, #tpu.memory_space<hbm>>
      tpu.wait_indirect_dma semaphore(%arg16 : memref<!tpu.dma_semaphore, #tpu.memory_space<semaphore_mem>>) src(%dma_wait3A_140 : memref<20000x64xf32, #tpu.memory_space<hbm>>) dst(%arg14 : memref<128x64xf32, #tpu.memory_space<vmem>>)
      "tpu.region"() ({
        %run_scoped3A = tpu.sem_alloc : memref<!tpu.dma_semaphore, #tpu.memory_space<semaphore_mem>>
        %dma_start3A_148 = arith.constant 0 : i32
        %dma_start3A_149 = tpu.memref_slice %arg9[%add3A_134, %dma_start3A_148] : memref<160x128xi32, #tpu.memory_space<vmem>> -> memref<1x128xi32, #tpu.memory_space<vmem>>
        %dma_start3A_150 = tpu.memref_squeeze %dma_start3A_149 : memref<1x128xi32, #tpu.memory_space<vmem>> -> memref<128xi32, #tpu.memory_space<vmem>>
        %dma_start3A_151 = arith.constant 0 : i32
        %dma_start3A_152 = arith.constant 0 : i32
        %dma_start3A_153 = tpu.memref_slice %arg15[%dma_start3A_151, %dma_start3A_152] : memref<10240x64xf32, #tpu.memory_space<vmem_shared>> -> memref<10240x64xf32, #tpu.memory_space<vmem_shared>>
        tpu.enqueue_indirect_dma source(%arg14 : memref<128x64xf32, #tpu.memory_space<vmem>>) target(%dma_start3A_153 : memref<10240x64xf32, #tpu.memory_space<vmem_shared>>) offsets(%dma_start3A_150 : memref<128xi32, #tpu.memory_space<vmem>>) semaphore(%run_scoped3A : memref<!tpu.dma_semaphore, #tpu.memory_space<semaphore_mem>>) {add = true}
        %dma_wait3A_154 = arith.constant 0 : i32
        %dma_wait3A_155 = tpu.memref_slice %arg9[%add3A_134, %dma_wait3A_154] : memref<160x128xi32, #tpu.memory_space<vmem>> -> memref<1x128xi32, #tpu.memory_space<vmem>>
        %dma_wait3A_156 = tpu.memref_squeeze %dma_wait3A_155 : memref<1x128xi32, #tpu.memory_space<vmem>> -> memref<128xi32, #tpu.memory_space<vmem>>
        %dma_wait3A_157 = arith.constant 0 : i32
        %dma_wait3A_158 = arith.constant 0 : i32
        %dma_wait3A_159 = tpu.memref_slice %arg15[%dma_wait3A_157, %dma_wait3A_158] : memref<10240x64xf32, #tpu.memory_space<vmem_shared>> -> memref<10240x64xf32, #tpu.memory_space<vmem_shared>>
        tpu.wait_indirect_dma semaphore(%run_scoped3A : memref<!tpu.dma_semaphore, #tpu.memory_space<semaphore_mem>>) src(%arg14 : memref<128x64xf32, #tpu.memory_space<vmem>>) dst(%dma_wait3A_159 : memref<10240x64xf32, #tpu.memory_space<vmem_shared>>)
        tpu.yield
      }) : () -> ()
      %add3A_141 = arith.constant 5 : i32
      %add3A_142 = arith.addi %add3A_134, %add3A_141 : i32
      %lt3A_143 = arith.constant 160 : i32
      %lt3A_144 = arith.cmpi slt, %add3A_142, %lt3A_143 : i32
      %convert_element_type3A_145 = arith.extui %lt3A_144 : i1 to i32
      %cond3A_146 = arith.constant 0 : i32
      %cond3A_147 = arith.cmpi ne, %convert_element_type3A_145, %cond3A_146 : i32
      scf.if %cond3A_147 {
        %add3A_148 = arith.constant 5 : i32
        %add3A_149 = arith.addi %add3A_134, %add3A_148 : i32
        %dma_start3A_150 = arith.constant 0 : i32
        %dma_start3A_151 = tpu.memref_slice %arg8[%add3A_149, %dma_start3A_150] : memref<160x128xi32, #tpu.memory_space<vmem>> -> memref<1x128xi32, #tpu.memory_space<vmem>>
        %dma_start3A_152 = tpu.memref_squeeze %dma_start3A_151 : memref<1x128xi32, #tpu.memory_space<vmem>> -> memref<128xi32, #tpu.memory_space<vmem>>
        %dma_start3A_153 = arith.constant 0 : i32
        %dma_start3A_154 = arith.constant 0 : i32
        %dma_start3A_155 = tpu.memref_slice %arg2[%dma_start3A_153, %dma_start3A_154] : memref<20000x64xf32, #tpu.memory_space<hbm>> -> memref<20000x64xf32, #tpu.memory_space<hbm>>
        tpu.enqueue_indirect_dma source(%dma_start3A_155 : memref<20000x64xf32, #tpu.memory_space<hbm>>) target(%arg14 : memref<128x64xf32, #tpu.memory_space<vmem>>) offsets(%dma_start3A_152 : memref<128xi32, #tpu.memory_space<vmem>>) semaphore(%arg16 : memref<!tpu.dma_semaphore, #tpu.memory_space<semaphore_mem>>)
      } else {
      }
    }
    %scan3A_52 = arith.constant 32 : i32
    %barrier3A_53 = arith.constant 0 : index
    tpu.barrier barrier_id(%barrier3A_53)
    %lt3A = arith.constant 15 : i32
    %lt3A_54 = arith.cmpi slt, %arg1, %lt3A : i32
    %convert_element_type3A_55 = arith.extui %lt3A_54 : i1 to i32
    %cond3A_56 = arith.constant 0 : i32
    %cond3A_57 = arith.cmpi ne, %convert_element_type3A_55, %cond3A_56 : i32
    scf.if %cond3A_57 {
      %mul3A_63 = arith.constant 624 : i32
      %mul3A_64 = arith.muli %arg1, %mul3A_63 : i32
      %multiple_of3A_65 = tpu.assume_multiple %mul3A_64, 8 : i32
      "tpu.region"() ({
        %run_scoped3A = tpu.sem_alloc : memref<!tpu.dma_semaphore, #tpu.memory_space<semaphore_mem>>
        %dma_start3A_66 = arith.constant 0 : i32
        %dma_start3A_67 = tpu.memref_slice %arg7[%arg0, %multiple_of3A_65, %dma_start3A_66] : memref<2x10000x64xf32, #tpu.memory_space<hbm>> -> memref<1x624x64xf32, #tpu.memory_space<hbm>>
        %dma_start3A_68 = tpu.memref_squeeze %dma_start3A_67 : memref<1x624x64xf32, #tpu.memory_space<hbm>> -> memref<624x64xf32, #tpu.memory_space<hbm>>
        %dma_start3A_69 = arith.constant 0 : i32
        %dma_start3A_70 = tpu.memref_slice %arg15[%multiple_of3A_65, %dma_start3A_69] : memref<10240x64xf32, #tpu.memory_space<vmem_shared>> -> memref<624x64xf32, #tpu.memory_space<vmem_shared>>
        tpu.enqueue_dma source(%dma_start3A_70 : memref<624x64xf32, #tpu.memory_space<vmem_shared>>) target(%dma_start3A_68 : memref<624x64xf32, #tpu.memory_space<hbm>>) target_semaphore(%run_scoped3A : memref<!tpu.dma_semaphore, #tpu.memory_space<semaphore_mem>>)
        %dma_wait3A_71 = arith.constant 0 : i32
        %dma_wait3A_72 = tpu.memref_slice %arg7[%arg0, %multiple_of3A_65, %dma_wait3A_71] : memref<2x10000x64xf32, #tpu.memory_space<hbm>> -> memref<1x624x64xf32, #tpu.memory_space<hbm>>
        %dma_wait3A_73 = tpu.memref_squeeze %dma_wait3A_72 : memref<1x624x64xf32, #tpu.memory_space<hbm>> -> memref<624x64xf32, #tpu.memory_space<hbm>>
        %dma_wait3A_74 = arith.constant 0 : i32
        %dma_wait3A_75 = tpu.memref_slice %arg15[%multiple_of3A_65, %dma_wait3A_74] : memref<10240x64xf32, #tpu.memory_space<vmem_shared>> -> memref<624x64xf32, #tpu.memory_space<vmem_shared>>
        tpu.wait_dma2 semaphore(%run_scoped3A : memref<!tpu.dma_semaphore, #tpu.memory_space<semaphore_mem>>) src(%dma_wait3A_75 : memref<624x64xf32, #tpu.memory_space<vmem_shared>>) dst(%dma_wait3A_73 : memref<624x64xf32, #tpu.memory_space<hbm>>)
        tpu.yield
      }) : () -> ()
    } else {
    }
    %eq3A_58 = arith.constant 15 : i32
    %eq3A_59 = arith.cmpi eq, %arg1, %eq3A_58 : i32
    %convert_element_type3A_60 = arith.extui %eq3A_59 : i1 to i32
    %cond3A_61 = arith.constant 0 : i32
    %cond3A_62 = arith.cmpi ne, %convert_element_type3A_60, %cond3A_61 : i32
    scf.if %cond3A_62 {
      "tpu.region"() ({
        %run_scoped3A = tpu.sem_alloc : memref<!tpu.dma_semaphore, #tpu.memory_space<semaphore_mem>>
        %dma_start3A_63 = arith.constant 9360 : i32
        %dma_start3A_64 = arith.constant 0 : i32
        %dma_start3A_65 = tpu.memref_slice %arg7[%arg0, %dma_start3A_63, %dma_start3A_64] : memref<2x10000x64xf32, #tpu.memory_space<hbm>> -> memref<1x640x64xf32, #tpu.memory_space<hbm>>
        %dma_start3A_66 = tpu.memref_squeeze %dma_start3A_65 : memref<1x640x64xf32, #tpu.memory_space<hbm>> -> memref<640x64xf32, #tpu.memory_space<hbm>>
        %dma_start3A_67 = arith.constant 9360 : i32
        %dma_start3A_68 = arith.constant 0 : i32
        %dma_start3A_69 = tpu.memref_slice %arg15[%dma_start3A_67, %dma_start3A_68] : memref<10240x64xf32, #tpu.memory_space<vmem_shared>> -> memref<640x64xf32, #tpu.memory_space<vmem_shared>>
        tpu.enqueue_dma source(%dma_start3A_69 : memref<640x64xf32, #tpu.memory_space<vmem_shared>>) target(%dma_start3A_66 : memref<640x64xf32, #tpu.memory_space<hbm>>) target_semaphore(%run_scoped3A : memref<!tpu.dma_semaphore, #tpu.memory_space<semaphore_mem>>)
        %dma_wait3A_70 = arith.constant 9360 : i32
        %dma_wait3A_71 = arith.constant 0 : i32
        %dma_wait3A_72 = tpu.memref_slice %arg7[%arg0, %dma_wait3A_70, %dma_wait3A_71] : memref<2x10000x64xf32, #tpu.memory_space<hbm>> -> memref<1x640x64xf32, #tpu.memory_space<hbm>>
        %dma_wait3A_73 = tpu.memref_squeeze %dma_wait3A_72 : memref<1x640x64xf32, #tpu.memory_space<hbm>> -> memref<640x64xf32, #tpu.memory_space<hbm>>
        %dma_wait3A_74 = arith.constant 9360 : i32
        %dma_wait3A_75 = arith.constant 0 : i32
        %dma_wait3A_76 = tpu.memref_slice %arg15[%dma_wait3A_74, %dma_wait3A_75] : memref<10240x64xf32, #tpu.memory_space<vmem_shared>> -> memref<640x64xf32, #tpu.memory_space<vmem_shared>>
        tpu.wait_dma2 semaphore(%run_scoped3A : memref<!tpu.dma_semaphore, #tpu.memory_space<semaphore_mem>>) src(%dma_wait3A_76 : memref<640x64xf32, #tpu.memory_space<vmem_shared>>) dst(%dma_wait3A_73 : memref<640x64xf32, #tpu.memory_space<hbm>>)
        tpu.yield
      }) : () -> ()
    } else {
    }
    return
  }
}

#map = affine_map<(d0, d1) -> (0, 0)>
#map1 = affine_map<(d0, d1) -> (0, 0, 0)>
module attributes {stable_mosaic.version = 14 : i64} {
  func.func @k(%arg0: i32, %arg1: i32, %arg2: memref<20000x64xf32, #tpu.memory_space<hbm>>, %arg3: memref<16x160x128xi32, #tpu.memory_space<hbm>>, %arg4: memref<16x160x128xi32, #tpu.memory_space<hbm>>, %arg5: memref<16x160x128xi32, #tpu.memory_space<hbm>>, %arg6: memref<640x64xf32, #tpu.memory_space<hbm>>, %arg7: memref<2x10000x64xf32, #tpu.memory_space<hbm>>, %arg8: memref<160x128xi32, #tpu.memory_space<vmem>>, %arg9: memref<160x128xi32, #tpu.memory_space<vmem>>, %arg10: memref<128x64xf32, #tpu.memory_space<vmem>>, %arg11: memref<128x64xf32, #tpu.memory_space<vmem>>, %arg12: memref<128x64xf32, #tpu.memory_space<vmem>>, %arg13: memref<128x64xf32, #tpu.memory_space<vmem>>, %arg14: memref<128x64xf32, #tpu.memory_space<vmem>>, %arg15: memref<10240x64xf32, #tpu.memory_space<vmem_shared>>, %arg16: memref<!tpu.dma_semaphore, #tpu.memory_space<semaphore_mem>>, %arg17: memref<!tpu.dma_semaphore, #tpu.memory_space<semaphore_mem>>) attributes {dimension_semantics = [#tpu.dimension_semantics<core_parallel>, #tpu.dimension_semantics<subcore_parallel>], iteration_bounds = array<i64: 2, 16>, scalar_prefetch = 0 : i64, scratch_operands = 10 : i64, tpu.core_type = #tpu.core_type<sc_vector_subcore>, window_params = [{transform_indices = #map}, {transform_indices = #map1}, {transform_indices = #map1}, {transform_indices = #map1}, {transform_indices = #map}, {transform_indices = #map1}]} {
    %eq3A = arith.constant 0 : i32
    %eq3A_0 = arith.cmpi eq, %arg0, %eq3A : i32
    %convert_element_type3A = arith.extui %eq3A_0 : i1 to i32
    %cond3A = arith.constant 0 : i32
    %cond3A_1 = arith.cmpi ne, %convert_element_type3A, %cond3A : i32
    scf.if %cond3A_1 {
      "tpu.region"() ({
        %run_scoped3A = tpu.sem_alloc : memref<!tpu.dma_semaphore, #tpu.memory_space<semaphore_mem>>
        %dma_start3A_63 = arith.constant 0 : i32
        %dma_start3A_64 = arith.constant 0 : i32
        %dma_start3A_65 = tpu.memref_slice %arg3[%arg1, %dma_start3A_63, %dma_start3A_64] : memref<16x160x128xi32, #tpu.memory_space<hbm>> -> memref<1x160x128xi32, #tpu.memory_space<hbm>>
        %dma_start3A_66 = tpu.memref_squeeze %dma_start3A_65 : memref<1x160x128xi32, #tpu.memory_space<hbm>> -> memref<160x128xi32, #tpu.memory_space<hbm>>
        %dma_start3A_67 = arith.constant 0 : i32
        %dma_start3A_68 = arith.constant 0 : i32
        %dma_start3A_69 = tpu.memref_slice %arg3[%arg1, %dma_start3A_67, %dma_start3A_68] : memref<16x160x128xi32, #tpu.memory_space<hbm>> -> memref<1x160x128xi32, #tpu.memory_space<hbm>>
        %dma_start3A_70 = tpu.memref_squeeze %dma_start3A_69 : memref<1x160x128xi32, #tpu.memory_space<hbm>> -> memref<160x128xi32, #tpu.memory_space<hbm>>
        tpu.enqueue_dma source(%dma_start3A_70 : memref<160x128xi32, #tpu.memory_space<hbm>>) target(%arg8 : memref<160x128xi32, #tpu.memory_space<vmem>>) target_semaphore(%run_scoped3A : memref<!tpu.dma_semaphore, #tpu.memory_space<semaphore_mem>>)
        %dma_wait3A_71 = arith.constant 0 : i32
        %dma_wait3A_72 = arith.constant 0 : i32
        %dma_wait3A_73 = tpu.memref_slice %arg3[%arg1, %dma_wait3A_71, %dma_wait3A_72] : memref<16x160x128xi32, #tpu.memory_space<hbm>> -> memref<1x160x128xi32, #tpu.memory_space<hbm>>
        %dma_wait3A_74 = tpu.memref_squeeze %dma_wait3A_73 : memref<1x160x128xi32, #tpu.memory_space<hbm>> -> memref<160x128xi32, #tpu.memory_space<hbm>>
        %dma_wait3A_75 = arith.constant 0 : i32
        %dma_wait3A_76 = arith.constant 0 : i32
        %dma_wait3A_77 = tpu.memref_slice %arg3[%arg1, %dma_wait3A_75, %dma_wait3A_76] : memref<16x160x128xi32, #tpu.memory_space<hbm>> -> memref<1x160x128xi32, #tpu.memory_space<hbm>>
        %dma_wait3A_78 = tpu.memref_squeeze %dma_wait3A_77 : memref<1x160x128xi32, #tpu.memory_space<hbm>> -> memref<160x128xi32, #tpu.memory_space<hbm>>
        tpu.wait_dma2 semaphore(%run_scoped3A : memref<!tpu.dma_semaphore, #tpu.memory_space<semaphore_mem>>) src(%dma_wait3A_78 : memref<160x128xi32, #tpu.memory_space<hbm>>) dst(%arg8 : memref<160x128xi32, #tpu.memory_space<vmem>>)
        tpu.yield
      }) : () -> ()
    } else {
    }
    %eq3A_2 = arith.constant 1 : i32
    %eq3A_3 = arith.cmpi eq, %arg0, %eq3A_2 : i32
    %convert_element_type3A_4 = arith.extui %eq3A_3 : i1 to i32
    %cond3A_5 = arith.constant 0 : i32
    %cond3A_6 = arith.cmpi ne, %convert_element_type3A_4, %cond3A_5 : i32
    scf.if %cond3A_6 {
      "tpu.region"() ({
        %run_scoped3A = tpu.sem_alloc : memref<!tpu.dma_semaphore, #tpu.memory_space<semaphore_mem>>
        %dma_start3A_63 = arith.constant 0 : i32
        %dma_start3A_64 = arith.constant 0 : i32
        %dma_start3A_65 = tpu.memref_slice %arg4[%arg1, %dma_start3A_63, %dma_start3A_64] : memref<16x160x128xi32, #tpu.memory_space<hbm>> -> memref<1x160x128xi32, #tpu.memory_space<hbm>>
        %dma_start3A_66 = tpu.memref_squeeze %dma_start3A_65 : memref<1x160x128xi32, #tpu.memory_space<hbm>> -> memref<160x128xi32, #tpu.memory_space<hbm>>
        %dma_start3A_67 = arith.constant 0 : i32
        %dma_start3A_68 = arith.constant 0 : i32
        %dma_start3A_69 = tpu.memref_slice %arg4[%arg1, %dma_start3A_67, %dma_start3A_68] : memref<16x160x128xi32, #tpu.memory_space<hbm>> -> memref<1x160x128xi32, #tpu.memory_space<hbm>>
        %dma_start3A_70 = tpu.memref_squeeze %dma_start3A_69 : memref<1x160x128xi32, #tpu.memory_space<hbm>> -> memref<160x128xi32, #tpu.memory_space<hbm>>
        tpu.enqueue_dma source(%dma_start3A_70 : memref<160x128xi32, #tpu.memory_space<hbm>>) target(%arg8 : memref<160x128xi32, #tpu.memory_space<vmem>>) target_semaphore(%run_scoped3A : memref<!tpu.dma_semaphore, #tpu.memory_space<semaphore_mem>>)
        %dma_wait3A_71 = arith.constant 0 : i32
        %dma_wait3A_72 = arith.constant 0 : i32
        %dma_wait3A_73 = tpu.memref_slice %arg4[%arg1, %dma_wait3A_71, %dma_wait3A_72] : memref<16x160x128xi32, #tpu.memory_space<hbm>> -> memref<1x160x128xi32, #tpu.memory_space<hbm>>
        %dma_wait3A_74 = tpu.memref_squeeze %dma_wait3A_73 : memref<1x160x128xi32, #tpu.memory_space<hbm>> -> memref<160x128xi32, #tpu.memory_space<hbm>>
        %dma_wait3A_75 = arith.constant 0 : i32
        %dma_wait3A_76 = arith.constant 0 : i32
        %dma_wait3A_77 = tpu.memref_slice %arg4[%arg1, %dma_wait3A_75, %dma_wait3A_76] : memref<16x160x128xi32, #tpu.memory_space<hbm>> -> memref<1x160x128xi32, #tpu.memory_space<hbm>>
        %dma_wait3A_78 = tpu.memref_squeeze %dma_wait3A_77 : memref<1x160x128xi32, #tpu.memory_space<hbm>> -> memref<160x128xi32, #tpu.memory_space<hbm>>
        tpu.wait_dma2 semaphore(%run_scoped3A : memref<!tpu.dma_semaphore, #tpu.memory_space<semaphore_mem>>) src(%dma_wait3A_78 : memref<160x128xi32, #tpu.memory_space<hbm>>) dst(%arg8 : memref<160x128xi32, #tpu.memory_space<vmem>>)
        tpu.yield
      }) : () -> ()
    } else {
    }
    "tpu.region"() ({
      %run_scoped3A = tpu.sem_alloc : memref<!tpu.dma_semaphore, #tpu.memory_space<semaphore_mem>>
      %dma_start3A_63 = arith.constant 0 : i32
      %dma_start3A_64 = arith.constant 0 : i32
      %dma_start3A_65 = tpu.memref_slice %arg5[%arg1, %dma_start3A_63, %dma_start3A_64] : memref<16x160x128xi32, #tpu.memory_space<hbm>> -> memref<1x160x128xi32, #tpu.memory_space<hbm>>
      %dma_start3A_66 = tpu.memref_squeeze %dma_start3A_65 : memref<1x160x128xi32, #tpu.memory_space<hbm>> -> memref<160x128xi32, #tpu.memory_space<hbm>>
      %dma_start3A_67 = arith.constant 0 : i32
      %dma_start3A_68 = arith.constant 0 : i32
      %dma_start3A_69 = tpu.memref_slice %arg5[%arg1, %dma_start3A_67, %dma_start3A_68] : memref<16x160x128xi32, #tpu.memory_space<hbm>> -> memref<1x160x128xi32, #tpu.memory_space<hbm>>
      %dma_start3A_70 = tpu.memref_squeeze %dma_start3A_69 : memref<1x160x128xi32, #tpu.memory_space<hbm>> -> memref<160x128xi32, #tpu.memory_space<hbm>>
      tpu.enqueue_dma source(%dma_start3A_70 : memref<160x128xi32, #tpu.memory_space<hbm>>) target(%arg9 : memref<160x128xi32, #tpu.memory_space<vmem>>) target_semaphore(%run_scoped3A : memref<!tpu.dma_semaphore, #tpu.memory_space<semaphore_mem>>)
      %dma_wait3A_71 = arith.constant 0 : i32
      %dma_wait3A_72 = arith.constant 0 : i32
      %dma_wait3A_73 = tpu.memref_slice %arg5[%arg1, %dma_wait3A_71, %dma_wait3A_72] : memref<16x160x128xi32, #tpu.memory_space<hbm>> -> memref<1x160x128xi32, #tpu.memory_space<hbm>>
      %dma_wait3A_74 = tpu.memref_squeeze %dma_wait3A_73 : memref<1x160x128xi32, #tpu.memory_space<hbm>> -> memref<160x128xi32, #tpu.memory_space<hbm>>
      %dma_wait3A_75 = arith.constant 0 : i32
      %dma_wait3A_76 = arith.constant 0 : i32
      %dma_wait3A_77 = tpu.memref_slice %arg5[%arg1, %dma_wait3A_75, %dma_wait3A_76] : memref<16x160x128xi32, #tpu.memory_space<hbm>> -> memref<1x160x128xi32, #tpu.memory_space<hbm>>
      %dma_wait3A_78 = tpu.memref_squeeze %dma_wait3A_77 : memref<1x160x128xi32, #tpu.memory_space<hbm>> -> memref<160x128xi32, #tpu.memory_space<hbm>>
      tpu.wait_dma2 semaphore(%run_scoped3A : memref<!tpu.dma_semaphore, #tpu.memory_space<semaphore_mem>>) src(%dma_wait3A_78 : memref<160x128xi32, #tpu.memory_space<hbm>>) dst(%arg9 : memref<160x128xi32, #tpu.memory_space<vmem>>)
      tpu.yield
    }) : () -> ()
    %dma_start3A = arith.constant 0 : i32
    %dma_start3A_7 = arith.constant 0 : i32
    %dma_start3A_8 = tpu.memref_slice %arg8[%dma_start3A, %dma_start3A_7] : memref<160x128xi32, #tpu.memory_space<vmem>> -> memref<1x128xi32, #tpu.memory_space<vmem>>
    %dma_start3A_9 = tpu.memref_squeeze %dma_start3A_8 : memref<1x128xi32, #tpu.memory_space<vmem>> -> memref<128xi32, #tpu.memory_space<vmem>>
    %dma_start3A_10 = arith.constant 0 : i32
    %dma_start3A_11 = arith.constant 0 : i32
    %dma_start3A_12 = tpu.memref_slice %arg2[%dma_start3A_10, %dma_start3A_11] : memref<20000x64xf32, #tpu.memory_space<hbm>> -> memref<20000x64xf32, #tpu.memory_space<hbm>>
    tpu.enqueue_indirect_dma source(%dma_start3A_12 : memref<20000x64xf32, #tpu.memory_space<hbm>>) target(%arg10 : memref<128x64xf32, #tpu.memory_space<vmem>>) offsets(%dma_start3A_9 : memref<128xi32, #tpu.memory_space<vmem>>) semaphore(%arg16 : memref<!tpu.dma_semaphore, #tpu.memory_space<semaphore_mem>>)
    %dma_start3A_13 = arith.constant 1 : i32
    %dma_start3A_14 = arith.constant 0 : i32
    %dma_start3A_15 = tpu.memref_slice %arg8[%dma_start3A_13, %dma_start3A_14] : memref<160x128xi32, #tpu.memory_space<vmem>> -> memref<1x128xi32, #tpu.memory_space<vmem>>
    %dma_start3A_16 = tpu.memref_squeeze %dma_start3A_15 : memref<1x128xi32, #tpu.memory_space<vmem>> -> memref<128xi32, #tpu.memory_space<vmem>>
    %dma_start3A_17 = arith.constant 0 : i32
    %dma_start3A_18 = arith.constant 0 : i32
    %dma_start3A_19 = tpu.memref_slice %arg2[%dma_start3A_17, %dma_start3A_18] : memref<20000x64xf32, #tpu.memory_space<hbm>> -> memref<20000x64xf32, #tpu.memory_space<hbm>>
    tpu.enqueue_indirect_dma source(%dma_start3A_19 : memref<20000x64xf32, #tpu.memory_space<hbm>>) target(%arg11 : memref<128x64xf32, #tpu.memory_space<vmem>>) offsets(%dma_start3A_16 : memref<128xi32, #tpu.memory_space<vmem>>) semaphore(%arg16 : memref<!tpu.dma_semaphore, #tpu.memory_space<semaphore_mem>>)
    %dma_start3A_20 = arith.constant 2 : i32
    %dma_start3A_21 = arith.constant 0 : i32
    %dma_start3A_22 = tpu.memref_slice %arg8[%dma_start3A_20, %dma_start3A_21] : memref<160x128xi32, #tpu.memory_space<vmem>> -> memref<1x128xi32, #tpu.memory_space<vmem>>
    %dma_start3A_23 = tpu.memref_squeeze %dma_start3A_22 : memref<1x128xi32, #tpu.memory_space<vmem>> -> memref<128xi32, #tpu.memory_space<vmem>>
    %dma_start3A_24 = arith.constant 0 : i32
    %dma_start3A_25 = arith.constant 0 : i32
    %dma_start3A_26 = tpu.memref_slice %arg2[%dma_start3A_24, %dma_start3A_25] : memref<20000x64xf32, #tpu.memory_space<hbm>> -> memref<20000x64xf32, #tpu.memory_space<hbm>>
    tpu.enqueue_indirect_dma source(%dma_start3A_26 : memref<20000x64xf32, #tpu.memory_space<hbm>>) target(%arg12 : memref<128x64xf32, #tpu.memory_space<vmem>>) offsets(%dma_start3A_23 : memref<128xi32, #tpu.memory_space<vmem>>) semaphore(%arg16 : memref<!tpu.dma_semaphore, #tpu.memory_space<semaphore_mem>>)
    %dma_start3A_27 = arith.constant 3 : i32
    %dma_start3A_28 = arith.constant 0 : i32
    %dma_start3A_29 = tpu.memref_slice %arg8[%dma_start3A_27, %dma_start3A_28] : memref<160x128xi32, #tpu.memory_space<vmem>> -> memref<1x128xi32, #tpu.memory_space<vmem>>
    %dma_start3A_30 = tpu.memref_squeeze %dma_start3A_29 : memref<1x128xi32, #tpu.memory_space<vmem>> -> memref<128xi32, #tpu.memory_space<vmem>>
    %dma_start3A_31 = arith.constant 0 : i32
    %dma_start3A_32 = arith.constant 0 : i32
    %dma_start3A_33 = tpu.memref_slice %arg2[%dma_start3A_31, %dma_start3A_32] : memref<20000x64xf32, #tpu.memory_space<hbm>> -> memref<20000x64xf32, #tpu.memory_space<hbm>>
    tpu.enqueue_indirect_dma source(%dma_start3A_33 : memref<20000x64xf32, #tpu.memory_space<hbm>>) target(%arg13 : memref<128x64xf32, #tpu.memory_space<vmem>>) offsets(%dma_start3A_30 : memref<128xi32, #tpu.memory_space<vmem>>) semaphore(%arg16 : memref<!tpu.dma_semaphore, #tpu.memory_space<semaphore_mem>>)
    %dma_start3A_34 = arith.constant 4 : i32
    %dma_start3A_35 = arith.constant 0 : i32
    %dma_start3A_36 = tpu.memref_slice %arg8[%dma_start3A_34, %dma_start3A_35] : memref<160x128xi32, #tpu.memory_space<vmem>> -> memref<1x128xi32, #tpu.memory_space<vmem>>
    %dma_start3A_37 = tpu.memref_squeeze %dma_start3A_36 : memref<1x128xi32, #tpu.memory_space<vmem>> -> memref<128xi32, #tpu.memory_space<vmem>>
    %dma_start3A_38 = arith.constant 0 : i32
    %dma_start3A_39 = arith.constant 0 : i32
    %dma_start3A_40 = tpu.memref_slice %arg2[%dma_start3A_38, %dma_start3A_39] : memref<20000x64xf32, #tpu.memory_space<hbm>> -> memref<20000x64xf32, #tpu.memory_space<hbm>>
    tpu.enqueue_indirect_dma source(%dma_start3A_40 : memref<20000x64xf32, #tpu.memory_space<hbm>>) target(%arg14 : memref<128x64xf32, #tpu.memory_space<vmem>>) offsets(%dma_start3A_37 : memref<128xi32, #tpu.memory_space<vmem>>) semaphore(%arg16 : memref<!tpu.dma_semaphore, #tpu.memory_space<semaphore_mem>>)
    %mul3A = arith.constant 640 : i32
    %mul3A_41 = arith.muli %arg1, %mul3A : i32
    %multiple_of3A = tpu.assume_multiple %mul3A_41, 8 : i32
    %dma_start3A_42 = arith.constant 0 : i32
    %dma_start3A_43 = tpu.memref_slice %arg15[%multiple_of3A, %dma_start3A_42] : memref<10240x64xf32, #tpu.memory_space<vmem_shared>> -> memref<640x64xf32, #tpu.memory_space<vmem_shared>>
    tpu.enqueue_dma source(%arg6 : memref<640x64xf32, #tpu.memory_space<hbm>>) target(%dma_start3A_43 : memref<640x64xf32, #tpu.memory_space<vmem_shared>>) target_semaphore(%arg17 : memref<!tpu.dma_semaphore, #tpu.memory_space<semaphore_mem>>)
    %mul3A_44 = arith.constant 640 : i32
    %mul3A_45 = arith.muli %arg1, %mul3A_44 : i32
    %multiple_of3A_46 = tpu.assume_multiple %mul3A_45, 8 : i32
    %dma_wait3A = arith.constant 0 : i32
    %dma_wait3A_47 = tpu.memref_slice %arg15[%multiple_of3A_46, %dma_wait3A] : memref<10240x64xf32, #tpu.memory_space<vmem_shared>> -> memref<640x64xf32, #tpu.memory_space<vmem_shared>>
    tpu.wait_dma2 semaphore(%arg17 : memref<!tpu.dma_semaphore, #tpu.memory_space<semaphore_mem>>) src(%arg6 : memref<640x64xf32, #tpu.memory_space<hbm>>) dst(%dma_wait3A_47 : memref<640x64xf32, #tpu.memory_space<vmem_shared>>)
    %barrier3A = arith.constant 0 : index
    tpu.barrier barrier_id(%barrier3A)
    %scan3A = arith.constant 0 : i32
    %scan3A_48 = arith.constant 0 : i32
    %scan3A_49 = arith.constant 32 : i32
    %scan3A_50 = arith.addi %scan3A_48, %scan3A_49 : i32
    %scan3A_51 = arith.constant 1 : i32
    scf.for %scan3A_63 = %scan3A_48 to %scan3A_50 step %scan3A_51  : i32 {
      %mul3A_64 = arith.constant 5 : i32
      %mul3A_65 = arith.muli %scan3A_63, %mul3A_64 : i32
      %add3A = arith.constant 0 : i32
      %add3A_66 = arith.addi %mul3A_65, %add3A : i32
      %dma_wait3A_67 = arith.constant 0 : i32
      %dma_wait3A_68 = tpu.memref_slice %arg8[%add3A_66, %dma_wait3A_67] : memref<160x128xi32, #tpu.memory_space<vmem>> -> memref<1x128xi32, #tpu.memory_space<vmem>>
      %dma_wait3A_69 = tpu.memref_squeeze %dma_wait3A_68 : memref<1x128xi32, #tpu.memory_space<vmem>> -> memref<128xi32, #tpu.memory_space<vmem>>
      %dma_wait3A_70 = arith.constant 0 : i32
      %dma_wait3A_71 = arith.constant 0 : i32
      %dma_wait3A_72 = tpu.memref_slice %arg2[%dma_wait3A_70, %dma_wait3A_71] : memref<20000x64xf32, #tpu.memory_space<hbm>> -> memref<20000x64xf32, #tpu.memory_space<hbm>>
      tpu.wait_indirect_dma semaphore(%arg16 : memref<!tpu.dma_semaphore, #tpu.memory_space<semaphore_mem>>) src(%dma_wait3A_72 : memref<20000x64xf32, #tpu.memory_space<hbm>>) dst(%arg10 : memref<128x64xf32, #tpu.memory_space<vmem>>)
      "tpu.region"() ({
        %run_scoped3A = tpu.sem_alloc : memref<!tpu.dma_semaphore, #tpu.memory_space<semaphore_mem>>
        %dma_start3A_148 = arith.constant 0 : i32
        %dma_start3A_149 = tpu.memref_slice %arg9[%add3A_66, %dma_start3A_148] : memref<160x128xi32, #tpu.memory_space<vmem>> -> memref<1x128xi32, #tpu.memory_space<vmem>>
        %dma_start3A_150 = tpu.memref_squeeze %dma_start3A_149 : memref<1x128xi32, #tpu.memory_space<vmem>> -> memref<128xi32, #tpu.memory_space<vmem>>
        %dma_start3A_151 = arith.constant 0 : i32
        %dma_start3A_152 = arith.constant 0 : i32
        %dma_start3A_153 = tpu.memref_slice %arg15[%dma_start3A_151, %dma_start3A_152] : memref<10240x64xf32, #tpu.memory_space<vmem_shared>> -> memref<10240x64xf32, #tpu.memory_space<vmem_shared>>
        tpu.enqueue_indirect_dma source(%arg10 : memref<128x64xf32, #tpu.memory_space<vmem>>) target(%dma_start3A_153 : memref<10240x64xf32, #tpu.memory_space<vmem_shared>>) offsets(%dma_start3A_150 : memref<128xi32, #tpu.memory_space<vmem>>) semaphore(%run_scoped3A : memref<!tpu.dma_semaphore, #tpu.memory_space<semaphore_mem>>) {add = true}
        %dma_wait3A_154 = arith.constant 0 : i32
        %dma_wait3A_155 = tpu.memref_slice %arg9[%add3A_66, %dma_wait3A_154] : memref<160x128xi32, #tpu.memory_space<vmem>> -> memref<1x128xi32, #tpu.memory_space<vmem>>
        %dma_wait3A_156 = tpu.memref_squeeze %dma_wait3A_155 : memref<1x128xi32, #tpu.memory_space<vmem>> -> memref<128xi32, #tpu.memory_space<vmem>>
        %dma_wait3A_157 = arith.constant 0 : i32
        %dma_wait3A_158 = arith.constant 0 : i32
        %dma_wait3A_159 = tpu.memref_slice %arg15[%dma_wait3A_157, %dma_wait3A_158] : memref<10240x64xf32, #tpu.memory_space<vmem_shared>> -> memref<10240x64xf32, #tpu.memory_space<vmem_shared>>
        tpu.wait_indirect_dma semaphore(%run_scoped3A : memref<!tpu.dma_semaphore, #tpu.memory_space<semaphore_mem>>) src(%arg10 : memref<128x64xf32, #tpu.memory_space<vmem>>) dst(%dma_wait3A_159 : memref<10240x64xf32, #tpu.memory_space<vmem_shared>>)
        tpu.yield
      }) : () -> ()
      %add3A_73 = arith.constant 5 : i32
      %add3A_74 = arith.addi %add3A_66, %add3A_73 : i32
      %lt3A_75 = arith.constant 160 : i32
      %lt3A_76 = arith.cmpi slt, %add3A_74, %lt3A_75 : i32
      %convert_element_type3A_77 = arith.extui %lt3A_76 : i1 to i32
      %cond3A_78 = arith.constant 0 : i32
      %cond3A_79 = arith.cmpi ne, %convert_element_type3A_77, %cond3A_78 : i32
      scf.if %cond3A_79 {
        %add3A_148 = arith.constant 5 : i32
        %add3A_149 = arith.addi %add3A_66, %add3A_148 : i32
        %dma_start3A_150 = arith.constant 0 : i32
        %dma_start3A_151 = tpu.memref_slice %arg8[%add3A_149, %dma_start3A_150] : memref<160x128xi32, #tpu.memory_space<vmem>> -> memref<1x128xi32, #tpu.memory_space<vmem>>
        %dma_start3A_152 = tpu.memref_squeeze %dma_start3A_151 : memref<1x128xi32, #tpu.memory_space<vmem>> -> memref<128xi32, #tpu.memory_space<vmem>>
        %dma_start3A_153 = arith.constant 0 : i32
        %dma_start3A_154 = arith.constant 0 : i32
        %dma_start3A_155 = tpu.memref_slice %arg2[%dma_start3A_153, %dma_start3A_154] : memref<20000x64xf32, #tpu.memory_space<hbm>> -> memref<20000x64xf32, #tpu.memory_space<hbm>>
        tpu.enqueue_indirect_dma source(%dma_start3A_155 : memref<20000x64xf32, #tpu.memory_space<hbm>>) target(%arg10 : memref<128x64xf32, #tpu.memory_space<vmem>>) offsets(%dma_start3A_152 : memref<128xi32, #tpu.memory_space<vmem>>) semaphore(%arg16 : memref<!tpu.dma_semaphore, #tpu.memory_space<semaphore_mem>>)
      } else {
      }
      %mul3A_80 = arith.constant 5 : i32
      %mul3A_81 = arith.muli %scan3A_63, %mul3A_80 : i32
      %add3A_82 = arith.constant 1 : i32
      %add3A_83 = arith.addi %mul3A_81, %add3A_82 : i32
      %dma_wait3A_84 = arith.constant 0 : i32
      %dma_wait3A_85 = tpu.memref_slice %arg8[%add3A_83, %dma_wait3A_84] : memref<160x128xi32, #tpu.memory_space<vmem>> -> memref<1x128xi32, #tpu.memory_space<vmem>>
      %dma_wait3A_86 = tpu.memref_squeeze %dma_wait3A_85 : memref<1x128xi32, #tpu.memory_space<vmem>> -> memref<128xi32, #tpu.memory_space<vmem>>
      %dma_wait3A_87 = arith.constant 0 : i32
      %dma_wait3A_88 = arith.constant 0 : i32
      %dma_wait3A_89 = tpu.memref_slice %arg2[%dma_wait3A_87, %dma_wait3A_88] : memref<20000x64xf32, #tpu.memory_space<hbm>> -> memref<20000x64xf32, #tpu.memory_space<hbm>>
      tpu.wait_indirect_dma semaphore(%arg16 : memref<!tpu.dma_semaphore, #tpu.memory_space<semaphore_mem>>) src(%dma_wait3A_89 : memref<20000x64xf32, #tpu.memory_space<hbm>>) dst(%arg11 : memref<128x64xf32, #tpu.memory_space<vmem>>)
      "tpu.region"() ({
        %run_scoped3A = tpu.sem_alloc : memref<!tpu.dma_semaphore, #tpu.memory_space<semaphore_mem>>
        %dma_start3A_148 = arith.constant 0 : i32
        %dma_start3A_149 = tpu.memref_slice %arg9[%add3A_83, %dma_start3A_148] : memref<160x128xi32, #tpu.memory_space<vmem>> -> memref<1x128xi32, #tpu.memory_space<vmem>>
        %dma_start3A_150 = tpu.memref_squeeze %dma_start3A_149 : memref<1x128xi32, #tpu.memory_space<vmem>> -> memref<128xi32, #tpu.memory_space<vmem>>
        %dma_start3A_151 = arith.constant 0 : i32
        %dma_start3A_152 = arith.constant 0 : i32
        %dma_start3A_153 = tpu.memref_slice %arg15[%dma_start3A_151, %dma_start3A_152] : memref<10240x64xf32, #tpu.memory_space<vmem_shared>> -> memref<10240x64xf32, #tpu.memory_space<vmem_shared>>
        tpu.enqueue_indirect_dma source(%arg11 : memref<128x64xf32, #tpu.memory_space<vmem>>) target(%dma_start3A_153 : memref<10240x64xf32, #tpu.memory_space<vmem_shared>>) offsets(%dma_start3A_150 : memref<128xi32, #tpu.memory_space<vmem>>) semaphore(%run_scoped3A : memref<!tpu.dma_semaphore, #tpu.memory_space<semaphore_mem>>) {add = true}
        %dma_wait3A_154 = arith.constant 0 : i32
        %dma_wait3A_155 = tpu.memref_slice %arg9[%add3A_83, %dma_wait3A_154] : memref<160x128xi32, #tpu.memory_space<vmem>> -> memref<1x128xi32, #tpu.memory_space<vmem>>
        %dma_wait3A_156 = tpu.memref_squeeze %dma_wait3A_155 : memref<1x128xi32, #tpu.memory_space<vmem>> -> memref<128xi32, #tpu.memory_space<vmem>>
        %dma_wait3A_157 = arith.constant 0 : i32
        %dma_wait3A_158 = arith.constant 0 : i32
        %dma_wait3A_159 = tpu.memref_slice %arg15[%dma_wait3A_157, %dma_wait3A_158] : memref<10240x64xf32, #tpu.memory_space<vmem_shared>> -> memref<10240x64xf32, #tpu.memory_space<vmem_shared>>
        tpu.wait_indirect_dma semaphore(%run_scoped3A : memref<!tpu.dma_semaphore, #tpu.memory_space<semaphore_mem>>) src(%arg11 : memref<128x64xf32, #tpu.memory_space<vmem>>) dst(%dma_wait3A_159 : memref<10240x64xf32, #tpu.memory_space<vmem_shared>>)
        tpu.yield
      }) : () -> ()
      %add3A_90 = arith.constant 5 : i32
      %add3A_91 = arith.addi %add3A_83, %add3A_90 : i32
      %lt3A_92 = arith.constant 160 : i32
      %lt3A_93 = arith.cmpi slt, %add3A_91, %lt3A_92 : i32
      %convert_element_type3A_94 = arith.extui %lt3A_93 : i1 to i32
      %cond3A_95 = arith.constant 0 : i32
      %cond3A_96 = arith.cmpi ne, %convert_element_type3A_94, %cond3A_95 : i32
      scf.if %cond3A_96 {
        %add3A_148 = arith.constant 5 : i32
        %add3A_149 = arith.addi %add3A_83, %add3A_148 : i32
        %dma_start3A_150 = arith.constant 0 : i32
        %dma_start3A_151 = tpu.memref_slice %arg8[%add3A_149, %dma_start3A_150] : memref<160x128xi32, #tpu.memory_space<vmem>> -> memref<1x128xi32, #tpu.memory_space<vmem>>
        %dma_start3A_152 = tpu.memref_squeeze %dma_start3A_151 : memref<1x128xi32, #tpu.memory_space<vmem>> -> memref<128xi32, #tpu.memory_space<vmem>>
        %dma_start3A_153 = arith.constant 0 : i32
        %dma_start3A_154 = arith.constant 0 : i32
        %dma_start3A_155 = tpu.memref_slice %arg2[%dma_start3A_153, %dma_start3A_154] : memref<20000x64xf32, #tpu.memory_space<hbm>> -> memref<20000x64xf32, #tpu.memory_space<hbm>>
        tpu.enqueue_indirect_dma source(%dma_start3A_155 : memref<20000x64xf32, #tpu.memory_space<hbm>>) target(%arg11 : memref<128x64xf32, #tpu.memory_space<vmem>>) offsets(%dma_start3A_152 : memref<128xi32, #tpu.memory_space<vmem>>) semaphore(%arg16 : memref<!tpu.dma_semaphore, #tpu.memory_space<semaphore_mem>>)
      } else {
      }
      %mul3A_97 = arith.constant 5 : i32
      %mul3A_98 = arith.muli %scan3A_63, %mul3A_97 : i32
      %add3A_99 = arith.constant 2 : i32
      %add3A_100 = arith.addi %mul3A_98, %add3A_99 : i32
      %dma_wait3A_101 = arith.constant 0 : i32
      %dma_wait3A_102 = tpu.memref_slice %arg8[%add3A_100, %dma_wait3A_101] : memref<160x128xi32, #tpu.memory_space<vmem>> -> memref<1x128xi32, #tpu.memory_space<vmem>>
      %dma_wait3A_103 = tpu.memref_squeeze %dma_wait3A_102 : memref<1x128xi32, #tpu.memory_space<vmem>> -> memref<128xi32, #tpu.memory_space<vmem>>
      %dma_wait3A_104 = arith.constant 0 : i32
      %dma_wait3A_105 = arith.constant 0 : i32
      %dma_wait3A_106 = tpu.memref_slice %arg2[%dma_wait3A_104, %dma_wait3A_105] : memref<20000x64xf32, #tpu.memory_space<hbm>> -> memref<20000x64xf32, #tpu.memory_space<hbm>>
      tpu.wait_indirect_dma semaphore(%arg16 : memref<!tpu.dma_semaphore, #tpu.memory_space<semaphore_mem>>) src(%dma_wait3A_106 : memref<20000x64xf32, #tpu.memory_space<hbm>>) dst(%arg12 : memref<128x64xf32, #tpu.memory_space<vmem>>)
      "tpu.region"() ({
        %run_scoped3A = tpu.sem_alloc : memref<!tpu.dma_semaphore, #tpu.memory_space<semaphore_mem>>
        %dma_start3A_148 = arith.constant 0 : i32
        %dma_start3A_149 = tpu.memref_slice %arg9[%add3A_100, %dma_start3A_148] : memref<160x128xi32, #tpu.memory_space<vmem>> -> memref<1x128xi32, #tpu.memory_space<vmem>>
        %dma_start3A_150 = tpu.memref_squeeze %dma_start3A_149 : memref<1x128xi32, #tpu.memory_space<vmem>> -> memref<128xi32, #tpu.memory_space<vmem>>
        %dma_start3A_151 = arith.constant 0 : i32
        %dma_start3A_152 = arith.constant 0 : i32
        %dma_start3A_153 = tpu.memref_slice %arg15[%dma_start3A_151, %dma_start3A_152] : memref<10240x64xf32, #tpu.memory_space<vmem_shared>> -> memref<10240x64xf32, #tpu.memory_space<vmem_shared>>
        tpu.enqueue_indirect_dma source(%arg12 : memref<128x64xf32, #tpu.memory_space<vmem>>) target(%dma_start3A_153 : memref<10240x64xf32, #tpu.memory_space<vmem_shared>>) offsets(%dma_start3A_150 : memref<128xi32, #tpu.memory_space<vmem>>) semaphore(%run_scoped3A : memref<!tpu.dma_semaphore, #tpu.memory_space<semaphore_mem>>) {add = true}
        %dma_wait3A_154 = arith.constant 0 : i32
        %dma_wait3A_155 = tpu.memref_slice %arg9[%add3A_100, %dma_wait3A_154] : memref<160x128xi32, #tpu.memory_space<vmem>> -> memref<1x128xi32, #tpu.memory_space<vmem>>
        %dma_wait3A_156 = tpu.memref_squeeze %dma_wait3A_155 : memref<1x128xi32, #tpu.memory_space<vmem>> -> memref<128xi32, #tpu.memory_space<vmem>>
        %dma_wait3A_157 = arith.constant 0 : i32
        %dma_wait3A_158 = arith.constant 0 : i32
        %dma_wait3A_159 = tpu.memref_slice %arg15[%dma_wait3A_157, %dma_wait3A_158] : memref<10240x64xf32, #tpu.memory_space<vmem_shared>> -> memref<10240x64xf32, #tpu.memory_space<vmem_shared>>
        tpu.wait_indirect_dma semaphore(%run_scoped3A : memref<!tpu.dma_semaphore, #tpu.memory_space<semaphore_mem>>) src(%arg12 : memref<128x64xf32, #tpu.memory_space<vmem>>) dst(%dma_wait3A_159 : memref<10240x64xf32, #tpu.memory_space<vmem_shared>>)
        tpu.yield
      }) : () -> ()
      %add3A_107 = arith.constant 5 : i32
      %add3A_108 = arith.addi %add3A_100, %add3A_107 : i32
      %lt3A_109 = arith.constant 160 : i32
      %lt3A_110 = arith.cmpi slt, %add3A_108, %lt3A_109 : i32
      %convert_element_type3A_111 = arith.extui %lt3A_110 : i1 to i32
      %cond3A_112 = arith.constant 0 : i32
      %cond3A_113 = arith.cmpi ne, %convert_element_type3A_111, %cond3A_112 : i32
      scf.if %cond3A_113 {
        %add3A_148 = arith.constant 5 : i32
        %add3A_149 = arith.addi %add3A_100, %add3A_148 : i32
        %dma_start3A_150 = arith.constant 0 : i32
        %dma_start3A_151 = tpu.memref_slice %arg8[%add3A_149, %dma_start3A_150] : memref<160x128xi32, #tpu.memory_space<vmem>> -> memref<1x128xi32, #tpu.memory_space<vmem>>
        %dma_start3A_152 = tpu.memref_squeeze %dma_start3A_151 : memref<1x128xi32, #tpu.memory_space<vmem>> -> memref<128xi32, #tpu.memory_space<vmem>>
        %dma_start3A_153 = arith.constant 0 : i32
        %dma_start3A_154 = arith.constant 0 : i32
        %dma_start3A_155 = tpu.memref_slice %arg2[%dma_start3A_153, %dma_start3A_154] : memref<20000x64xf32, #tpu.memory_space<hbm>> -> memref<20000x64xf32, #tpu.memory_space<hbm>>
        tpu.enqueue_indirect_dma source(%dma_start3A_155 : memref<20000x64xf32, #tpu.memory_space<hbm>>) target(%arg12 : memref<128x64xf32, #tpu.memory_space<vmem>>) offsets(%dma_start3A_152 : memref<128xi32, #tpu.memory_space<vmem>>) semaphore(%arg16 : memref<!tpu.dma_semaphore, #tpu.memory_space<semaphore_mem>>)
      } else {
      }
      %mul3A_114 = arith.constant 5 : i32
      %mul3A_115 = arith.muli %scan3A_63, %mul3A_114 : i32
      %add3A_116 = arith.constant 3 : i32
      %add3A_117 = arith.addi %mul3A_115, %add3A_116 : i32
      %dma_wait3A_118 = arith.constant 0 : i32
      %dma_wait3A_119 = tpu.memref_slice %arg8[%add3A_117, %dma_wait3A_118] : memref<160x128xi32, #tpu.memory_space<vmem>> -> memref<1x128xi32, #tpu.memory_space<vmem>>
      %dma_wait3A_120 = tpu.memref_squeeze %dma_wait3A_119 : memref<1x128xi32, #tpu.memory_space<vmem>> -> memref<128xi32, #tpu.memory_space<vmem>>
      %dma_wait3A_121 = arith.constant 0 : i32
      %dma_wait3A_122 = arith.constant 0 : i32
      %dma_wait3A_123 = tpu.memref_slice %arg2[%dma_wait3A_121, %dma_wait3A_122] : memref<20000x64xf32, #tpu.memory_space<hbm>> -> memref<20000x64xf32, #tpu.memory_space<hbm>>
      tpu.wait_indirect_dma semaphore(%arg16 : memref<!tpu.dma_semaphore, #tpu.memory_space<semaphore_mem>>) src(%dma_wait3A_123 : memref<20000x64xf32, #tpu.memory_space<hbm>>) dst(%arg13 : memref<128x64xf32, #tpu.memory_space<vmem>>)
      "tpu.region"() ({
        %run_scoped3A = tpu.sem_alloc : memref<!tpu.dma_semaphore, #tpu.memory_space<semaphore_mem>>
        %dma_start3A_148 = arith.constant 0 : i32
        %dma_start3A_149 = tpu.memref_slice %arg9[%add3A_117, %dma_start3A_148] : memref<160x128xi32, #tpu.memory_space<vmem>> -> memref<1x128xi32, #tpu.memory_space<vmem>>
        %dma_start3A_150 = tpu.memref_squeeze %dma_start3A_149 : memref<1x128xi32, #tpu.memory_space<vmem>> -> memref<128xi32, #tpu.memory_space<vmem>>
        %dma_start3A_151 = arith.constant 0 : i32
        %dma_start3A_152 = arith.constant 0 : i32
        %dma_start3A_153 = tpu.memref_slice %arg15[%dma_start3A_151, %dma_start3A_152] : memref<10240x64xf32, #tpu.memory_space<vmem_shared>> -> memref<10240x64xf32, #tpu.memory_space<vmem_shared>>
        tpu.enqueue_indirect_dma source(%arg13 : memref<128x64xf32, #tpu.memory_space<vmem>>) target(%dma_start3A_153 : memref<10240x64xf32, #tpu.memory_space<vmem_shared>>) offsets(%dma_start3A_150 : memref<128xi32, #tpu.memory_space<vmem>>) semaphore(%run_scoped3A : memref<!tpu.dma_semaphore, #tpu.memory_space<semaphore_mem>>) {add = true}
        %dma_wait3A_154 = arith.constant 0 : i32
        %dma_wait3A_155 = tpu.memref_slice %arg9[%add3A_117, %dma_wait3A_154] : memref<160x128xi32, #tpu.memory_space<vmem>> -> memref<1x128xi32, #tpu.memory_space<vmem>>
        %dma_wait3A_156 = tpu.memref_squeeze %dma_wait3A_155 : memref<1x128xi32, #tpu.memory_space<vmem>> -> memref<128xi32, #tpu.memory_space<vmem>>
        %dma_wait3A_157 = arith.constant 0 : i32
        %dma_wait3A_158 = arith.constant 0 : i32
        %dma_wait3A_159 = tpu.memref_slice %arg15[%dma_wait3A_157, %dma_wait3A_158] : memref<10240x64xf32, #tpu.memory_space<vmem_shared>> -> memref<10240x64xf32, #tpu.memory_space<vmem_shared>>
        tpu.wait_indirect_dma semaphore(%run_scoped3A : memref<!tpu.dma_semaphore, #tpu.memory_space<semaphore_mem>>) src(%arg13 : memref<128x64xf32, #tpu.memory_space<vmem>>) dst(%dma_wait3A_159 : memref<10240x64xf32, #tpu.memory_space<vmem_shared>>)
        tpu.yield
      }) : () -> ()
      %add3A_124 = arith.constant 5 : i32
      %add3A_125 = arith.addi %add3A_117, %add3A_124 : i32
      %lt3A_126 = arith.constant 160 : i32
      %lt3A_127 = arith.cmpi slt, %add3A_125, %lt3A_126 : i32
      %convert_element_type3A_128 = arith.extui %lt3A_127 : i1 to i32
      %cond3A_129 = arith.constant 0 : i32
      %cond3A_130 = arith.cmpi ne, %convert_element_type3A_128, %cond3A_129 : i32
      scf.if %cond3A_130 {
        %add3A_148 = arith.constant 5 : i32
        %add3A_149 = arith.addi %add3A_117, %add3A_148 : i32
        %dma_start3A_150 = arith.constant 0 : i32
        %dma_start3A_151 = tpu.memref_slice %arg8[%add3A_149, %dma_start3A_150] : memref<160x128xi32, #tpu.memory_space<vmem>> -> memref<1x128xi32, #tpu.memory_space<vmem>>
        %dma_start3A_152 = tpu.memref_squeeze %dma_start3A_151 : memref<1x128xi32, #tpu.memory_space<vmem>> -> memref<128xi32, #tpu.memory_space<vmem>>
        %dma_start3A_153 = arith.constant 0 : i32
        %dma_start3A_154 = arith.constant 0 : i32
        %dma_start3A_155 = tpu.memref_slice %arg2[%dma_start3A_153, %dma_start3A_154] : memref<20000x64xf32, #tpu.memory_space<hbm>> -> memref<20000x64xf32, #tpu.memory_space<hbm>>
        tpu.enqueue_indirect_dma source(%dma_start3A_155 : memref<20000x64xf32, #tpu.memory_space<hbm>>) target(%arg13 : memref<128x64xf32, #tpu.memory_space<vmem>>) offsets(%dma_start3A_152 : memref<128xi32, #tpu.memory_space<vmem>>) semaphore(%arg16 : memref<!tpu.dma_semaphore, #tpu.memory_space<semaphore_mem>>)
      } else {
      }
      %mul3A_131 = arith.constant 5 : i32
      %mul3A_132 = arith.muli %scan3A_63, %mul3A_131 : i32
      %add3A_133 = arith.constant 4 : i32
      %add3A_134 = arith.addi %mul3A_132, %add3A_133 : i32
      %dma_wait3A_135 = arith.constant 0 : i32
      %dma_wait3A_136 = tpu.memref_slice %arg8[%add3A_134, %dma_wait3A_135] : memref<160x128xi32, #tpu.memory_space<vmem>> -> memref<1x128xi32, #tpu.memory_space<vmem>>
      %dma_wait3A_137 = tpu.memref_squeeze %dma_wait3A_136 : memref<1x128xi32, #tpu.memory_space<vmem>> -> memref<128xi32, #tpu.memory_space<vmem>>
      %dma_wait3A_138 = arith.constant 0 : i32
      %dma_wait3A_139 = arith.constant 0 : i32
      %dma_wait3A_140 = tpu.memref_slice %arg2[%dma_wait3A_138, %dma_wait3A_139] : memref<20000x64xf32, #tpu.memory_space<hbm>> -> memref<20000x64xf32, #tpu.memory_space<hbm>>
      tpu.wait_indirect_dma semaphore(%arg16 : memref<!tpu.dma_semaphore, #tpu.memory_space<semaphore_mem>>) src(%dma_wait3A_140 : memref<20000x64xf32, #tpu.memory_space<hbm>>) dst(%arg14 : memref<128x64xf32, #tpu.memory_space<vmem>>)
      "tpu.region"() ({
        %run_scoped3A = tpu.sem_alloc : memref<!tpu.dma_semaphore, #tpu.memory_space<semaphore_mem>>
        %dma_start3A_148 = arith.constant 0 : i32
        %dma_start3A_149 = tpu.memref_slice %arg9[%add3A_134, %dma_start3A_148] : memref<160x128xi32, #tpu.memory_space<vmem>> -> memref<1x128xi32, #tpu.memory_space<vmem>>
        %dma_start3A_150 = tpu.memref_squeeze %dma_start3A_149 : memref<1x128xi32, #tpu.memory_space<vmem>> -> memref<128xi32, #tpu.memory_space<vmem>>
        %dma_start3A_151 = arith.constant 0 : i32
        %dma_start3A_152 = arith.constant 0 : i32
        %dma_start3A_153 = tpu.memref_slice %arg15[%dma_start3A_151, %dma_start3A_152] : memref<10240x64xf32, #tpu.memory_space<vmem_shared>> -> memref<10240x64xf32, #tpu.memory_space<vmem_shared>>
        tpu.enqueue_indirect_dma source(%arg14 : memref<128x64xf32, #tpu.memory_space<vmem>>) target(%dma_start3A_153 : memref<10240x64xf32, #tpu.memory_space<vmem_shared>>) offsets(%dma_start3A_150 : memref<128xi32, #tpu.memory_space<vmem>>) semaphore(%run_scoped3A : memref<!tpu.dma_semaphore, #tpu.memory_space<semaphore_mem>>) {add = true}
        %dma_wait3A_154 = arith.constant 0 : i32
        %dma_wait3A_155 = tpu.memref_slice %arg9[%add3A_134, %dma_wait3A_154] : memref<160x128xi32, #tpu.memory_space<vmem>> -> memref<1x128xi32, #tpu.memory_space<vmem>>
        %dma_wait3A_156 = tpu.memref_squeeze %dma_wait3A_155 : memref<1x128xi32, #tpu.memory_space<vmem>> -> memref<128xi32, #tpu.memory_space<vmem>>
        %dma_wait3A_157 = arith.constant 0 : i32
        %dma_wait3A_158 = arith.constant 0 : i32
        %dma_wait3A_159 = tpu.memref_slice %arg15[%dma_wait3A_157, %dma_wait3A_158] : memref<10240x64xf32, #tpu.memory_space<vmem_shared>> -> memref<10240x64xf32, #tpu.memory_space<vmem_shared>>
        tpu.wait_indirect_dma semaphore(%run_scoped3A : memref<!tpu.dma_semaphore, #tpu.memory_space<semaphore_mem>>) src(%arg14 : memref<128x64xf32, #tpu.memory_space<vmem>>) dst(%dma_wait3A_159 : memref<10240x64xf32, #tpu.memory_space<vmem_shared>>)
        tpu.yield
      }) : () -> ()
      %add3A_141 = arith.constant 5 : i32
      %add3A_142 = arith.addi %add3A_134, %add3A_141 : i32
      %lt3A_143 = arith.constant 160 : i32
      %lt3A_144 = arith.cmpi slt, %add3A_142, %lt3A_143 : i32
      %convert_element_type3A_145 = arith.extui %lt3A_144 : i1 to i32
      %cond3A_146 = arith.constant 0 : i32
      %cond3A_147 = arith.cmpi ne, %convert_element_type3A_145, %cond3A_146 : i32
      scf.if %cond3A_147 {
        %add3A_148 = arith.constant 5 : i32
        %add3A_149 = arith.addi %add3A_134, %add3A_148 : i32
        %dma_start3A_150 = arith.constant 0 : i32
        %dma_start3A_151 = tpu.memref_slice %arg8[%add3A_149, %dma_start3A_150] : memref<160x128xi32, #tpu.memory_space<vmem>> -> memref<1x128xi32, #tpu.memory_space<vmem>>
        %dma_start3A_152 = tpu.memref_squeeze %dma_start3A_151 : memref<1x128xi32, #tpu.memory_space<vmem>> -> memref<128xi32, #tpu.memory_space<vmem>>
        %dma_start3A_153 = arith.constant 0 : i32
        %dma_start3A_154 = arith.constant 0 : i32
        %dma_start3A_155 = tpu.memref_slice %arg2[%dma_start3A_153, %dma_start3A_154] : memref<20000x64xf32, #tpu.memory_space<hbm>> -> memref<20000x64xf32, #tpu.memory_space<hbm>>
        tpu.enqueue_indirect_dma source(%dma_start3A_155 : memref<20000x64xf32, #tpu.memory_space<hbm>>) target(%arg14 : memref<128x64xf32, #tpu.memory_space<vmem>>) offsets(%dma_start3A_152 : memref<128xi32, #tpu.memory_space<vmem>>) semaphore(%arg16 : memref<!tpu.dma_semaphore, #tpu.memory_space<semaphore_mem>>)
      } else {
      }
    }
    %scan3A_52 = arith.constant 32 : i32
    %barrier3A_53 = arith.constant 0 : index
    tpu.barrier barrier_id(%barrier3A_53)
    %lt3A = arith.constant 15 : i32
    %lt3A_54 = arith.cmpi slt, %arg1, %lt3A : i32
    %convert_element_type3A_55 = arith.extui %lt3A_54 : i1 to i32
    %cond3A_56 = arith.constant 0 : i32
    %cond3A_57 = arith.cmpi ne, %convert_element_type3A_55, %cond3A_56 : i32
    scf.if %cond3A_57 {
      %mul3A_63 = arith.constant 624 : i32
      %mul3A_64 = arith.muli %arg1, %mul3A_63 : i32
      %multiple_of3A_65 = tpu.assume_multiple %mul3A_64, 8 : i32
      "tpu.region"() ({
        %run_scoped3A = tpu.sem_alloc : memref<!tpu.dma_semaphore, #tpu.memory_space<semaphore_mem>>
        %dma_start3A_66 = arith.constant 0 : i32
        %dma_start3A_67 = tpu.memref_slice %arg7[%arg0, %multiple_of3A_65, %dma_start3A_66] : memref<2x10000x64xf32, #tpu.memory_space<hbm>> -> memref<1x624x64xf32, #tpu.memory_space<hbm>>
        %dma_start3A_68 = tpu.memref_squeeze %dma_start3A_67 : memref<1x624x64xf32, #tpu.memory_space<hbm>> -> memref<624x64xf32, #tpu.memory_space<hbm>>
        %dma_start3A_69 = arith.constant 0 : i32
        %dma_start3A_70 = tpu.memref_slice %arg15[%multiple_of3A_65, %dma_start3A_69] : memref<10240x64xf32, #tpu.memory_space<vmem_shared>> -> memref<624x64xf32, #tpu.memory_space<vmem_shared>>
        tpu.enqueue_dma source(%dma_start3A_70 : memref<624x64xf32, #tpu.memory_space<vmem_shared>>) target(%dma_start3A_68 : memref<624x64xf32, #tpu.memory_space<hbm>>) target_semaphore(%run_scoped3A : memref<!tpu.dma_semaphore, #tpu.memory_space<semaphore_mem>>)
        %dma_wait3A_71 = arith.constant 0 : i32
        %dma_wait3A_72 = tpu.memref_slice %arg7[%arg0, %multiple_of3A_65, %dma_wait3A_71] : memref<2x10000x64xf32, #tpu.memory_space<hbm>> -> memref<1x624x64xf32, #tpu.memory_space<hbm>>
        %dma_wait3A_73 = tpu.memref_squeeze %dma_wait3A_72 : memref<1x624x64xf32, #tpu.memory_space<hbm>> -> memref<624x64xf32, #tpu.memory_space<hbm>>
        %dma_wait3A_74 = arith.constant 0 : i32
        %dma_wait3A_75 = tpu.memref_slice %arg15[%multiple_of3A_65, %dma_wait3A_74] : memref<10240x64xf32, #tpu.memory_space<vmem_shared>> -> memref<624x64xf32, #tpu.memory_space<vmem_shared>>
        tpu.wait_dma2 semaphore(%run_scoped3A : memref<!tpu.dma_semaphore, #tpu.memory_space<semaphore_mem>>) src(%dma_wait3A_75 : memref<624x64xf32, #tpu.memory_space<vmem_shared>>) dst(%dma_wait3A_73 : memref<624x64xf32, #tpu.memory_space<hbm>>)
        tpu.yield
      }) : () -> ()
    } else {
    }
    %eq3A_58 = arith.constant 15 : i32
    %eq3A_59 = arith.cmpi eq, %arg1, %eq3A_58 : i32
    %convert_element_type3A_60 = arith.extui %eq3A_59 : i1 to i32
    %cond3A_61 = arith.constant 0 : i32
    %cond3A_62 = arith.cmpi ne, %convert_element_type3A_60, %cond3A_61 : i32
    scf.if %cond3A_62 {
      "tpu.region"() ({
        %run_scoped3A = tpu.sem_alloc : memref<!tpu.dma_semaphore, #tpu.memory_space<semaphore_mem>>
        %dma_start3A_63 = arith.constant 9360 : i32
        %dma_start3A_64 = arith.constant 0 : i32
        %dma_start3A_65 = tpu.memref_slice %arg7[%arg0, %dma_start3A_63, %dma_start3A_64] : memref<2x10000x64xf32, #tpu.memory_space<hbm>> -> memref<1x640x64xf32, #tpu.memory_space<hbm>>
        %dma_start3A_66 = tpu.memref_squeeze %dma_start3A_65 : memref<1x640x64xf32, #tpu.memory_space<hbm>> -> memref<640x64xf32, #tpu.memory_space<hbm>>
        %dma_start3A_67 = arith.constant 9360 : i32
        %dma_start3A_68 = arith.constant 0 : i32
        %dma_start3A_69 = tpu.memref_slice %arg15[%dma_start3A_67, %dma_start3A_68] : memref<10240x64xf32, #tpu.memory_space<vmem_shared>> -> memref<640x64xf32, #tpu.memory_space<vmem_shared>>
        tpu.enqueue_dma source(%dma_start3A_69 : memref<640x64xf32, #tpu.memory_space<vmem_shared>>) target(%dma_start3A_66 : memref<640x64xf32, #tpu.memory_space<hbm>>) target_semaphore(%run_scoped3A : memref<!tpu.dma_semaphore, #tpu.memory_space<semaphore_mem>>)
        %dma_wait3A_70 = arith.constant 9360 : i32
        %dma_wait3A_71 = arith.constant 0 : i32
        %dma_wait3A_72 = tpu.memref_slice %arg7[%arg0, %dma_wait3A_70, %dma_wait3A_71] : memref<2x10000x64xf32, #tpu.memory_space<hbm>> -> memref<1x640x64xf32, #tpu.memory_space<hbm>>
        %dma_wait3A_73 = tpu.memref_squeeze %dma_wait3A_72 : memref<1x640x64xf32, #tpu.memory_space<hbm>> -> memref<640x64xf32, #tpu.memory_space<hbm>>
        %dma_wait3A_74 = arith.constant 9360 : i32
        %dma_wait3A_75 = arith.constant 0 : i32
        %dma_wait3A_76 = tpu.memref_slice %arg15[%dma_wait3A_74, %dma_wait3A_75] : memref<10240x64xf32, #tpu.memory_space<vmem_shared>> -> memref<640x64xf32, #tpu.memory_space<vmem_shared>>
        tpu.wait_dma2 semaphore(%run_scoped3A : memref<!tpu.dma_semaphore, #tpu.memory_space<semaphore_mem>>) src(%dma_wait3A_76 : memref<640x64xf32, #tpu.memory_space<vmem_shared>>) dst(%dma_wait3A_73 : memref<640x64xf32, #tpu.memory_space<hbm>>)
        tpu.yield
      }) : () -> ()
    } else {
    }
    return
  }
}

module attributes {stable_mosaic.version = 14 : i64} {
  func.func @body(%arg0: memref<10000x128xf32, #tpu.memory_space<vmem>>, %arg1: memref<10000x1xf32, #tpu.memory_space<vmem>>, %arg2: memref<10000x1xi32, #tpu.memory_space<vmem>>, %arg3: memref<1x10000xi32, #tpu.memory_space<vmem>>, %arg4: memref<10000x128xf32, #tpu.memory_space<vmem>>) attributes {dimension_semantics = [], scalar_prefetch = 0 : i64, scratch_operands = 0 : i64, tpu.core_type = #tpu.core_type<tc>} {
    %get3A = arith.constant 0 : index
    %get3A_0 = arith.constant 0 : index
    %get3A_1 = vector.load %arg1[%get3A, %get3A_0] : memref<10000x1xf32, #tpu.memory_space<vmem>>, vector<10000x1xf32>
    %get3A_2 = arith.constant 0 : index
    %get3A_3 = arith.constant 0 : index
    %get3A_4 = vector.load %arg3[%get3A_2, %get3A_3] : memref<1x10000xi32, #tpu.memory_space<vmem>>, vector<1x10000xi32>
    %iota3A = tpu.iota {dimensions = array<i32: 0>} : vector<128x10000xi32>
    %broadcast_in_dim3A = vector.shape_cast %get3A_4 : vector<1x10000xi32> to vector<1x10000xi32>
    %broadcast_in_dim3A_5 = vector.broadcast %broadcast_in_dim3A : vector<1x10000xi32> to vector<128x10000xi32>
    %eq3A = arith.cmpi eq, %broadcast_in_dim3A_5, %iota3A : vector<128x10000xi32>
    %reshape3A = vector.shape_cast %get3A_1 : vector<10000x1xf32> to vector<1x10000xf32>
    %broadcast_in_dim3A_6 = vector.shape_cast %reshape3A : vector<1x10000xf32> to vector<1x10000xf32>
    %broadcast_in_dim3A_7 = vector.broadcast %broadcast_in_dim3A_6 : vector<1x10000xf32> to vector<128x10000xf32>
    %jit3A = arith.constant -3.000000e+38 : f32
    %broadcast_in_dim3A_8 = vector.broadcast %jit3A : f32 to vector<128x10000xf32>
    %select_n3A = arith.select %eq3A, %broadcast_in_dim3A_7, %broadcast_in_dim3A_8 : vector<128x10000xi1>, vector<128x10000xf32>
    %reduce_max3A = arith.constant dense<0xFF800000> : vector<128xf32>
    %reduce_max3A_9 = vector.multi_reduction <maximumf>, %select_n3A, %reduce_max3A [1] : vector<128x10000xf32> to vector<128xf32>
    %broadcast_in_dim3A_10 = vector.shape_cast %reduce_max3A_9 : vector<128xf32> to vector<128x1xf32>
    %add3A = arith.constant 1.000000e-10 : f32
    %add3A_11 = vector.broadcast %add3A : f32 to vector<128x1xf32>
    %add3A_12 = arith.addf %broadcast_in_dim3A_10, %add3A_11 : vector<128x1xf32>
    %div3A = arith.constant 1.000000e+00 : f32
    %div3A_13 = vector.broadcast %div3A : f32 to vector<128x1xf32>
    %div3A_14 = arith.divf %div3A_13, %add3A_12 : vector<128x1xf32>
    %get3A_15 = arith.constant 0 : index
    %get3A_16 = arith.constant 0 : index
    %get3A_17 = vector.load %arg2[%get3A_15, %get3A_16] : memref<10000x1xi32, #tpu.memory_space<vmem>>, vector<10000x1xi32>
    %iota3A_18 = tpu.iota {dimensions = array<i32: 1>} : vector<10000x128xi32>
    %broadcast_in_dim3A_19 = vector.shape_cast %get3A_17 : vector<10000x1xi32> to vector<10000x1xi32>
    %broadcast_in_dim3A_20 = vector.broadcast %broadcast_in_dim3A_19 : vector<10000x1xi32> to vector<10000x128xi32>
    %eq3A_21 = arith.cmpi eq, %broadcast_in_dim3A_20, %iota3A_18 : vector<10000x128xi32>
    %convert_element_type3A = arith.extui %eq3A_21 : vector<10000x128xi1> to vector<10000x128xi32>
    %convert_element_type3A_22 = arith.sitofp %convert_element_type3A : vector<10000x128xi32> to vector<10000x128xf32>
    %dot_general3A = arith.constant dense<0.000000e+00> : vector<10000x1xf32>
    %dot_general3A_23 = tpu.matmul %convert_element_type3A_22, %div3A_14, %dot_general3A {dimension_numbers = #tpu.dot_dimension_numbers<[1], [0], [0], [1], [0, 0, 1, 1], [], []>, transpose_lhs_hint = false} : vector<10000x128xf32>, vector<128x1xf32>, vector<10000x1xf32> -> vector<10000x1xf32>
    %mul3A = arith.mulf %get3A_1, %dot_general3A_23 : vector<10000x1xf32>
    %mul3A_24 = arith.constant 2.000000e+00 : f32
    %mul3A_25 = vector.broadcast %mul3A_24 : f32 to vector<10000x1xf32>
    %mul3A_26 = arith.mulf %mul3A_25, %mul3A : vector<10000x1xf32>
    %sub3A = arith.constant 1.000000e+00 : f32
    %sub3A_27 = vector.broadcast %sub3A : f32 to vector<10000x1xf32>
    %sub3A_28 = arith.subf %mul3A_26, %sub3A_27 : vector<10000x1xf32>
    %div3A_29 = arith.constant 4.000000e+01 : f32
    %div3A_30 = vector.broadcast %div3A_29 : f32 to vector<10000x1xf32>
    %div3A_31 = arith.divf %sub3A_28, %div3A_30 : vector<10000x1xf32>
    %add3A_32 = arith.constant 1.000000e+00 : f32
    %add3A_33 = vector.broadcast %add3A_32 : f32 to vector<10000x1xf32>
    %add3A_34 = arith.addf %div3A_31, %add3A_33 : vector<10000x1xf32>
    %get3A_35 = arith.constant 0 : index
    %get3A_36 = arith.constant 0 : index
    %get3A_37 = vector.load %arg0[%get3A_35, %get3A_36] : memref<10000x128xf32, #tpu.memory_space<vmem>>, vector<10000x128xf32>
    %mul3A_38 = vector.broadcast %add3A_34 : vector<10000x1xf32> to vector<10000x128xf32>
    %mul3A_39 = arith.mulf %get3A_37, %mul3A_38 : vector<10000x128xf32>
    %swap3A = arith.constant 0 : index
    %swap3A_40 = arith.constant 0 : index
    %swap3A_41 = vector.load %arg4[%swap3A, %swap3A_40] : memref<10000x128xf32, #tpu.memory_space<vmem>>, vector<10000x128xf32>
    tpu.vector_store %arg4[%swap3A, %swap3A_40], %mul3A_39 {strides = array<i32>} : memref<10000x128xf32, #tpu.memory_space<vmem>>, vector<10000x128xf32>,
    return
  }
}

module attributes {stable_mosaic.version = 14 : i64} {
  func.func @body(%arg0: i32, %arg1: memref<2000x128xf32, #tpu.memory_space<vmem>>, %arg2: memref<1x2000x64xf32, #tpu.memory_space<vmem>>, %arg3: memref<1x2000x64xf32, #tpu.memory_space<vmem>>, %arg4: memref<128x128xf32, #tpu.memory_space<vmem>>, %arg5: memref<1x128xf32, #tpu.memory_space<vmem>>, %arg6: memref<128x128xf32, #tpu.memory_space<vmem>>, %arg7: memref<1x128xf32, #tpu.memory_space<vmem>>, %arg8: memref<2000x128xf32, #tpu.memory_space<vmem>>) attributes {dimension_semantics = [#tpu.dimension_semantics<arbitrary>], iteration_bounds = array<i64: 5>, scalar_prefetch = 0 : i64, scratch_operands = 0 : i64, tpu.core_type = #tpu.core_type<tc>, window_params = [{transform_indices = @transform_0, window_bounds = array<i64: 2000, 128>}, {transform_indices = @transform_1, window_bounds = array<i64: 1, 2000, 64>}, {transform_indices = @transform_2, window_bounds = array<i64: 1, 2000, 64>}, {pipeline_mode = #tpu.pipeline_mode<synchronous>, transform_indices = @transform_3, window_bounds = array<i64: 128, 128>}, {pipeline_mode = #tpu.pipeline_mode<synchronous>, transform_indices = @transform_4, window_bounds = array<i64: 1, 128>}, {pipeline_mode = #tpu.pipeline_mode<synchronous>, transform_indices = @transform_5, window_bounds = array<i64: 128, 128>}, {pipeline_mode = #tpu.pipeline_mode<synchronous>, transform_indices = @transform_6, window_bounds = array<i64: 1, 128>}, {transform_indices = @transform_7, window_bounds = array<i64: 2000, 128>}]} {
    %get3A = arith.constant 0 : index
    %get3A_0 = arith.constant 0 : index
    %get3A_1 = arith.constant 0 : index
    %get3A_2 = vector.load %arg2[%get3A, %get3A_0, %get3A_1] : memref<1x2000x64xf32, #tpu.memory_space<vmem>>, vector<1x2000x64xf32>
    %get3A_3 = vector.shape_cast %get3A_2 : vector<1x2000x64xf32> to vector<2000x64xf32>
    %get3A_4 = arith.constant 0 : index
    %get3A_5 = arith.constant 0 : index
    %get3A_6 = arith.constant 0 : index
    %get3A_7 = vector.load %arg3[%get3A_4, %get3A_5, %get3A_6] : memref<1x2000x64xf32, #tpu.memory_space<vmem>>, vector<1x2000x64xf32>
    %get3A_8 = vector.shape_cast %get3A_7 : vector<1x2000x64xf32> to vector<2000x64xf32>
    %concatenate3A = tpu.concatenate %get3A_3, %get3A_8 in 1 : vector<2000x64xf32>, vector<2000x64xf32> -> vector<2000x128xf32>
    %get3A_9 = arith.constant 0 : index
    %get3A_10 = arith.constant 0 : index
    %get3A_11 = vector.load %arg1[%get3A_9, %get3A_10] : memref<2000x128xf32, #tpu.memory_space<vmem>>, vector<2000x128xf32>
    %add3A = arith.addf %get3A_11, %concatenate3A : vector<2000x128xf32>
    %get3A_12 = arith.constant 0 : index
    %get3A_13 = arith.constant 0 : index
    %get3A_14 = vector.load %arg4[%get3A_12, %get3A_13] : memref<128x128xf32, #tpu.memory_space<vmem>>, vector<128x128xf32>
    %dot_general3A = arith.constant dense<0.000000e+00> : vector<2000x128xf32>
    %dot_general3A_15 = tpu.matmul %add3A, %get3A_14, %dot_general3A {dimension_numbers = #tpu.dot_dimension_numbers<[1], [0], [0], [1], [0, 0, 1, 1], [], []>, transpose_lhs_hint = false} : vector<2000x128xf32>, vector<128x128xf32>, vector<2000x128xf32> -> vector<2000x128xf32>
    %get3A_16 = arith.constant 0 : index
    %get3A_17 = arith.constant 0 : index
    %get3A_18 = vector.load %arg5[%get3A_16, %get3A_17] : memref<1x128xf32, #tpu.memory_space<vmem>>, vector<1x128xf32>
    %add3A_19 = vector.broadcast %get3A_18 : vector<1x128xf32> to vector<2000x128xf32>
    %add3A_20 = arith.addf %dot_general3A_15, %add3A_19 : vector<2000x128xf32>
    %max3A = arith.constant 0.000000e+00 : f32
    %max3A_21 = vector.broadcast %max3A : f32 to vector<2000x128xf32>
    %max3A_22 = arith.maximumf %add3A_20, %max3A_21 : vector<2000x128xf32>
    %get3A_23 = arith.constant 0 : index
    %get3A_24 = arith.constant 0 : index
    %get3A_25 = vector.load %arg6[%get3A_23, %get3A_24] : memref<128x128xf32, #tpu.memory_space<vmem>>, vector<128x128xf32>
    %dot_general3A_26 = arith.constant dense<0.000000e+00> : vector<2000x128xf32>
    %dot_general3A_27 = tpu.matmul %max3A_22, %get3A_25, %dot_general3A_26 {dimension_numbers = #tpu.dot_dimension_numbers<[1], [0], [0], [1], [0, 0, 1, 1], [], []>, transpose_lhs_hint = false} : vector<2000x128xf32>, vector<128x128xf32>, vector<2000x128xf32> -> vector<2000x128xf32>
    %get3A_28 = arith.constant 0 : index
    %get3A_29 = arith.constant 0 : index
    %get3A_30 = vector.load %arg7[%get3A_28, %get3A_29] : memref<1x128xf32, #tpu.memory_space<vmem>>, vector<1x128xf32>
    %add3A_31 = vector.broadcast %get3A_30 : vector<1x128xf32> to vector<2000x128xf32>
    %add3A_32 = arith.addf %dot_general3A_27, %add3A_31 : vector<2000x128xf32>
    %max3A_33 = arith.constant 0.000000e+00 : f32
    %max3A_34 = vector.broadcast %max3A_33 : f32 to vector<2000x128xf32>
    %max3A_35 = arith.maximumf %add3A_32, %max3A_34 : vector<2000x128xf32>
    %swap3A = arith.constant 0 : index
    %swap3A_36 = arith.constant 0 : index
    %swap3A_37 = vector.load %arg8[%swap3A, %swap3A_36] : memref<2000x128xf32, #tpu.memory_space<vmem>>, vector<2000x128xf32>
    tpu.vector_store %arg8[%swap3A, %swap3A_36], %max3A_35 {strides = array<i32>} : memref<2000x128xf32, #tpu.memory_space<vmem>>, vector<2000x128xf32>,
    return
  }
  func.func @transform_0(%arg0: i32) -> (i32, i32) {
    %c0_i32 = arith.constant 0 : i32
    %c0_i32_0 = arith.constant 0 : i32
    return %arg0, %c0_i32 : i32, i32
  }
  func.func @transform_1(%arg0: i32) -> (i32, i32, i32) {
    %c0_i32 = arith.constant 0 : i32
    %c0_i32_0 = arith.constant 0 : i32
    %c0_i32_1 = arith.constant 0 : i32
    return %c0_i32, %arg0, %c0_i32_0 : i32, i32, i32
  }
  func.func @transform_2(%arg0: i32) -> (i32, i32, i32) {
    %c1_i32 = arith.constant 1 : i32
    %c0_i32 = arith.constant 0 : i32
    %c0_i32_0 = arith.constant 0 : i32
    return %c1_i32, %arg0, %c0_i32 : i32, i32, i32
  }
  func.func @transform_3(%arg0: i32) -> (i32, i32) {
    %c0_i32 = arith.constant 0 : i32
    %c0_i32_0 = arith.constant 0 : i32
    %c0_i32_1 = arith.constant 0 : i32
    return %c0_i32, %c0_i32_0 : i32, i32
  }
  func.func @transform_4(%arg0: i32) -> (i32, i32) {
    %c0_i32 = arith.constant 0 : i32
    %c0_i32_0 = arith.constant 0 : i32
    %c0_i32_1 = arith.constant 0 : i32
    return %c0_i32, %c0_i32_0 : i32, i32
  }
  func.func @transform_5(%arg0: i32) -> (i32, i32) {
    %c0_i32 = arith.constant 0 : i32
    %c0_i32_0 = arith.constant 0 : i32
    %c0_i32_1 = arith.constant 0 : i32
    return %c0_i32, %c0_i32_0 : i32, i32
  }
  func.func @transform_6(%arg0: i32) -> (i32, i32) {
    %c0_i32 = arith.constant 0 : i32
    %c0_i32_0 = arith.constant 0 : i32
    %c0_i32_1 = arith.constant 0 : i32
    return %c0_i32, %c0_i32_0 : i32, i32
  }
  func.func @transform_7(%arg0: i32) -> (i32, i32) {
    %c0_i32 = arith.constant 0 : i32
    %c0_i32_0 = arith.constant 0 : i32
    return %arg0, %c0_i32 : i32, i32
  }
}

module attributes {stable_mosaic.version = 14 : i64} {
  func.func @body(%arg0: i32, %arg1: memref<2000x128xf32, #tpu.memory_space<vmem>>, %arg2: memref<1x2000x64xf32, #tpu.memory_space<vmem>>, %arg3: memref<1x2000x64xf32, #tpu.memory_space<vmem>>, %arg4: memref<128x128xf32, #tpu.memory_space<vmem>>, %arg5: memref<1x128xf32, #tpu.memory_space<vmem>>, %arg6: memref<128x128xf32, #tpu.memory_space<vmem>>, %arg7: memref<1x128xf32, #tpu.memory_space<vmem>>, %arg8: memref<2000x1xi32, #tpu.memory_space<vmem>>, %arg9: memref<2000x128xf32, #tpu.memory_space<vmem>>, %arg10: memref<64x128xf32, #tpu.memory_space<vmem>>, %arg11: memref<128x128xf32, #tpu.memory_space<vmem>>, %arg12: memref<1x128xf32, #tpu.memory_space<vmem>>) attributes {dimension_semantics = [#tpu.dimension_semantics<arbitrary>], iteration_bounds = array<i64: 5>, scalar_prefetch = 0 : i64, scratch_operands = 2 : i64, tpu.core_type = #tpu.core_type<tc>, window_params = [{transform_indices = @transform_0, window_bounds = array<i64: 2000, 128>}, {transform_indices = @transform_1, window_bounds = array<i64: 1, 2000, 64>}, {transform_indices = @transform_2, window_bounds = array<i64: 1, 2000, 64>}, {pipeline_mode = #tpu.pipeline_mode<synchronous>, transform_indices = @transform_3, window_bounds = array<i64: 128, 128>}, {pipeline_mode = #tpu.pipeline_mode<synchronous>, transform_indices = @transform_4, window_bounds = array<i64: 1, 128>}, {pipeline_mode = #tpu.pipeline_mode<synchronous>, transform_indices = @transform_5, window_bounds = array<i64: 128, 128>}, {pipeline_mode = #tpu.pipeline_mode<synchronous>, transform_indices = @transform_6, window_bounds = array<i64: 1, 128>}, {transform_indices = @transform_7, window_bounds = array<i64: 2000, 1>}, {transform_indices = @transform_8, window_bounds = array<i64: 2000, 128>}, {pipeline_mode = #tpu.pipeline_mode<synchronous>, transform_indices = @transform_9, window_bounds = array<i64: 64, 128>}]} {
    %get3A = arith.constant 0 : index
    %get3A_0 = arith.constant 0 : index
    %get3A_1 = arith.constant 0 : index
    %get3A_2 = vector.load %arg2[%get3A, %get3A_0, %get3A_1] : memref<1x2000x64xf32, #tpu.memory_space<vmem>>, vector<1x2000x64xf32>
    %get3A_3 = vector.shape_cast %get3A_2 : vector<1x2000x64xf32> to vector<2000x64xf32>
    %get3A_4 = arith.constant 0 : index
    %get3A_5 = arith.constant 0 : index
    %get3A_6 = arith.constant 0 : index
    %get3A_7 = vector.load %arg3[%get3A_4, %get3A_5, %get3A_6] : memref<1x2000x64xf32, #tpu.memory_space<vmem>>, vector<1x2000x64xf32>
    %get3A_8 = vector.shape_cast %get3A_7 : vector<1x2000x64xf32> to vector<2000x64xf32>
    %concatenate3A = tpu.concatenate %get3A_3, %get3A_8 in 1 : vector<2000x64xf32>, vector<2000x64xf32> -> vector<2000x128xf32>
    %get3A_9 = arith.constant 0 : index
    %get3A_10 = arith.constant 0 : index
    %get3A_11 = vector.load %arg1[%get3A_9, %get3A_10] : memref<2000x128xf32, #tpu.memory_space<vmem>>, vector<2000x128xf32>
    %add3A = arith.addf %get3A_11, %concatenate3A : vector<2000x128xf32>
    %get3A_12 = arith.constant 0 : index
    %get3A_13 = arith.constant 0 : index
    %get3A_14 = vector.load %arg4[%get3A_12, %get3A_13] : memref<128x128xf32, #tpu.memory_space<vmem>>, vector<128x128xf32>
    %dot_general3A = arith.constant dense<0.000000e+00> : vector<2000x128xf32>
    %dot_general3A_15 = tpu.matmul %add3A, %get3A_14, %dot_general3A {dimension_numbers = #tpu.dot_dimension_numbers<[1], [0], [0], [1], [0, 0, 1, 1], [], []>, transpose_lhs_hint = false} : vector<2000x128xf32>, vector<128x128xf32>, vector<2000x128xf32> -> vector<2000x128xf32>
    %get3A_16 = arith.constant 0 : index
    %get3A_17 = arith.constant 0 : index
    %get3A_18 = vector.load %arg5[%get3A_16, %get3A_17] : memref<1x128xf32, #tpu.memory_space<vmem>>, vector<1x128xf32>
    %add3A_19 = vector.broadcast %get3A_18 : vector<1x128xf32> to vector<2000x128xf32>
    %add3A_20 = arith.addf %dot_general3A_15, %add3A_19 : vector<2000x128xf32>
    %max3A = arith.constant 0.000000e+00 : f32
    %max3A_21 = vector.broadcast %max3A : f32 to vector<2000x128xf32>
    %max3A_22 = arith.maximumf %add3A_20, %max3A_21 : vector<2000x128xf32>
    %get3A_23 = arith.constant 0 : index
    %get3A_24 = arith.constant 0 : index
    %get3A_25 = vector.load %arg6[%get3A_23, %get3A_24] : memref<128x128xf32, #tpu.memory_space<vmem>>, vector<128x128xf32>
    %dot_general3A_26 = arith.constant dense<0.000000e+00> : vector<2000x128xf32>
    %dot_general3A_27 = tpu.matmul %max3A_22, %get3A_25, %dot_general3A_26 {dimension_numbers = #tpu.dot_dimension_numbers<[1], [0], [0], [1], [0, 0, 1, 1], [], []>, transpose_lhs_hint = false} : vector<2000x128xf32>, vector<128x128xf32>, vector<2000x128xf32> -> vector<2000x128xf32>
    %get3A_28 = arith.constant 0 : index
    %get3A_29 = arith.constant 0 : index
    %get3A_30 = vector.load %arg7[%get3A_28, %get3A_29] : memref<1x128xf32, #tpu.memory_space<vmem>>, vector<1x128xf32>
    %add3A_31 = vector.broadcast %get3A_30 : vector<1x128xf32> to vector<2000x128xf32>
    %add3A_32 = arith.addf %dot_general3A_27, %add3A_31 : vector<2000x128xf32>
    %max3A_33 = arith.constant 0.000000e+00 : f32
    %max3A_34 = vector.broadcast %max3A_33 : f32 to vector<2000x128xf32>
    %max3A_35 = arith.maximumf %add3A_32, %max3A_34 : vector<2000x128xf32>
    %swap3A = arith.constant 0 : index
    %swap3A_36 = arith.constant 0 : index
    %swap3A_37 = vector.load %arg9[%swap3A, %swap3A_36] : memref<2000x128xf32, #tpu.memory_space<vmem>>, vector<2000x128xf32>
    tpu.vector_store %arg9[%swap3A, %swap3A_36], %max3A_35 {strides = array<i32>} : memref<2000x128xf32, #tpu.memory_space<vmem>>, vector<2000x128xf32>,
    %get3A_38 = arith.constant 0 : index
    %get3A_39 = arith.constant 0 : index
    %get3A_40 = vector.load %arg8[%get3A_38, %get3A_39] : memref<2000x1xi32, #tpu.memory_space<vmem>>, vector<2000x1xi32>
    %iota3A = tpu.iota {dimensions = array<i32: 1>} : vector<2000x128xi32>
    %broadcast_in_dim3A = vector.shape_cast %get3A_40 : vector<2000x1xi32> to vector<2000x1xi32>
    %broadcast_in_dim3A_41 = vector.broadcast %broadcast_in_dim3A : vector<2000x1xi32> to vector<2000x128xi32>
    %eq3A = arith.cmpi eq, %broadcast_in_dim3A_41, %iota3A : vector<2000x128xi32>
    %convert_element_type3A = arith.extui %eq3A : vector<2000x128xi1> to vector<2000x128xi32>
    %convert_element_type3A_42 = arith.sitofp %convert_element_type3A : vector<2000x128xi32> to vector<2000x128xf32>
    %dot_general3A_43 = arith.constant dense<0.000000e+00> : vector<128x128xf32>
    %dot_general3A_44 = tpu.matmul %convert_element_type3A_42, %max3A_35, %dot_general3A_43 {dimension_numbers = #tpu.dot_dimension_numbers<[0], [0], [1], [1], [0, 1, 1, 1], [], []>, transpose_lhs_hint = false} : vector<2000x128xf32>, vector<2000x128xf32>, vector<128x128xf32> -> vector<128x128xf32>
    %reduce_sum3A = arith.constant dense<0.000000e+00> : vector<128xf32>
    %reduce_sum3A_45 = vector.multi_reduction <add>, %convert_element_type3A_42, %reduce_sum3A [0] : vector<2000x128xf32> to vector<128xf32>
    %broadcast_in_dim3A_46 = vector.shape_cast %reduce_sum3A_45 : vector<128xf32> to vector<1x128xf32>
    %eq3A_47 = arith.constant 0 : i32
    %eq3A_48 = arith.cmpi eq, %arg0, %eq3A_47 : i32
    %convert_element_type3A_49 = arith.extui %eq3A_48 : i1 to i32
    %cond3A = arith.constant 0 : i32
    %cond3A_50 = arith.cmpi ne, %convert_element_type3A_49, %cond3A : i32
    scf.if %cond3A_50 {
      %swap3A_60 = arith.constant 0 : index
      %swap3A_61 = arith.constant 0 : index
      %swap3A_62 = vector.load %arg11[%swap3A_60, %swap3A_61] : memref<128x128xf32, #tpu.memory_space<vmem>>, vector<128x128xf32>
      tpu.vector_store %arg11[%swap3A_60, %swap3A_61], %dot_general3A_44 {strides = array<i32>} : memref<128x128xf32, #tpu.memory_space<vmem>>, vector<128x128xf32>,
      %swap3A_63 = arith.constant 0 : index
      %swap3A_64 = arith.constant 0 : index
      %swap3A_65 = vector.load %arg12[%swap3A_63, %swap3A_64] : memref<1x128xf32, #tpu.memory_space<vmem>>, vector<1x128xf32>
      tpu.vector_store %arg12[%swap3A_63, %swap3A_64], %broadcast_in_dim3A_46 {strides = array<i32>} : memref<1x128xf32, #tpu.memory_space<vmem>>, vector<1x128xf32>,
    } else {
    }
    %gt3A = arith.constant 0 : i32
    %gt3A_51 = arith.cmpi sgt, %arg0, %gt3A : i32
    %convert_element_type3A_52 = arith.extui %gt3A_51 : i1 to i32
    %cond3A_53 = arith.constant 0 : i32
    %cond3A_54 = arith.cmpi ne, %convert_element_type3A_52, %cond3A_53 : i32
    scf.if %cond3A_54 {
      %get3A_60 = arith.constant 0 : index
      %get3A_61 = arith.constant 0 : index
      %get3A_62 = vector.load %arg11[%get3A_60, %get3A_61] : memref<128x128xf32, #tpu.memory_space<vmem>>, vector<128x128xf32>
      %add3A_63 = arith.addf %get3A_62, %dot_general3A_44 : vector<128x128xf32>
      %swap3A_64 = arith.constant 0 : index
      %swap3A_65 = arith.constant 0 : index
      %swap3A_66 = vector.load %arg11[%swap3A_64, %swap3A_65] : memref<128x128xf32, #tpu.memory_space<vmem>>, vector<128x128xf32>
      tpu.vector_store %arg11[%swap3A_64, %swap3A_65], %add3A_63 {strides = array<i32>} : memref<128x128xf32, #tpu.memory_space<vmem>>, vector<128x128xf32>,
      %get3A_67 = arith.constant 0 : index
      %get3A_68 = arith.constant 0 : index
      %get3A_69 = vector.load %arg12[%get3A_67, %get3A_68] : memref<1x128xf32, #tpu.memory_space<vmem>>, vector<1x128xf32>
      %add3A_70 = arith.addf %get3A_69, %broadcast_in_dim3A_46 : vector<1x128xf32>
      %swap3A_71 = arith.constant 0 : index
      %swap3A_72 = arith.constant 0 : index
      %swap3A_73 = vector.load %arg12[%swap3A_71, %swap3A_72] : memref<1x128xf32, #tpu.memory_space<vmem>>, vector<1x128xf32>
      tpu.vector_store %arg12[%swap3A_71, %swap3A_72], %add3A_70 {strides = array<i32>} : memref<1x128xf32, #tpu.memory_space<vmem>>, vector<1x128xf32>,
    } else {
    }
    %eq3A_55 = arith.constant 4 : i32
    %eq3A_56 = arith.cmpi eq, %arg0, %eq3A_55 : i32
    %convert_element_type3A_57 = arith.extui %eq3A_56 : i1 to i32
    %cond3A_58 = arith.constant 0 : i32
    %cond3A_59 = arith.cmpi ne, %convert_element_type3A_57, %cond3A_58 : i32
    scf.if %cond3A_59 {
      %iota3A_60 = tpu.iota {dimensions = array<i32: 0>} : vector<128x128xi32>
      %iota3A_61 = tpu.iota {dimensions = array<i32: 1>} : vector<128x128xi32>
      %eq3A_62 = arith.cmpi eq, %iota3A_60, %iota3A_61 : vector<128x128xi32>
      %convert_element_type3A_63 = arith.extui %eq3A_62 : vector<128x128xi1> to vector<128x128xi32>
      %convert_element_type3A_64 = arith.sitofp %convert_element_type3A_63 : vector<128x128xi32> to vector<128x128xf32>
      %get3A_65 = arith.constant 0 : index
      %get3A_66 = arith.constant 0 : index
      %get3A_67 = vector.load %arg12[%get3A_65, %get3A_66] : memref<1x128xf32, #tpu.memory_space<vmem>>, vector<1x128xf32>
      %dot_general3A_68 = arith.constant dense<0.000000e+00> : vector<128x1xf32>
      %dot_general3A_69 = tpu.matmul %convert_element_type3A_64, %get3A_67, %dot_general3A_68 {dimension_numbers = #tpu.dot_dimension_numbers<[1], [1], [0], [0], [0, 0, 1, 0], [], []>, transpose_lhs_hint = false} : vector<128x128xf32>, vector<1x128xf32>, vector<128x1xf32> -> vector<128x1xf32>
      %get3A_70 = arith.constant 0 : index
      %get3A_71 = arith.constant 0 : index
      %get3A_72 = vector.load %arg11[%get3A_70, %get3A_71] : memref<128x128xf32, #tpu.memory_space<vmem>>, vector<128x128xf32>
      %max3A_73 = arith.constant 1.000000e+00 : f32
      %max3A_74 = vector.broadcast %max3A_73 : f32 to vector<128x1xf32>
      %max3A_75 = arith.maximumf %dot_general3A_69, %max3A_74 : vector<128x1xf32>
      %div3A = vector.broadcast %max3A_75 : vector<128x1xf32> to vector<128x128xf32>
      %div3A_76 = arith.divf %get3A_72, %div3A : vector<128x128xf32>
      %slice3A = vector.extract_strided_slice %div3A_76 {offsets = [0, 0], sizes = [64, 128], strides = [1, 1]} : vector<128x128xf32> to vector<64x128xf32>
      %swap3A_77 = arith.constant 0 : index
      %swap3A_78 = arith.constant 0 : index
      %swap3A_79 = vector.load %arg10[%swap3A_77, %swap3A_78] : memref<64x128xf32, #tpu.memory_space<vmem>>, vector<64x128xf32>
      tpu.vector_store %arg10[%swap3A_77, %swap3A_78], %slice3A {strides = array<i32>} : memref<64x128xf32, #tpu.memory_space<vmem>>, vector<64x128xf32>,
    } else {
    }
    return
  }
  func.func @transform_0(%arg0: i32) -> (i32, i32) {
    %c0_i32 = arith.constant 0 : i32
    %c0_i32_0 = arith.constant 0 : i32
    return %arg0, %c0_i32 : i32, i32
  }
  func.func @transform_1(%arg0: i32) -> (i32, i32, i32) {
    %c0_i32 = arith.constant 0 : i32
    %c0_i32_0 = arith.constant 0 : i32
    %c0_i32_1 = arith.constant 0 : i32
    return %c0_i32, %arg0, %c0_i32_0 : i32, i32, i32
  }
  func.func @transform_2(%arg0: i32) -> (i32, i32, i32) {
    %c1_i32 = arith.constant 1 : i32
    %c0_i32 = arith.constant 0 : i32
    %c0_i32_0 = arith.constant 0 : i32
    return %c1_i32, %arg0, %c0_i32 : i32, i32, i32
  }
  func.func @transform_3(%arg0: i32) -> (i32, i32) {
    %c0_i32 = arith.constant 0 : i32
    %c0_i32_0 = arith.constant 0 : i32
    %c0_i32_1 = arith.constant 0 : i32
    return %c0_i32, %c0_i32_0 : i32, i32
  }
  func.func @transform_4(%arg0: i32) -> (i32, i32) {
    %c0_i32 = arith.constant 0 : i32
    %c0_i32_0 = arith.constant 0 : i32
    %c0_i32_1 = arith.constant 0 : i32
    return %c0_i32, %c0_i32_0 : i32, i32
  }
  func.func @transform_5(%arg0: i32) -> (i32, i32) {
    %c0_i32 = arith.constant 0 : i32
    %c0_i32_0 = arith.constant 0 : i32
    %c0_i32_1 = arith.constant 0 : i32
    return %c0_i32, %c0_i32_0 : i32, i32
  }
  func.func @transform_6(%arg0: i32) -> (i32, i32) {
    %c0_i32 = arith.constant 0 : i32
    %c0_i32_0 = arith.constant 0 : i32
    %c0_i32_1 = arith.constant 0 : i32
    return %c0_i32, %c0_i32_0 : i32, i32
  }
  func.func @transform_7(%arg0: i32) -> (i32, i32) {
    %c0_i32 = arith.constant 0 : i32
    %c0_i32_0 = arith.constant 0 : i32
    return %arg0, %c0_i32 : i32, i32
  }
  func.func @transform_8(%arg0: i32) -> (i32, i32) {
    %c0_i32 = arith.constant 0 : i32
    %c0_i32_0 = arith.constant 0 : i32
    return %arg0, %c0_i32 : i32, i32
  }
  func.func @transform_9(%arg0: i32) -> (i32, i32) {
    %c0_i32 = arith.constant 0 : i32
    %c0_i32_0 = arith.constant 0 : i32
    %c0_i32_1 = arith.constant 0 : i32
    return %c0_i32, %c0_i32_0 : i32, i32
  }
}

</mosaic_0001>

<sc_bundles>
// kernel: kernel.12.cloned.1.call-start
scs
__scs_entry_jumppad:
0x0: {  	(pc) =	sbr.rel $0x88, $3  }
0x1: {  	(tag) =	ssettag $0x0;
	lr =	simm.s32 $0x1  }
0x2: {  	[smem:$0x3F91] =	sst lr;
	_ =	strace $0xD0000000  }
0x3: {  	_ = 	snop  }
0x4: {  	_ = 	snop  }
0x5: {  	_ = 	snop  }
0x6: {  	_ = 	snop  }
0x7: {  	_ = 	snop  }
__scs_overlays_trampoline_lowered:
0x8: {  	[smem:$0x3FA0] =	sst s0  }
0x9: {  	[smem:$0x3FA1] =	sst s1  }
0xa: {  	[smem:$0x3FA2] =	sst s2  }
0xb: {  	[smem:$0x3FA3] =	sst s3  }
0xc: {  	[smem:$0x3FA4] =	sst s4  }
0xd: {  	[smem:$0x3FA5] =	sst s5  }
0xe: {  	[smem:$0x3FA6] =	sst s6  }
0xf: {  	[smem:$0x3FA7] =	sst s7  }
0x10: {  	[smem:$0x3FA8] =	sst s8  }
0x11: {  	[smem:$0x3FA9] =	sst s9;
	s0 =	simm.s32 @!p0 $0x0  }
0x12: {  	s1 =	sld [smem:$0x3F8F];
	s0 =	simm.s32 @p0 $0x1  }
0x13: {  	[smem:$0x3FAA] =	sst s0;
	s0 =	simm.s32 @!p1 $0x0  }
0x14: {  	s2 =	sld [smem:$0x3F8E];
	s0 =	simm.s32 @p1 $0x1  }
0x15: {  	[smem:$0x3FAB] =	sst s0;
	s0 =	simm.s32 @!p2 $0x0  }
0x16: {  	s3 =	sld [smem:$0x3FDB];
	s0 =	simm.s32 @p2 $0x1  }
0x17: {  	s4 =	simm.s32 $0x1BF5;
	[smem:$0x3FAD] =	sst s0  }
0x18: {  	s0 =	sld [smem:$0x3F90];
	_ =	swait.ge [sflag:s4], $0x0  }
0x19: {  	s7 =	sld [smem:$0x3F91]  }
0x1a: {  	s8 =	sadd.s32 $0xFFFFE003, lr  }
0x1b: {  	s9 =	sadd.s32 $0xFFFFFEF7, lr;
	s5 =	simm.s32 $0xFFFFFFFF;
	p2 =	slt.u32 s8, $0xFFFFF086  }
0x1c: {  	p1 =	slt.u32 s9, $0xF7A;
	s5 =	simm.s32 @!p2 $0x0  }
0x1d: {  	s5 =	simm.s32 @p1 $0x1;
	p0 =	seq.s32 s7, s2  }
0x1e: {  	s7 =	smul.u32 @!p0 $0xF7A, s2;
	p2 =	seq.s32 @!p0 s5, $0x0  }
0x1f: {  	s9 =	smul.u32 $0xF7A, s1;
	s8 =	simm.s32 @!p0 $0x1BF5;
	p2 =	por !p2, p0  }
0x20: {  	[sflag:s8] =	ssyncset.s32 @!p0 $0xFFFFF086;
	s6 =	sadd.s32 @!p0 s3, s7;
	s7 =	simm.s32 @!p0 $0x108  }
0x21: {  	s3 =	sadd.s32 s3, s9;
	s6 =	sadd.s32 @!p0 $0x88, s6;
	s7 =	simm.s32 @p2 $0x1082  }
0x22: {  	[simem:s7], [sflag:s8] =	dma.local @!p0 [hbm:s6], $0xF7A  }
0x23: {  	s9 =	sor.u32 $0xD0000000, s2;
	s6 =	simm.s32 $0x108;
	_ =	swait.ge @!p0 [sflag:s8], $0x0  }
0x24: {  	s3 =	sadd.s32 $0x88, s3;
	s6 =	simm.s32 @!p1 $0x1082;
	[sflag:s4] =	ssyncset.s32 $0xFFFFF086  }
0x25: {  	[simem:s6], [sflag:s4] =	dma.local [hbm:s3], $0xF7A  }
0x26: {  	[smem:$0x3F91] =	sst s1;
	(tag) =	ssettag s2;
	_ =	strace s9  }
0x27: {  	s1 =	sld [smem:$0x3FA1]  }
0x28: {  	s2 =	sld [smem:$0x3FA2]  }
0x29: {  	s4 =	sld [smem:$0x3FA4]  }
0x2a: {  	p0 =	seq.s32 s5, $0x0;
	s5 =	sld [smem:$0x3FA5]  }
0x2b: {  	s6 =	sld [smem:$0x3FA6]  }
0x2c: {  	s7 =	sld [smem:$0x3FA7]  }
0x2d: {  	s3 =	simm.s32 $0x108;
	s8 =	sld [smem:$0x3FA8]  }
0x2e: {  	s3 =	simm.s32 @!p0 $0x1082;
	s9 =	sld [smem:$0x3FA9]  }
0x2f: {  	lr =	sadd.s32 s0, s3;
	s0 =	sld [smem:$0x3FA0]  }
0x30: {  	s3 =	sld [smem:$0x3FA3]  }
0x31: {  	[smem:$0x3FAC] =	sst s10  }
0x32: {  	s10 =	sld [smem:$0x3FAA];
	_ =	sdelay $0x3  }
0x33: {  	p0 =	seq.s32 s10, $0x1;
	s10 =	sld [smem:$0x3FAC];
	_ =	sdelay $0x3  }
0x34: {  	[smem:$0x3FAC] =	sst s10  }
0x35: {  	s10 =	sld [smem:$0x3FAB];
	_ =	sdelay $0x3  }
0x36: {  	p1 =	seq.s32 s10, $0x1;
	s10 =	sld [smem:$0x3FAC];
	_ =	sdelay $0x3  }
0x37: {  	[smem:$0x3FAC] =	sst s10  }
0x38: {  	s10 =	sld [smem:$0x3FAD]  }
0x39: {  	_ = 	snop;
	(pc) =	sbr.ind lr, $3  }
0x3a: {  	_ = 	snop  }
0x3b: {  	_ = 	snop  }
0x3c: {  	p2 =	seq.s32 s10, $0x1;
	s10 =	sld [smem:$0x3FAC]  }
0x3d: {  	_ =	shalt  }
0x3e: {  	_ =	shalt  }
0x3f: {  	_ =	shalt  }
0x40: {  	_ =	shalt  }
0x41: {  	_ =	shalt  }
0x42: {  	_ =	shalt  }
0x43: {  	_ =	shalt  }
0x44: {  	_ =	shalt  }
0x45: {  	_ =	shalt  }
0x46: {  	_ =	shalt  }
0x47: {  	_ =	shalt  }
0x48: {  	_ =	shalt  }
0x49: {  	_ =	shalt  }
0x4a: {  	_ =	shalt  }
0x4b: {  	_ =	shalt  }
0x4c: {  	_ =	shalt  }
0x4d: {  	_ =	shalt  }
0x4e: {  	_ =	shalt  }
0x4f: {  	_ =	shalt  }
0x50: {  	_ =	shalt  }
0x51: {  	_ =	shalt  }
0x52: {  	_ =	shalt  }
0x53: {  	_ =	shalt  }
0x54: {  	_ =	shalt  }
0x55: {  	_ =	shalt  }
0x56: {  	_ =	shalt  }
0x57: {  	_ =	shalt  }
0x58: {  	_ =	shalt  }
0x59: {  	_ =	shalt  }
0x5a: {  	_ =	shalt  }
0x5b: {  	_ =	shalt  }
0x5c: {  	_ =	shalt  }
0x5d: {  	_ =	shalt  }
0x5e: {  	_ =	shalt  }
0x5f: {  	_ =	shalt  }
0x60: {  	_ =	shalt  }
0x61: {  	_ =	shalt  }
0x62: {  	_ =	shalt  }
0x63: {  	_ =	shalt  }
0x64: {  	_ =	shalt  }
0x65: {  	_ =	shalt  }
0x66: {  	_ =	shalt  }
0x67: {  	_ =	shalt  }
0x68: {  	_ =	shalt  }
0x69: {  	_ =	shalt  }
0x6a: {  	_ =	shalt  }
0x6b: {  	_ =	shalt  }
0x6c: {  	_ =	shalt  }
0x6d: {  	_ =	shalt  }
0x6e: {  	_ =	shalt  }
0x6f: {  	_ =	shalt  }
0x70: {  	_ =	shalt  }
0x71: {  	_ =	shalt  }
0x72: {  	_ =	shalt  }
0x73: {  	_ =	shalt  }
0x74: {  	_ =	shalt  }
0x75: {  	_ =	shalt  }
0x76: {  	_ =	shalt  }
0x77: {  	_ =	shalt  }
0x78: {  	_ =	shalt  }
0x79: {  	_ =	shalt  }
0x7a: {  	_ =	shalt  }
0x7b: {  	_ =	shalt  }
0x7c: {  	_ =	shalt  }
0x7d: {  	_ =	shalt  }
0x7e: {  	_ =	shalt  }
0x7f: {  	_ =	shalt  }
0x80: {  	_ =	shalt  }
0x81: {  	_ =	shalt  }
0x82: {  	_ =	shalt  }
0x83: {  	_ =	shalt  }
0x84: {  	_ =	shalt  }
0x85: {  	_ =	shalt  }
0x86: {  	_ =	shalt  }
0x87: {  	_ =	shalt  }
.Lfunc_end0:
.L_simem_size_0:
called_computation.1_lowered:
.L_overlay_start_0:
0x88: {  	s2 =	sld [smem:$0x3FD9]  }
0x89: {  	s3 =	sld [smem:$0x3FFE];
	_ =	sdelay $0x1  }
0x8a: {  	s1 =	srdreg.scid  }
0x8b: {  	s0 =	sand.u32 $0x1, s1  }
0x8c: {  	s14 =	sshll.u32 s0, $0xA;
	s2 =	sadd.s32 s3, s2  }
0x8d: {  	s2 =	sadd.s32 s2, s14  }
0x8e: {  	[smem:$0x3FB8] =	sst s2  }
0x8f: {  	_ = 	snop  }
0x90: {  	s2 =	sld [smem:$0x3FD0];
	_ =	sdelay $0x2  }
0x91: {  	s15 =	simm.s32 $0xA;
	s4 =	simm.s32 $0x10  }
0x92: {  	[smem:s4], [sflag:s15] =	dma.local [hbm:s2], $0x1  }
0x93: {  	_ =	swait.eq [sflag:s15], $0x1  }
0x94: {  	[sflag:s15] =	ssyncset.done $0x0  }
0x95: {  	[sflag:s15] =	ssyncadd.s32 $0xFFFFFFFF  }
0x96: {  	s16 =	sld [smem:$0x11];
	(tm) =	ssettm $0x1  }
0x97: {  	s17 =	sld [smem:$0x3FFB];
	_ =	sdelay $0x3  }
0x98: {  	_ =	strace s17  }
0x99: {  	s3 =	sld [smem:$0x3FFC];
	_ =	sdelay $0x3  }
0x9a: {  	_ =	strace s3  }
0x9b: {  	s3 =	sld [smem:$0x3FFD];
	_ =	sdelay $0x3  }
0x9c: {  	_ =	strace s3  }
0x9d: {  	_ =	strace $0x8FFFFFFF  }
0x9e: {  	s18 =	sld [smem:$0x3FDB];
	_ =	sdelay $0x1  }
0x9f: {  	s19 =	simm.s32 $_scs_section_size  }
0xa0: {  	s5 =	simm.s32 $_size__tile_overlayer_lowered;
	s6 =	simm.s32 $_tile_overlayer_lowered  }
0xa1: {  	s22 =	simm.s32 $0x1BFF;
	s21 =	sshll.u32 s6, $0x1;
	s3 =	sadd.s32 s19, s18  }
0xa2: {  	s7 =	simm.s32 $0x0;
	s20 =	sshll.u32 s5, $0x1;
	s5 =	sadd.s32 s21, s3  }
0xa3: {  	[timem:s7], [sflag:s22] =	dma.local [hbm:s5], s20  }
0xa4: {  	_ =	swait.ge [sflag:s22], s20  }
0xa5: {  	s4 =	ssub.s32 $0x0, s20;
	[sflag:s22] =	ssyncset.done $0x0  }
0xa6: {  	[sflag:s22] =	ssyncadd.s32 s4;
	_ =	sdelay $0x1  }
0xa7: {  	s23 =	simm.s32 $0x1B8B  }
0xa8: {  	_ =	swait.ge [sflag:s23], $0x1  }
0xa9: {  	[sflag:s23] =	ssyncset.done $0x0  }
0xaa: {  	s25 =	simm.s32 $0x1B8E;
	s24 =	sld [smem:$0x3FFE];
	[sflag:s23] =	ssyncadd.s32 $0xFFFFFFFF  }
0xab: {  	s26 =	simm.s32 $execute0_lowered;
	[smem:$0x3FD2] =	sst s25  }
0xac: {  	s5 =	sshll.u32 s26, $0x1;
	_ =	strace $0x80000049;
	[dreg:$0x1] =	wrdreg $0xFFFFFFFF  }
0xad: {  	s28 =	simm.s32 $_size_execute0_lowered;
	s3 =	sadd.s32 s3, s5;
	[dreg:$0x0] =	wrdreg $0x0  }
0xae: {  	s5 =	sshll.u32 s28, $0x1;
	[dreg:$0x2] =	wrdreg s3  }
0xaf: {  	[dreg:$0x3] =	wrdreg s5  }
0xb0: {  	[dreg:$0x4] =	wrdreg $0xC0  }
0xb1: {  	_ =	task [dreg:s7], $0x5FFFF  }
0xb2: {  	[dreg:$0x1] =	wrdreg $0xFFFFFFFF  }
0xb3: {  	[dreg:$0x0] =	wrdreg $0x60  }
0xb4: {  	[dreg:$0x2] =	wrdreg s16  }
0xb5: {  	[dreg:$0x3] =	wrdreg s24  }
0xb6: {  	[dreg:$0x4] =	wrdreg $0x140000  }
0xb7: {  	[dreg:$0x5] =	wrdreg $0x9  }
0xb8: {  	_ =	task.clear_ibuf [dreg:s7], $0x6FFFF;
	_ =	strace $0x90000049  }
0xb9: {  	s29 =	simm.s32 $0x9;
	_ =	strace $0x8000004B  }
0xba: {  	_ =	swait.ge [sflag:s29], $0x1  }
0xbb: {  	[sflag:s29] =	ssyncadd.s32 $0xFFFFFFFF  }
0xbc: {  	_ =	strace $0x9000004B  }
0xbd: {  	_ =	sfence  }
0xbe: {  	s30 =	sld [smem:$0x0];
	_ =	sdelay $0x2  }
0xbf: {  	s31 =	sshll.u32 s1, $0xD;
	s1 =	sshrl.u32 s1, $0x2  }
0xc0: {  	s3 =	sand.u32 $0x4000, s31;
	s1 =	sadd.s32 s1, s30  }
0xc1: {  	s0 =	sor.u32 s3, s0;
	s1 =	sshll.u32 s1, $0x11  }
0xc2: {  	s0 =	sor.u32 s1, s0  }
0xc3: {  	s0 =	sadd.s32 $0x8F2B, s0  }
0xc4: {  	[sflag:s0] =	ssyncadd.remote.s32 $0x1  }
0xc5: {  	_ =	sfence.sel $0xFFFF  }
0xc6: {  	[dreg:$0x0] =	wrdreg $0xFFFFFFFF;
	(pc) =	sbr.abs _section_cstart, $3  }
0xc7: {  	[dreg:$0x1] =	wrdreg $0xFFFFFFFF  }
0xc8: {  	_ =	task.clear_ibuf [dreg:s7], $0x2FFFF;
	_ =	strace $0x9FFFFFFF  }
0xc9: {  	(tm) =	ssettm $0x7FFFFFFF  }
tec
execute0_lowered:
.L_overlay_start_1:
0x0: {  	(tag) =	ssettag $0x1  }
0x1: {  	s1 =	rddreg [dreg:$0x0]  }
0x2: {  	s0 =	rddreg [dreg:$0x1]  }
0x3: {  	s3 =	rddreg [dreg:$0x2]  }
0x4: {  	s4 =	simm.s32 $0x0;
	s2 =	stileid.u32;
	s6 =	srdreg.scid  }
0x5: {  	s13 =	simm.s32 $0x80;
	s14 =	simm.s32 $0xA000;
	s15 =	simm.s32 $0xC000  }
0x6: {  	s17 =	simm.s32 $0xE000;
	s19 =	simm.s32 $0x10000;
	s21 =	simm.s32 $0x12000  }
0x7: {  	s23 =	simm.s32 $0x2;
	s28 =	simm.s32 $0x9D80;
	s29 =	simm.s32 $0x9E00  }
0x8: {  	s30 =	simm.s32 $0x9E80;
	s31 =	simm.s32 $0x9F00;
	s5 =	smul.u32 $0xA00, s2  }
0x9: {  	[smem:$0x7FF] =	sst s4;
	s6 =	sand.u32 $0x1, s6;
	s11 =	smul.u32 $0x9C00, s2  }
0xa: {  	s26 =	smul.u32 $0x28000, s2;
	s18 =	sadd.s32 $0x92400, s3;
	_ =	strace $0x8000004A  }
0xb: {  	s7 =	ssub.s32 $0x2, s6;
	s8 =	smul.u32 $0x9C400, s6;
	p0 =	seq.s32 s6, $0x1  }
0xc: {  	s10 =	sadd.s32 s5, s0;
	s5 =	sadd.s32 $0x21800, s0;
	s9 =	sshrl.u32 s7, $0x1  }
0xd: {  	s0 =	sadd.s32 $0x22C00, s0;
	s9 =	ssub.s32 s7, s9;
	s6 =	sadd.s32 $0x17800, s10  }
0xe: {  	s12 =	sadd.s32 s11, s8;
	s7 =	sshrl.u32 s26, $0x2;
	s8 =	sshrl.u32 s8, $0x3  }
0xf: {  	s26 =	simm.s32 $0x1;
	s12 =	sshrl.u32 s12, $0x3;
	s16 =	sadd.s32 s7, s3  }
0x10: {  	s9 =	smax.u32 s9, $0x1;
	s7 =	sadd.s32 s0, s12;
	s0 =	sadd.s32 s0, s8  }
0x11: {  	s12 =	sadd.s32 s11, s3;
	s8 =	sadd.s32 $0x12480, s0;
	s0 =	simm.s32 $0x3800  }
0x12: {  	s11 =	simm.s32 $0x3;
	s0 =	simm.s32 @!p0 $0xD800;
	p0 =	seq.s32 s2, $0xF  }
0x13: {  	s22 =	sshrl.u32 s16, $0x3;
	s10 =	sadd.s32 s0, s10;
	s24 =	sshrl.u32 @p0 s18, $0x3  }
0x14: {  	s25 =	sshrl.u32 @!p0 s12, $0x3;
	s0 =	simm.s32 $0x9F80;
	s12 =	simm.s32 $0x0  }
.LBB2_1:
0x15: {  	[tilespmem:s4], [sflag:$0x3] =	stream.linear.gather [hbm4b:s10+s4], $0x5000, $0x38;
	[tilespmem:$0x1E000] =	vst v63  }
0x16: {  	_ =	swait.ge [sflag:s11], $0x5000  }
0x17: {  	[sflag:s11] =	ssyncset.done $0x0  }
0x18: {  	s16 =	simm.s32 $0x5000;
	[sflag:s11] =	ssyncadd.s32 $0xFFFFB000  }
0x19: {  	[tilespmem:s16], [sflag:$0x3] =	stream.linear.gather [hbm4b:s6+s4], $0x5000, $0x38;
	[tilespmem:$0x1E000] =	vst v63  }
0x1a: {  	_ =	swait.ge [sflag:s11], $0x5000  }
0x1b: {  	[sflag:s11] =	ssyncset.done $0x0  }
0x1c: {  	[sflag:s11] =	ssyncadd.s32 $0xFFFFB000  }
0x1d: {  	[tilespmem:s14], [sflag:$0x1] =	stream.indirect.gather [hbm4b:s1+s13], $0x40, s4, s13, $0xb8;
	[tilespmem:$0x1E000] =	vst v63  }
0x1e: {  	_ = 	snop  }
0x1f: {  	[tilespmem:s15], [sflag:$0x1] =	stream.indirect.gather [hbm4b:s1+s13], $0x40, s13, s13, $0xb8;
	[tilespmem:$0x1E000] =	vst v63  }
0x20: {  	s20 =	simm.s32 $0x100  }
0x21: {  	[tilespmem:s17], [sflag:$0x1] =	stream.indirect.gather [hbm4b:s1+s13], $0x40, s20, s13, $0xb8;
	[tilespmem:$0x1E000] =	vst v63  }
0x22: {  	s18 =	simm.s32 $0x180  }
0x23: {  	[tilespmem:s19], [sflag:$0x1] =	stream.indirect.gather [hbm4b:s1+s13], $0x40, s18, s13, $0xb8;
	[tilespmem:$0x1E000] =	vst v63  }
0x24: {  	s18 =	sshll.u32 s2, $0x6  }
0x25: {  	s20 =	simm.s32 $0x200;
	s16 =	sor.u32 $0x1C02, s18  }
0x26: {  	[tilespmem:s21], [sflag:$0x1] =	stream.indirect.gather [hbm4b:s1+s13], $0x40, s20, s13, $0xb8;
	[tilespmem:$0x1E000] =	vst v63  }
0x27: {  	[spmem:s22], [sflag:s16] =	dma.local [hbm:s5], $0x1400  }
0x28: {  	_ =	swait.ge [sflag:s23], $0x1400  }
0x29: {  	[sflag:s23] =	ssyncset.done $0x0  }
0x2a: {  	[sflag:s23] =	ssyncadd.s32 $0xFFFFEC00  }
0x2b: {  	[bflag:$0x0] =	sbarrier.arrive $0xFFFF  }
0x2c: {  	_ =	swait.ge [sflag:s26], $0x2000  }
0x2d: {  	[sflag:s26] =	ssyncset.done $0x0  }
0x2e: {  	s20 =	simm.s32 $0x5000;
	[sflag:s26] =	ssyncadd.s32 $0xFFFFE000  }
0x2f: {  	[spmem:s3] =	stream.indirect.scatter.add.f32 [tilespmem:s14], [sflag:$0x3], $0x40, s20, s13, $0xb8;
	[tilespmem:$0x1E000] =	vst v63  }
0x30: {  	_ =	swait.ge [sflag:s11], $0x2000  }
0x31: {  	[sflag:s11] =	ssyncset.done $0x0  }
0x32: {  	s18 =	simm.s32 $0x280;
	[sflag:s11] =	ssyncadd.s32 $0xFFFFE000  }
0x33: {  	[tilespmem:s14], [sflag:$0x1] =	stream.indirect.gather [hbm4b:s1+s13], $0x40, s18, s13, $0xb8;
	[tilespmem:$0x1E000] =	vst v63  }
0x34: {  	_ =	swait.ge [sflag:s26], $0x2000  }
0x35: {  	[sflag:s26] =	ssyncset.done $0x0  }
0x36: {  	s20 =	simm.s32 $0x5080;
	[sflag:s26] =	ssyncadd.s32 $0xFFFFE000  }
0x37: {  	[spmem:s3] =	stream.indirect.scatter.add.f32 [tilespmem:s15], [sflag:$0x3], $0x40, s20, s13, $0xb8;
	[tilespmem:$0x1E000] =	vst v63  }
0x38: {  	_ =	swait.ge [sflag:s11], $0x2000  }
0x39: {  	[sflag:s11] =	ssyncset.done $0x0  }
0x3a: {  	s18 =	simm.s32 $0x300;
	[sflag:s11] =	ssyncadd.s32 $0xFFFFE000  }
0x3b: {  	[tilespmem:s15], [sflag:$0x1] =	stream.indirect.gather [hbm4b:s1+s13], $0x40, s18, s13, $0xb8;
	[tilespmem:$0x1E000] =	vst v63  }
0x3c: {  	_ =	swait.ge [sflag:s26], $0x2000  }
0x3d: {  	[sflag:s26] =	ssyncset.done $0x0  }
0x3e: {  	s20 =	simm.s32 $0x5100;
	[sflag:s26] =	ssyncadd.s32 $0xFFFFE000  }
0x3f: {  	[spmem:s3] =	stream.indirect.scatter.add.f32 [tilespmem:s17], [sflag:$0x3], $0x40, s20, s13, $0xb8;
	[tilespmem:$0x1E000] =	vst v63  }
0x40: {  	_ =	swait.ge [sflag:s11], $0x2000  }
0x41: {  	[sflag:s11] =	ssyncset.done $0x0  }
0x42: {  	s18 =	simm.s32 $0x380;
	[sflag:s11] =	ssyncadd.s32 $0xFFFFE000  }
0x43: {  	[tilespmem:s17], [sflag:$0x1] =	stream.indirect.gather [hbm4b:s1+s13], $0x40, s18, s13, $0xb8;
	[tilespmem:$0x1E000] =	vst v63  }
0x44: {  	_ =	swait.ge [sflag:s26], $0x2000  }
0x45: {  	[sflag:s26] =	ssyncset.done $0x0  }
0x46: {  	s20 =	simm.s32 $0x5180;
	[sflag:s26] =	ssyncadd.s32 $0xFFFFE000  }
0x47: {  	[spmem:s3] =	stream.indirect.scatter.add.f32 [tilespmem:s19], [sflag:$0x3], $0x40, s20, s13, $0xb8;
	[tilespmem:$0x1E000] =	vst v63  }
0x48: {  	_ =	swait.ge [sflag:s11], $0x2000  }
0x49: {  	[sflag:s11] =	ssyncset.done $0x0  }
0x4a: {  	s18 =	simm.s32 $0x400;
	[sflag:s11] =	ssyncadd.s32 $0xFFFFE000  }
0x4b: {  	[tilespmem:s19], [sflag:$0x1] =	stream.indirect.gather [hbm4b:s1+s13], $0x40, s18, s13, $0xb8;
	[tilespmem:$0x1E000] =	vst v63  }
0x4c: {  	_ =	swait.ge [sflag:s26], $0x2000  }
0x4d: {  	[sflag:s26] =	ssyncset.done $0x0  }
0x4e: {  	s20 =	simm.s32 $0x5200;
	[sflag:s26] =	ssyncadd.s32 $0xFFFFE000  }
0x4f: {  	[spmem:s3] =	stream.indirect.scatter.add.f32 [tilespmem:s21], [sflag:$0x3], $0x40, s20, s13, $0xb8;
	[tilespmem:$0x1E000] =	vst v63  }
0x50: {  	_ =	swait.ge [sflag:s11], $0x2000  }
0x51: {  	[sflag:s11] =	ssyncset.done $0x0  }
0x52: {  	s16 =	simm.s32 $0xA00;
	s18 =	simm.s32 $0x480;
	[sflag:s11] =	ssyncadd.s32 $0xFFFFE000  }
.LBB2_2:
0x53: {  	[tilespmem:s21], [sflag:$0x1] =	stream.indirect.gather [hbm4b:s1+s13], $0x40, s18, s13, $0xb8;
	[tilespmem:$0x1E000] =	vst v63  }
0x54: {  	s18 =	smov.u32 s16  }
0x55: {  	p1 =	sne.s32 s16, $0x12C00;
	s16 =	sadd.s32 $0xA00, s16;
	_ =	swait.ge [sflag:s26], $0x2000  }
0x56: {  	s18 =	sshra.s32 s18, $0x2;
	[sflag:s26] =	ssyncset.done $0x0  }
0x57: {  	s20 =	sadd.s32 $0x5000, s18;
	[sflag:s26] =	ssyncadd.s32 $0xFFFFE000  }
0x58: {  	[spmem:s3] =	stream.indirect.scatter.add.f32 [tilespmem:s14], [sflag:$0x3], $0x40, s20, s13, $0xb8;
	[tilespmem:$0x1E000] =	vst v63  }
0x59: {  	_ =	swait.ge [sflag:s11], $0x2000  }
0x5a: {  	[sflag:s11] =	ssyncset.done $0x0  }
0x5b: {  	s20 =	sadd.s32 $0x280, s18;
	[sflag:s11] =	ssyncadd.s32 $0xFFFFE000  }
0x5c: {  	[tilespmem:s14], [sflag:$0x1] =	stream.indirect.gather [hbm4b:s1+s13], $0x40, s20, s13, $0xb8;
	[tilespmem:$0x1E000] =	vst v63  }
0x5d: {  	_ =	swait.ge [sflag:s26], $0x2000  }
0x5e: {  	[sflag:s26] =	ssyncset.done $0x0  }
0x5f: {  	s20 =	sadd.s32 $0x5080, s18;
	[sflag:s26] =	ssyncadd.s32 $0xFFFFE000  }
0x60: {  	[spmem:s3] =	stream.indirect.scatter.add.f32 [tilespmem:s15], [sflag:$0x3], $0x40, s20, s13, $0xb8;
	[tilespmem:$0x1E000] =	vst v63  }
0x61: {  	_ =	swait.ge [sflag:s11], $0x2000  }
0x62: {  	[sflag:s11] =	ssyncset.done $0x0  }
0x63: {  	s20 =	sadd.s32 $0x300, s18;
	[sflag:s11] =	ssyncadd.s32 $0xFFFFE000  }
0x64: {  	[tilespmem:s15], [sflag:$0x1] =	stream.indirect.gather [hbm4b:s1+s13], $0x40, s20, s13, $0xb8;
	[tilespmem:$0x1E000] =	vst v63  }
0x65: {  	_ =	swait.ge [sflag:s26], $0x2000  }
0x66: {  	[sflag:s26] =	ssyncset.done $0x0  }
0x67: {  	s20 =	sadd.s32 $0x5100, s18;
	[sflag:s26] =	ssyncadd.s32 $0xFFFFE000  }
0x68: {  	[spmem:s3] =	stream.indirect.scatter.add.f32 [tilespmem:s17], [sflag:$0x3], $0x40, s20, s13, $0xb8;
	[tilespmem:$0x1E000] =	vst v63  }
0x69: {  	_ =	swait.ge [sflag:s11], $0x2000  }
0x6a: {  	[sflag:s11] =	ssyncset.done $0x0  }
0x6b: {  	s20 =	sadd.s32 $0x380, s18;
	[sflag:s11] =	ssyncadd.s32 $0xFFFFE000  }
0x6c: {  	[tilespmem:s17], [sflag:$0x1] =	stream.indirect.gather [hbm4b:s1+s13], $0x40, s20, s13, $0xb8;
	[tilespmem:$0x1E000] =	vst v63  }
0x6d: {  	_ =	swait.ge [sflag:s26], $0x2000  }
0x6e: {  	[sflag:s26] =	ssyncset.done $0x0  }
0x6f: {  	s20 =	sadd.s32 $0x5180, s18;
	[sflag:s26] =	ssyncadd.s32 $0xFFFFE000  }
0x70: {  	[spmem:s3] =	stream.indirect.scatter.add.f32 [tilespmem:s19], [sflag:$0x3], $0x40, s20, s13, $0xb8;
	[tilespmem:$0x1E000] =	vst v63  }
0x71: {  	_ =	swait.ge [sflag:s11], $0x2000  }
0x72: {  	[sflag:s11] =	ssyncset.done $0x0  }
0x73: {  	s20 =	sadd.s32 $0x400, s18;
	[sflag:s11] =	ssyncadd.s32 $0xFFFFE000  }
0x74: {  	[tilespmem:s19], [sflag:$0x1] =	stream.indirect.gather [hbm4b:s1+s13], $0x40, s20, s13, $0xb8;
	[tilespmem:$0x1E000] =	vst v63  }
0x75: {  	_ =	swait.ge [sflag:s26], $0x2000  }
0x76: {  	[sflag:s26] =	ssyncset.done $0x0  }
.Ltmp0:
0x77: {  	s20 =	sadd.s32 $0x5200, s18;
	[sflag:s26] =	ssyncadd.s32 $0xFFFFE000;
	(pc) =	sbr.rel @p1 .LBB2_2-.Ltmp0, $4  }
0x78: {  	[spmem:s3] =	stream.indirect.scatter.add.f32 [tilespmem:s21], [sflag:$0x3], $0x40, s20, s13, $0xb8;
	[tilespmem:$0x1E000] =	vst v63  }
0x79: {  	_ =	swait.ge [sflag:s11], $0x2000  }
0x7a: {  	[sflag:s11] =	ssyncset.done $0x0  }
0x7b: {  	s18 =	sadd.s32 $0x480, s18;
	[sflag:s11] =	ssyncadd.s32 $0xFFFFE000  }
0x7c: {  	[tilespmem:s21], [sflag:$0x1] =	stream.indirect.gather [hbm4b:s1+s13], $0x40, s18, s13, $0xb8;
	[tilespmem:$0x1E000] =	vst v63  }
0x7d: {  	_ =	swait.ge [sflag:s26], $0x2000  }
0x7e: {  	[sflag:s26] =	ssyncset.done $0x0  }
0x7f: {  	[sflag:s26] =	ssyncadd.s32 $0xFFFFE000  }
0x80: {  	[spmem:s3] =	stream.indirect.scatter.add.f32 [tilespmem:s14], [sflag:$0x3], $0x40, s28, s13, $0xb8;
	[tilespmem:$0x1E000] =	vst v63  }
0x81: {  	_ =	swait.ge [sflag:s11], $0x2000  }
0x82: {  	[sflag:s11] =	ssyncset.done $0x0  }
0x83: {  	[sflag:s11] =	ssyncadd.s32 $0xFFFFE000  }
0x84: {  	_ =	swait.ge [sflag:s26], $0x2000  }
0x85: {  	[sflag:s26] =	ssyncset.done $0x0  }
0x86: {  	[sflag:s26] =	ssyncadd.s32 $0xFFFFE000  }
0x87: {  	[spmem:s3] =	stream.indirect.scatter.add.f32 [tilespmem:s15], [sflag:$0x3], $0x40, s29, s13, $0xb8;
	[tilespmem:$0x1E000] =	vst v63  }
0x88: {  	_ =	swait.ge [sflag:s11], $0x2000  }
0x89: {  	[sflag:s11] =	ssyncset.done $0x0  }
0x8a: {  	[sflag:s11] =	ssyncadd.s32 $0xFFFFE000  }
0x8b: {  	_ =	swait.ge [sflag:s26], $0x2000  }
0x8c: {  	[sflag:s26] =	ssyncset.done $0x0  }
0x8d: {  	[sflag:s26] =	ssyncadd.s32 $0xFFFFE000  }
0x8e: {  	[spmem:s3] =	stream.indirect.scatter.add.f32 [tilespmem:s17], [sflag:$0x3], $0x40, s30, s13, $0xb8;
	[tilespmem:$0x1E000] =	vst v63  }
0x8f: {  	_ =	swait.ge [sflag:s11], $0x2000  }
0x90: {  	[sflag:s11] =	ssyncset.done $0x0  }
0x91: {  	[sflag:s11] =	ssyncadd.s32 $0xFFFFE000  }
0x92: {  	_ =	swait.ge [sflag:s26], $0x2000  }
0x93: {  	[sflag:s26] =	ssyncset.done $0x0  }
0x94: {  	[sflag:s26] =	ssyncadd.s32 $0xFFFFE000  }
0x95: {  	[spmem:s3] =	stream.indirect.scatter.add.f32 [tilespmem:s19], [sflag:$0x3], $0x40, s31, s13, $0xb8;
	[tilespmem:$0x1E000] =	vst v63  }
0x96: {  	_ =	swait.ge [sflag:s11], $0x2000  }
0x97: {  	[sflag:s11] =	ssyncset.done $0x0  }
0x98: {  	[sflag:s11] =	ssyncadd.s32 $0xFFFFE000  }
0x99: {  	_ =	swait.ge [sflag:s26], $0x2000  }
0x9a: {  	[sflag:s26] =	ssyncset.done $0x0  }
0x9b: {  	[sflag:s26] =	ssyncadd.s32 $0xFFFFE000  }
0x9c: {  	[spmem:s3] =	stream.indirect.scatter.add.f32 [tilespmem:s21], [sflag:$0x3], $0x40, s0, s13, $0xb8;
	[tilespmem:$0x1E000] =	vst v63  }
0x9d: {  	_ =	swait.ge [sflag:s11], $0x2000  }
0x9e: {  	[sflag:s11] =	ssyncset.done $0x0  }
0x9f: {  	[sflag:s11] =	ssyncadd.s32 $0xFFFFE000  }
0xa0: {  	s16 =	simm.s32 @p0 $0x1FC3;
	[bflag:$0x0] =	sbarrier.arrive $0xFFFF  }
0xa1: {  	[hbm:s8], [sflag:s16] =	dma.local @p0 [spmem:s24], $0x1400  }
0xa2: {  	s16 =	simm.s32 @p0 $0x3  }
0xa3: {  	_ =	swait.ge @p0 [sflag:s16], $0x1400  }
0xa4: {  	s18 =	sshll.u32 @!p0 s2, $0x6;
	s12 =	sadd.s32 $0x1, s12;
	[sflag:s16] =	ssyncset.done @p0 $0x0  }
0xa5: {  	p1 =	sne.s32 s12, s9;
	[sflag:s16] =	ssyncadd.s32 @p0 $0xFFFFEC00;
	s16 =	sor.u32 @!p0 $0x1C03, s18  }
0xa6: {  	[hbm:s7], [sflag:s16] =	dma.local @!p0 [spmem:s25], $0x1380  }
.Ltmp1:
0xa7: {  	_ = 	snop;
	(pc) =	sbr.rel @p1 .LBB2_1-.Ltmp1, $4  }
0xa8: {  	s16 =	simm.s32 @!p0 $0x3  }
0xa9: {  	_ =	swait.ge @!p0 [sflag:s16], $0x1380  }
0xaa: {  	[sflag:s16] =	ssyncset.done @!p0 $0x0  }
0xab: {  	[sflag:s16] =	ssyncadd.s32 @!p0 $0xFFFFEC80  }
0xac: {  	_ =	sfence.sel $0x180000  }
0xad: {  	[bflag:$0x0] =	sbarrier.arrive $0xFFFF  }
0xae: {  	_ =	strace $0x9000004A  }
0xaf: {  	[bflag:$0x2] =	sbarrier.arrive $0xFFFF  }
0xb0: {  	p0 =	sne.s32 s2, $0x0;
	s0 =	rddreg [dreg:$0x3]  }
0xb1: {  	s0 =	sadd.s32 @!p0 $0x100000, s0  }
0xb2: {  	[sflag:s0] =	ssyncadd.tile.s32 @!p0 $0x1;
	_ =	shalt  }
.Lfunc_end2:
_tile_overlayer_lowered:
.L_overlay_start_2:
0xb3: {  	(tag) =	ssettag $0x2  }
0xb4: {  	s0 =	rddreg [dreg:$0x0];
	s2 =	stileid.u32  }
0xb5: {  	s1 =	rddreg [dreg:$0x1];
	p0 =	sne.s32 s2, $0x0  }
0xb6: {  	s3 =	rddreg [dreg:$0x2];
	[bflag:$0x3] =	sbarrier.arrive $0xFFFF;
	s2 =	simm.s32 @!p0 $0x1C03  }
0xb7: {  	[timem:s3], [sflag:s2] =	dma.local @!p0 [hbm:s0], s1  }
0xb8: {  	s0 =	simm.s32 @!p0 $0x3  }
0xb9: {  	_ =	swait.ge @!p0 [sflag:s0], s1  }
0xba: {  	s1 =	ssub.s32 @!p0 $0x0, s1;
	[sflag:s0] =	ssyncset.done @!p0 $0x0  }
0xbb: {  	[sflag:s0] =	ssyncadd.s32 @!p0 s1  }
0xbc: {  	[bflag:$0x3] =	sbarrier.arrive $0xFFFF  }
0xbd: {  	_ =	shalt  }

// kernel: kernel.15.cloned.1.call-start
scs
__scs_entry_jumppad:
0x0: {  	(pc) =	sbr.rel $0x88, $3  }
0x1: {  	(tag) =	ssettag $0x0;
	lr =	simm.s32 $0x1  }
0x2: {  	[smem:$0x3F91] =	sst lr;
	_ =	strace $0xD0000000  }
0x3: {  	_ = 	snop  }
0x4: {  	_ = 	snop  }
0x5: {  	_ = 	snop  }
0x6: {  	_ = 	snop  }
0x7: {  	_ = 	snop  }
__scs_overlays_trampoline_lowered:
0x8: {  	[smem:$0x3FA0] =	sst s0  }
0x9: {  	[smem:$0x3FA1] =	sst s1  }
0xa: {  	[smem:$0x3FA2] =	sst s2  }
0xb: {  	[smem:$0x3FA3] =	sst s3  }
0xc: {  	[smem:$0x3FA4] =	sst s4  }
0xd: {  	[smem:$0x3FA5] =	sst s5  }
0xe: {  	[smem:$0x3FA6] =	sst s6  }
0xf: {  	[smem:$0x3FA7] =	sst s7  }
0x10: {  	[smem:$0x3FA8] =	sst s8  }
0x11: {  	[smem:$0x3FA9] =	sst s9;
	s0 =	simm.s32 @!p0 $0x0  }
0x12: {  	s1 =	sld [smem:$0x3F8F];
	s0 =	simm.s32 @p0 $0x1  }
0x13: {  	[smem:$0x3FAA] =	sst s0;
	s0 =	simm.s32 @!p1 $0x0  }
0x14: {  	s2 =	sld [smem:$0x3F8E];
	s0 =	simm.s32 @p1 $0x1  }
0x15: {  	[smem:$0x3FAB] =	sst s0;
	s0 =	simm.s32 @!p2 $0x0  }
0x16: {  	s3 =	sld [smem:$0x3FDB];
	s0 =	simm.s32 @p2 $0x1  }
0x17: {  	s4 =	simm.s32 $0x1BF5;
	[smem:$0x3FAD] =	sst s0  }
0x18: {  	s0 =	sld [smem:$0x3F90];
	_ =	swait.ge [sflag:s4], $0x0  }
0x19: {  	s7 =	sld [smem:$0x3F91]  }
0x1a: {  	s8 =	sadd.s32 $0xFFFFE003, lr  }
0x1b: {  	s9 =	sadd.s32 $0xFFFFFEF7, lr;
	s5 =	simm.s32 $0xFFFFFFFF;
	p2 =	slt.u32 s8, $0xFFFFF086  }
0x1c: {  	p1 =	slt.u32 s9, $0xF7A;
	s5 =	simm.s32 @!p2 $0x0  }
0x1d: {  	s5 =	simm.s32 @p1 $0x1;
	p0 =	seq.s32 s7, s2  }
0x1e: {  	s7 =	smul.u32 @!p0 $0xF7A, s2;
	p2 =	seq.s32 @!p0 s5, $0x0  }
0x1f: {  	s9 =	smul.u32 $0xF7A, s1;
	s8 =	simm.s32 @!p0 $0x1BF5;
	p2 =	por !p2, p0  }
0x20: {  	[sflag:s8] =	ssyncset.s32 @!p0 $0xFFFFF086;
	s6 =	sadd.s32 @!p0 s3, s7;
	s7 =	simm.s32 @!p0 $0x108  }
0x21: {  	s3 =	sadd.s32 s3, s9;
	s6 =	sadd.s32 @!p0 $0x88, s6;
	s7 =	simm.s32 @p2 $0x1082  }
0x22: {  	[simem:s7], [sflag:s8] =	dma.local @!p0 [hbm:s6], $0xF7A  }
0x23: {  	s9 =	sor.u32 $0xD0000000, s2;
	s6 =	simm.s32 $0x108;
	_ =	swait.ge @!p0 [sflag:s8], $0x0  }
0x24: {  	s3 =	sadd.s32 $0x88, s3;
	s6 =	simm.s32 @!p1 $0x1082;
	[sflag:s4] =	ssyncset.s32 $0xFFFFF086  }
0x25: {  	[simem:s6], [sflag:s4] =	dma.local [hbm:s3], $0xF7A  }
0x26: {  	[smem:$0x3F91] =	sst s1;
	(tag) =	ssettag s2;
	_ =	strace s9  }
0x27: {  	s1 =	sld [smem:$0x3FA1]  }
0x28: {  	s2 =	sld [smem:$0x3FA2]  }
0x29: {  	s4 =	sld [smem:$0x3FA4]  }
0x2a: {  	p0 =	seq.s32 s5, $0x0;
	s5 =	sld [smem:$0x3FA5]  }
0x2b: {  	s6 =	sld [smem:$0x3FA6]  }
0x2c: {  	s7 =	sld [smem:$0x3FA7]  }
0x2d: {  	s3 =	simm.s32 $0x108;
	s8 =	sld [smem:$0x3FA8]  }
0x2e: {  	s3 =	simm.s32 @!p0 $0x1082;
	s9 =	sld [smem:$0x3FA9]  }
0x2f: {  	lr =	sadd.s32 s0, s3;
	s0 =	sld [smem:$0x3FA0]  }
0x30: {  	s3 =	sld [smem:$0x3FA3]  }
0x31: {  	[smem:$0x3FAC] =	sst s10  }
0x32: {  	s10 =	sld [smem:$0x3FAA];
	_ =	sdelay $0x3  }
0x33: {  	p0 =	seq.s32 s10, $0x1;
	s10 =	sld [smem:$0x3FAC];
	_ =	sdelay $0x3  }
0x34: {  	[smem:$0x3FAC] =	sst s10  }
0x35: {  	s10 =	sld [smem:$0x3FAB];
	_ =	sdelay $0x3  }
0x36: {  	p1 =	seq.s32 s10, $0x1;
	s10 =	sld [smem:$0x3FAC];
	_ =	sdelay $0x3  }
0x37: {  	[smem:$0x3FAC] =	sst s10  }
0x38: {  	s10 =	sld [smem:$0x3FAD]  }
0x39: {  	_ = 	snop;
	(pc) =	sbr.ind lr, $3  }
0x3a: {  	_ = 	snop  }
0x3b: {  	_ = 	snop  }
0x3c: {  	p2 =	seq.s32 s10, $0x1;
	s10 =	sld [smem:$0x3FAC]  }
0x3d: {  	_ =	shalt  }
0x3e: {  	_ =	shalt  }
0x3f: {  	_ =	shalt  }
0x40: {  	_ =	shalt  }
0x41: {  	_ =	shalt  }
0x42: {  	_ =	shalt  }
0x43: {  	_ =	shalt  }
0x44: {  	_ =	shalt  }
0x45: {  	_ =	shalt  }
0x46: {  	_ =	shalt  }
0x47: {  	_ =	shalt  }
0x48: {  	_ =	shalt  }
0x49: {  	_ =	shalt  }
0x4a: {  	_ =	shalt  }
0x4b: {  	_ =	shalt  }
0x4c: {  	_ =	shalt  }
0x4d: {  	_ =	shalt  }
0x4e: {  	_ =	shalt  }
0x4f: {  	_ =	shalt  }
0x50: {  	_ =	shalt  }
0x51: {  	_ =	shalt  }
0x52: {  	_ =	shalt  }
0x53: {  	_ =	shalt  }
0x54: {  	_ =	shalt  }
0x55: {  	_ =	shalt  }
0x56: {  	_ =	shalt  }
0x57: {  	_ =	shalt  }
0x58: {  	_ =	shalt  }
0x59: {  	_ =	shalt  }
0x5a: {  	_ =	shalt  }
0x5b: {  	_ =	shalt  }
0x5c: {  	_ =	shalt  }
0x5d: {  	_ =	shalt  }
0x5e: {  	_ =	shalt  }
0x5f: {  	_ =	shalt  }
0x60: {  	_ =	shalt  }
0x61: {  	_ =	shalt  }
0x62: {  	_ =	shalt  }
0x63: {  	_ =	shalt  }
0x64: {  	_ =	shalt  }
0x65: {  	_ =	shalt  }
0x66: {  	_ =	shalt  }
0x67: {  	_ =	shalt  }
0x68: {  	_ =	shalt  }
0x69: {  	_ =	shalt  }
0x6a: {  	_ =	shalt  }
0x6b: {  	_ =	shalt  }
0x6c: {  	_ =	shalt  }
0x6d: {  	_ =	shalt  }
0x6e: {  	_ =	shalt  }
0x6f: {  	_ =	shalt  }
0x70: {  	_ =	shalt  }
0x71: {  	_ =	shalt  }
0x72: {  	_ =	shalt  }
0x73: {  	_ =	shalt  }
0x74: {  	_ =	shalt  }
0x75: {  	_ =	shalt  }
0x76: {  	_ =	shalt  }
0x77: {  	_ =	shalt  }
0x78: {  	_ =	shalt  }
0x79: {  	_ =	shalt  }
0x7a: {  	_ =	shalt  }
0x7b: {  	_ =	shalt  }
0x7c: {  	_ =	shalt  }
0x7d: {  	_ =	shalt  }
0x7e: {  	_ =	shalt  }
0x7f: {  	_ =	shalt  }
0x80: {  	_ =	shalt  }
0x81: {  	_ =	shalt  }
0x82: {  	_ =	shalt  }
0x83: {  	_ =	shalt  }
0x84: {  	_ =	shalt  }
0x85: {  	_ =	shalt  }
0x86: {  	_ =	shalt  }
0x87: {  	_ =	shalt  }
.Lfunc_end0:
.L_simem_size_0:
called_computation.2_lowered:
.L_overlay_start_0:
0x88: {  	s2 =	sld [smem:$0x3FD9]  }
0x89: {  	s3 =	sld [smem:$0x3FFE];
	_ =	sdelay $0x1  }
0x8a: {  	s1 =	srdreg.scid  }
0x8b: {  	s0 =	sand.u32 $0x1, s1  }
0x8c: {  	s16 =	sshll.u32 s0, $0xA;
	s2 =	sadd.s32 s3, s2  }
0x8d: {  	s2 =	sadd.s32 s2, s16  }
0x8e: {  	[smem:$0x3FB8] =	sst s2  }
0x8f: {  	_ = 	snop  }
0x90: {  	(tm) =	ssettm $0x1  }
0x91: {  	s17 =	sld [smem:$0x3FFB];
	_ =	sdelay $0x3  }
0x92: {  	_ =	strace s17  }
0x93: {  	s2 =	sld [smem:$0x3FFC];
	_ =	sdelay $0x3  }
0x94: {  	_ =	strace s2  }
0x95: {  	s2 =	sld [smem:$0x3FFD];
	_ =	sdelay $0x3  }
0x96: {  	_ =	strace s2  }
0x97: {  	_ =	strace $0x8FFFFFFF  }
0x98: {  	s18 =	sld [smem:$0x3FDB];
	_ =	sdelay $0x1  }
0x99: {  	s19 =	simm.s32 $_scs_section_size  }
0x9a: {  	s4 =	simm.s32 $_size__tile_overlayer_lowered;
	s5 =	simm.s32 $_tile_overlayer_lowered  }
0x9b: {  	s22 =	simm.s32 $0x1BFF;
	s21 =	sshll.u32 s5, $0x1;
	s2 =	sadd.s32 s19, s18  }
0x9c: {  	s6 =	simm.s32 $0x0;
	s20 =	sshll.u32 s4, $0x1;
	s4 =	sadd.s32 s21, s2  }
0x9d: {  	[timem:s6], [sflag:s22] =	dma.local [hbm:s4], s20  }
0x9e: {  	_ =	swait.ge [sflag:s22], s20  }
0x9f: {  	s3 =	ssub.s32 $0x0, s20;
	[sflag:s22] =	ssyncset.done $0x0  }
0xa0: {  	[sflag:s22] =	ssyncadd.s32 s3;
	_ =	sdelay $0x1  }
0xa1: {  	s23 =	simm.s32 $0x1B8B  }
0xa2: {  	_ =	swait.ge [sflag:s23], $0x1  }
0xa3: {  	[sflag:s23] =	ssyncset.done $0x0  }
0xa4: {  	s25 =	simm.s32 $0x1B8E;
	s24 =	sld [smem:$0x3FFE];
	[sflag:s23] =	ssyncadd.s32 $0xFFFFFFFF  }
0xa5: {  	s26 =	simm.s32 $execute0_lowered;
	[smem:$0x3FD2] =	sst s25  }
0xa6: {  	s4 =	sshll.u32 s26, $0x1;
	_ =	strace $0x8000004C;
	[dreg:$0x1] =	wrdreg $0xFFFFFFFF  }
0xa7: {  	s28 =	simm.s32 $_size_execute0_lowered;
	s2 =	sadd.s32 s2, s4;
	[dreg:$0x0] =	wrdreg $0x0  }
0xa8: {  	s4 =	sshll.u32 s28, $0x1;
	[dreg:$0x2] =	wrdreg s2  }
0xa9: {  	[dreg:$0x3] =	wrdreg s4  }
0xaa: {  	[dreg:$0x4] =	wrdreg $0xC0  }
0xab: {  	_ =	task [dreg:s6], $0x5FFFF  }
0xac: {  	[dreg:$0x1] =	wrdreg $0xFFFFFFFF  }
0xad: {  	[dreg:$0x0] =	wrdreg $0x60  }
0xae: {  	[dreg:$0x2] =	wrdreg s24  }
0xaf: {  	[dreg:$0x3] =	wrdreg $0x140000  }
0xb0: {  	[dreg:$0x4] =	wrdreg $0x9  }
0xb1: {  	_ =	task.clear_ibuf [dreg:s6], $0x5FFFF;
	_ =	strace $0x9000004C  }
0xb2: {  	s29 =	simm.s32 $0x9;
	_ =	strace $0x8000004E  }
0xb3: {  	_ =	swait.ge [sflag:s29], $0x1  }
0xb4: {  	[sflag:s29] =	ssyncadd.s32 $0xFFFFFFFF  }
0xb5: {  	_ =	strace $0x9000004E  }
0xb6: {  	_ =	sfence  }
0xb7: {  	s30 =	sld [smem:$0x0];
	_ =	sdelay $0x2  }
0xb8: {  	s31 =	sshll.u32 s1, $0xD;
	s1 =	sshrl.u32 s1, $0x2  }
0xb9: {  	s3 =	sand.u32 $0x4000, s31;
	s1 =	sadd.s32 s1, s30  }
0xba: {  	s0 =	sor.u32 s3, s0;
	s1 =	sshll.u32 s1, $0x11  }
0xbb: {  	s0 =	sor.u32 s1, s0  }
0xbc: {  	s0 =	sadd.s32 $0x8F2B, s0  }
0xbd: {  	[sflag:s0] =	ssyncadd.remote.s32 $0x1  }
0xbe: {  	_ =	sfence.sel $0xFFFF  }
0xbf: {  	[dreg:$0x0] =	wrdreg $0xFFFFFFFF;
	(pc) =	sbr.abs _section_cstart, $3  }
0xc0: {  	[dreg:$0x1] =	wrdreg $0xFFFFFFFF  }
0xc1: {  	_ =	task.clear_ibuf [dreg:s6], $0x2FFFF;
	_ =	strace $0x9FFFFFFF  }
0xc2: {  	(tm) =	ssettm $0x7FFFFFFF  }
0xc3: {  	_ =	shalt  }
tec
execute0_lowered:
.L_overlay_start_1:
0x0: {  	(tag) =	ssettag $0x1  }
0x1: {  	s0 =	rddreg [dreg:$0x0]  }
0x2: {  	s2 =	rddreg [dreg:$0x1];
	s3 =	simm.s32 $0x0  }
0x3: {  	s1 =	stileid.u32;
	s6 =	srdreg.scid;
	s13 =	simm.s32 $0x80  }
0x4: {  	s14 =	simm.s32 $0xA000;
	s15 =	simm.s32 $0xC000;
	s17 =	simm.s32 $0xE000  }
0x5: {  	s19 =	simm.s32 $0x10000;
	s21 =	simm.s32 $0x12000;
	s23 =	simm.s32 $0x2  }
0x6: {  	s28 =	simm.s32 $0x9D80;
	s29 =	simm.s32 $0x9E00;
	s30 =	simm.s32 $0x9E80  }
0x7: {  	s31 =	simm.s32 $0x9F00;
	[smem:$0x7FF] =	sst s3;
	s5 =	smul.u32 $0xA00, s1  }
0x8: {  	s4 =	sadd.s32 $0x22C00, s0;
	s6 =	sand.u32 $0x1, s6;
	s11 =	smul.u32 $0x9C00, s1  }
0x9: {  	s26 =	smul.u32 $0x28000, s1;
	s18 =	sadd.s32 $0x92400, s2;
	_ =	strace $0x8000004D  }
0xa: {  	s7 =	ssub.s32 $0x2, s6;
	s8 =	smul.u32 $0x9C400, s6;
	p0 =	seq.s32 s6, $0x1  }
0xb: {  	s10 =	sadd.s32 s5, s0;
	s5 =	sadd.s32 $0x21800, s0;
	s9 =	sshrl.u32 s7, $0x1  }
0xc: {  	s0 =	sadd.s32 $0x49E00, s0;
	s9 =	ssub.s32 s7, s9;
	s6 =	sadd.s32 $0x17800, s10  }
0xd: {  	s12 =	sadd.s32 s11, s8;
	s7 =	sshrl.u32 s26, $0x2;
	s8 =	sshrl.u32 s8, $0x3  }
0xe: {  	s26 =	simm.s32 $0x1;
	s12 =	sshrl.u32 s12, $0x3;
	s16 =	sadd.s32 s7, s2  }
0xf: {  	s9 =	smax.u32 s9, $0x1;
	s7 =	sadd.s32 s0, s12;
	s0 =	sadd.s32 s0, s8  }
0x10: {  	s12 =	sadd.s32 s11, s2;
	s8 =	sadd.s32 $0x12480, s0;
	s0 =	simm.s32 $0x3800  }
0x11: {  	s11 =	simm.s32 $0x3;
	s0 =	simm.s32 @!p0 $0xD800;
	p0 =	seq.s32 s1, $0xF  }
0x12: {  	s22 =	sshrl.u32 s16, $0x3;
	s10 =	sadd.s32 s0, s10;
	s24 =	sshrl.u32 @p0 s18, $0x3  }
0x13: {  	s25 =	sshrl.u32 @!p0 s12, $0x3;
	s0 =	simm.s32 $0x9F80;
	s12 =	simm.s32 $0x0  }
.LBB2_1:
0x14: {  	[tilespmem:s3], [sflag:$0x3] =	stream.linear.gather [hbm4b:s10+s3], $0x5000, $0x38;
	[tilespmem:$0x1E000] =	vst v63  }
0x15: {  	_ =	swait.ge [sflag:s11], $0x5000  }
0x16: {  	[sflag:s11] =	ssyncset.done $0x0  }
0x17: {  	s16 =	simm.s32 $0x5000;
	[sflag:s11] =	ssyncadd.s32 $0xFFFFB000  }
0x18: {  	[tilespmem:s16], [sflag:$0x3] =	stream.linear.gather [hbm4b:s6+s3], $0x5000, $0x38;
	[tilespmem:$0x1E000] =	vst v63  }
0x19: {  	_ =	swait.ge [sflag:s11], $0x5000  }
0x1a: {  	[sflag:s11] =	ssyncset.done $0x0  }
0x1b: {  	[sflag:s11] =	ssyncadd.s32 $0xFFFFB000  }
0x1c: {  	[tilespmem:s14], [sflag:$0x1] =	stream.indirect.gather [hbm4b:s4+s13], $0x40, s3, s13, $0xb8;
	[tilespmem:$0x1E000] =	vst v63  }
0x1d: {  	_ = 	snop  }
0x1e: {  	[tilespmem:s15], [sflag:$0x1] =	stream.indirect.gather [hbm4b:s4+s13], $0x40, s13, s13, $0xb8;
	[tilespmem:$0x1E000] =	vst v63  }
0x1f: {  	s20 =	simm.s32 $0x100  }
0x20: {  	[tilespmem:s17], [sflag:$0x1] =	stream.indirect.gather [hbm4b:s4+s13], $0x40, s20, s13, $0xb8;
	[tilespmem:$0x1E000] =	vst v63  }
0x21: {  	s18 =	simm.s32 $0x180  }
0x22: {  	[tilespmem:s19], [sflag:$0x1] =	stream.indirect.gather [hbm4b:s4+s13], $0x40, s18, s13, $0xb8;
	[tilespmem:$0x1E000] =	vst v63  }
0x23: {  	s18 =	sshll.u32 s1, $0x6  }
0x24: {  	s20 =	simm.s32 $0x200;
	s16 =	sor.u32 $0x1C02, s18  }
0x25: {  	[tilespmem:s21], [sflag:$0x1] =	stream.indirect.gather [hbm4b:s4+s13], $0x40, s20, s13, $0xb8;
	[tilespmem:$0x1E000] =	vst v63  }
0x26: {  	[spmem:s22], [sflag:s16] =	dma.local [hbm:s5], $0x1400  }
0x27: {  	_ =	swait.ge [sflag:s23], $0x1400  }
0x28: {  	[sflag:s23] =	ssyncset.done $0x0  }
0x29: {  	[sflag:s23] =	ssyncadd.s32 $0xFFFFEC00  }
0x2a: {  	[bflag:$0x0] =	sbarrier.arrive $0xFFFF  }
0x2b: {  	_ =	swait.ge [sflag:s26], $0x2000  }
0x2c: {  	[sflag:s26] =	ssyncset.done $0x0  }
0x2d: {  	s20 =	simm.s32 $0x5000;
	[sflag:s26] =	ssyncadd.s32 $0xFFFFE000  }
0x2e: {  	[spmem:s2] =	stream.indirect.scatter.add.f32 [tilespmem:s14], [sflag:$0x3], $0x40, s20, s13, $0xb8;
	[tilespmem:$0x1E000] =	vst v63  }
0x2f: {  	_ =	swait.ge [sflag:s11], $0x2000  }
0x30: {  	[sflag:s11] =	ssyncset.done $0x0  }
0x31: {  	s18 =	simm.s32 $0x280;
	[sflag:s11] =	ssyncadd.s32 $0xFFFFE000  }
0x32: {  	[tilespmem:s14], [sflag:$0x1] =	stream.indirect.gather [hbm4b:s4+s13], $0x40, s18, s13, $0xb8;
	[tilespmem:$0x1E000] =	vst v63  }
0x33: {  	_ =	swait.ge [sflag:s26], $0x2000  }
0x34: {  	[sflag:s26] =	ssyncset.done $0x0  }
0x35: {  	s20 =	simm.s32 $0x5080;
	[sflag:s26] =	ssyncadd.s32 $0xFFFFE000  }
0x36: {  	[spmem:s2] =	stream.indirect.scatter.add.f32 [tilespmem:s15], [sflag:$0x3], $0x40, s20, s13, $0xb8;
	[tilespmem:$0x1E000] =	vst v63  }
0x37: {  	_ =	swait.ge [sflag:s11], $0x2000  }
0x38: {  	[sflag:s11] =	ssyncset.done $0x0  }
0x39: {  	s18 =	simm.s32 $0x300;
	[sflag:s11] =	ssyncadd.s32 $0xFFFFE000  }
0x3a: {  	[tilespmem:s15], [sflag:$0x1] =	stream.indirect.gather [hbm4b:s4+s13], $0x40, s18, s13, $0xb8;
	[tilespmem:$0x1E000] =	vst v63  }
0x3b: {  	_ =	swait.ge [sflag:s26], $0x2000  }
0x3c: {  	[sflag:s26] =	ssyncset.done $0x0  }
0x3d: {  	s20 =	simm.s32 $0x5100;
	[sflag:s26] =	ssyncadd.s32 $0xFFFFE000  }
0x3e: {  	[spmem:s2] =	stream.indirect.scatter.add.f32 [tilespmem:s17], [sflag:$0x3], $0x40, s20, s13, $0xb8;
	[tilespmem:$0x1E000] =	vst v63  }
0x3f: {  	_ =	swait.ge [sflag:s11], $0x2000  }
0x40: {  	[sflag:s11] =	ssyncset.done $0x0  }
0x41: {  	s18 =	simm.s32 $0x380;
	[sflag:s11] =	ssyncadd.s32 $0xFFFFE000  }
0x42: {  	[tilespmem:s17], [sflag:$0x1] =	stream.indirect.gather [hbm4b:s4+s13], $0x40, s18, s13, $0xb8;
	[tilespmem:$0x1E000] =	vst v63  }
0x43: {  	_ =	swait.ge [sflag:s26], $0x2000  }
0x44: {  	[sflag:s26] =	ssyncset.done $0x0  }
0x45: {  	s20 =	simm.s32 $0x5180;
	[sflag:s26] =	ssyncadd.s32 $0xFFFFE000  }
0x46: {  	[spmem:s2] =	stream.indirect.scatter.add.f32 [tilespmem:s19], [sflag:$0x3], $0x40, s20, s13, $0xb8;
	[tilespmem:$0x1E000] =	vst v63  }
0x47: {  	_ =	swait.ge [sflag:s11], $0x2000  }
0x48: {  	[sflag:s11] =	ssyncset.done $0x0  }
0x49: {  	s18 =	simm.s32 $0x400;
	[sflag:s11] =	ssyncadd.s32 $0xFFFFE000  }
0x4a: {  	[tilespmem:s19], [sflag:$0x1] =	stream.indirect.gather [hbm4b:s4+s13], $0x40, s18, s13, $0xb8;
	[tilespmem:$0x1E000] =	vst v63  }
0x4b: {  	_ =	swait.ge [sflag:s26], $0x2000  }
0x4c: {  	[sflag:s26] =	ssyncset.done $0x0  }
0x4d: {  	s20 =	simm.s32 $0x5200;
	[sflag:s26] =	ssyncadd.s32 $0xFFFFE000  }
0x4e: {  	[spmem:s2] =	stream.indirect.scatter.add.f32 [tilespmem:s21], [sflag:$0x3], $0x40, s20, s13, $0xb8;
	[tilespmem:$0x1E000] =	vst v63  }
0x4f: {  	_ =	swait.ge [sflag:s11], $0x2000  }
0x50: {  	[sflag:s11] =	ssyncset.done $0x0  }
0x51: {  	s16 =	simm.s32 $0xA00;
	s18 =	simm.s32 $0x480;
	[sflag:s11] =	ssyncadd.s32 $0xFFFFE000  }
.LBB2_2:
0x52: {  	[tilespmem:s21], [sflag:$0x1] =	stream.indirect.gather [hbm4b:s4+s13], $0x40, s18, s13, $0xb8;
	[tilespmem:$0x1E000] =	vst v63  }
0x53: {  	s18 =	smov.u32 s16  }
0x54: {  	p1 =	sne.s32 s16, $0x12C00;
	s16 =	sadd.s32 $0xA00, s16;
	_ =	swait.ge [sflag:s26], $0x2000  }
0x55: {  	s18 =	sshra.s32 s18, $0x2;
	[sflag:s26] =	ssyncset.done $0x0  }
0x56: {  	s20 =	sadd.s32 $0x5000, s18;
	[sflag:s26] =	ssyncadd.s32 $0xFFFFE000  }
0x57: {  	[spmem:s2] =	stream.indirect.scatter.add.f32 [tilespmem:s14], [sflag:$0x3], $0x40, s20, s13, $0xb8;
	[tilespmem:$0x1E000] =	vst v63  }
0x58: {  	_ =	swait.ge [sflag:s11], $0x2000  }
0x59: {  	[sflag:s11] =	ssyncset.done $0x0  }
0x5a: {  	s20 =	sadd.s32 $0x280, s18;
	[sflag:s11] =	ssyncadd.s32 $0xFFFFE000  }
0x5b: {  	[tilespmem:s14], [sflag:$0x1] =	stream.indirect.gather [hbm4b:s4+s13], $0x40, s20, s13, $0xb8;
	[tilespmem:$0x1E000] =	vst v63  }
0x5c: {  	_ =	swait.ge [sflag:s26], $0x2000  }
0x5d: {  	[sflag:s26] =	ssyncset.done $0x0  }
0x5e: {  	s20 =	sadd.s32 $0x5080, s18;
	[sflag:s26] =	ssyncadd.s32 $0xFFFFE000  }
0x5f: {  	[spmem:s2] =	stream.indirect.scatter.add.f32 [tilespmem:s15], [sflag:$0x3], $0x40, s20, s13, $0xb8;
	[tilespmem:$0x1E000] =	vst v63  }
0x60: {  	_ =	swait.ge [sflag:s11], $0x2000  }
0x61: {  	[sflag:s11] =	ssyncset.done $0x0  }
0x62: {  	s20 =	sadd.s32 $0x300, s18;
	[sflag:s11] =	ssyncadd.s32 $0xFFFFE000  }
0x63: {  	[tilespmem:s15], [sflag:$0x1] =	stream.indirect.gather [hbm4b:s4+s13], $0x40, s20, s13, $0xb8;
	[tilespmem:$0x1E000] =	vst v63  }
0x64: {  	_ =	swait.ge [sflag:s26], $0x2000  }
0x65: {  	[sflag:s26] =	ssyncset.done $0x0  }
0x66: {  	s20 =	sadd.s32 $0x5100, s18;
	[sflag:s26] =	ssyncadd.s32 $0xFFFFE000  }
0x67: {  	[spmem:s2] =	stream.indirect.scatter.add.f32 [tilespmem:s17], [sflag:$0x3], $0x40, s20, s13, $0xb8;
	[tilespmem:$0x1E000] =	vst v63  }
0x68: {  	_ =	swait.ge [sflag:s11], $0x2000  }
0x69: {  	[sflag:s11] =	ssyncset.done $0x0  }
0x6a: {  	s20 =	sadd.s32 $0x380, s18;
	[sflag:s11] =	ssyncadd.s32 $0xFFFFE000  }
0x6b: {  	[tilespmem:s17], [sflag:$0x1] =	stream.indirect.gather [hbm4b:s4+s13], $0x40, s20, s13, $0xb8;
	[tilespmem:$0x1E000] =	vst v63  }
0x6c: {  	_ =	swait.ge [sflag:s26], $0x2000  }
0x6d: {  	[sflag:s26] =	ssyncset.done $0x0  }
0x6e: {  	s20 =	sadd.s32 $0x5180, s18;
	[sflag:s26] =	ssyncadd.s32 $0xFFFFE000  }
0x6f: {  	[spmem:s2] =	stream.indirect.scatter.add.f32 [tilespmem:s19], [sflag:$0x3], $0x40, s20, s13, $0xb8;
	[tilespmem:$0x1E000] =	vst v63  }
0x70: {  	_ =	swait.ge [sflag:s11], $0x2000  }
0x71: {  	[sflag:s11] =	ssyncset.done $0x0  }
0x72: {  	s20 =	sadd.s32 $0x400, s18;
	[sflag:s11] =	ssyncadd.s32 $0xFFFFE000  }
0x73: {  	[tilespmem:s19], [sflag:$0x1] =	stream.indirect.gather [hbm4b:s4+s13], $0x40, s20, s13, $0xb8;
	[tilespmem:$0x1E000] =	vst v63  }
0x74: {  	_ =	swait.ge [sflag:s26], $0x2000  }
0x75: {  	[sflag:s26] =	ssyncset.done $0x0  }
.Ltmp0:
0x76: {  	s20 =	sadd.s32 $0x5200, s18;
	[sflag:s26] =	ssyncadd.s32 $0xFFFFE000;
	(pc) =	sbr.rel @p1 .LBB2_2-.Ltmp0, $4  }
0x77: {  	[spmem:s2] =	stream.indirect.scatter.add.f32 [tilespmem:s21], [sflag:$0x3], $0x40, s20, s13, $0xb8;
	[tilespmem:$0x1E000] =	vst v63  }
0x78: {  	_ =	swait.ge [sflag:s11], $0x2000  }
0x79: {  	[sflag:s11] =	ssyncset.done $0x0  }
0x7a: {  	s18 =	sadd.s32 $0x480, s18;
	[sflag:s11] =	ssyncadd.s32 $0xFFFFE000  }
0x7b: {  	[tilespmem:s21], [sflag:$0x1] =	stream.indirect.gather [hbm4b:s4+s13], $0x40, s18, s13, $0xb8;
	[tilespmem:$0x1E000] =	vst v63  }
0x7c: {  	_ =	swait.ge [sflag:s26], $0x2000  }
0x7d: {  	[sflag:s26] =	ssyncset.done $0x0  }
0x7e: {  	[sflag:s26] =	ssyncadd.s32 $0xFFFFE000  }
0x7f: {  	[spmem:s2] =	stream.indirect.scatter.add.f32 [tilespmem:s14], [sflag:$0x3], $0x40, s28, s13, $0xb8;
	[tilespmem:$0x1E000] =	vst v63  }
0x80: {  	_ =	swait.ge [sflag:s11], $0x2000  }
0x81: {  	[sflag:s11] =	ssyncset.done $0x0  }
0x82: {  	[sflag:s11] =	ssyncadd.s32 $0xFFFFE000  }
0x83: {  	_ =	swait.ge [sflag:s26], $0x2000  }
0x84: {  	[sflag:s26] =	ssyncset.done $0x0  }
0x85: {  	[sflag:s26] =	ssyncadd.s32 $0xFFFFE000  }
0x86: {  	[spmem:s2] =	stream.indirect.scatter.add.f32 [tilespmem:s15], [sflag:$0x3], $0x40, s29, s13, $0xb8;
	[tilespmem:$0x1E000] =	vst v63  }
0x87: {  	_ =	swait.ge [sflag:s11], $0x2000  }
0x88: {  	[sflag:s11] =	ssyncset.done $0x0  }
0x89: {  	[sflag:s11] =	ssyncadd.s32 $0xFFFFE000  }
0x8a: {  	_ =	swait.ge [sflag:s26], $0x2000  }
0x8b: {  	[sflag:s26] =	ssyncset.done $0x0  }
0x8c: {  	[sflag:s26] =	ssyncadd.s32 $0xFFFFE000  }
0x8d: {  	[spmem:s2] =	stream.indirect.scatter.add.f32 [tilespmem:s17], [sflag:$0x3], $0x40, s30, s13, $0xb8;
	[tilespmem:$0x1E000] =	vst v63  }
0x8e: {  	_ =	swait.ge [sflag:s11], $0x2000  }
0x8f: {  	[sflag:s11] =	ssyncset.done $0x0  }
0x90: {  	[sflag:s11] =	ssyncadd.s32 $0xFFFFE000  }
0x91: {  	_ =	swait.ge [sflag:s26], $0x2000  }
0x92: {  	[sflag:s26] =	ssyncset.done $0x0  }
0x93: {  	[sflag:s26] =	ssyncadd.s32 $0xFFFFE000  }
0x94: {  	[spmem:s2] =	stream.indirect.scatter.add.f32 [tilespmem:s19], [sflag:$0x3], $0x40, s31, s13, $0xb8;
	[tilespmem:$0x1E000] =	vst v63  }
0x95: {  	_ =	swait.ge [sflag:s11], $0x2000  }
0x96: {  	[sflag:s11] =	ssyncset.done $0x0  }
0x97: {  	[sflag:s11] =	ssyncadd.s32 $0xFFFFE000  }
0x98: {  	_ =	swait.ge [sflag:s26], $0x2000  }
0x99: {  	[sflag:s26] =	ssyncset.done $0x0  }
0x9a: {  	[sflag:s26] =	ssyncadd.s32 $0xFFFFE000  }
0x9b: {  	[spmem:s2] =	stream.indirect.scatter.add.f32 [tilespmem:s21], [sflag:$0x3], $0x40, s0, s13, $0xb8;
	[tilespmem:$0x1E000] =	vst v63  }
0x9c: {  	_ =	swait.ge [sflag:s11], $0x2000  }
0x9d: {  	[sflag:s11] =	ssyncset.done $0x0  }
0x9e: {  	[sflag:s11] =	ssyncadd.s32 $0xFFFFE000  }
0x9f: {  	s16 =	simm.s32 @p0 $0x1FC3;
	[bflag:$0x0] =	sbarrier.arrive $0xFFFF  }
0xa0: {  	[hbm:s8], [sflag:s16] =	dma.local @p0 [spmem:s24], $0x1400  }
0xa1: {  	s16 =	simm.s32 @p0 $0x3  }
0xa2: {  	_ =	swait.ge @p0 [sflag:s16], $0x1400  }
0xa3: {  	s18 =	sshll.u32 @!p0 s1, $0x6;
	s12 =	sadd.s32 $0x1, s12;
	[sflag:s16] =	ssyncset.done @p0 $0x0  }
0xa4: {  	p1 =	sne.s32 s12, s9;
	[sflag:s16] =	ssyncadd.s32 @p0 $0xFFFFEC00;
	s16 =	sor.u32 @!p0 $0x1C03, s18  }
0xa5: {  	[hbm:s7], [sflag:s16] =	dma.local @!p0 [spmem:s25], $0x1380  }
.Ltmp1:
0xa6: {  	_ = 	snop;
	(pc) =	sbr.rel @p1 .LBB2_1-.Ltmp1, $4  }
0xa7: {  	s16 =	simm.s32 @!p0 $0x3  }
0xa8: {  	_ =	swait.ge @!p0 [sflag:s16], $0x1380  }
0xa9: {  	[sflag:s16] =	ssyncset.done @!p0 $0x0  }
0xaa: {  	[sflag:s16] =	ssyncadd.s32 @!p0 $0xFFFFEC80  }
0xab: {  	_ =	sfence.sel $0x180000  }
0xac: {  	[bflag:$0x0] =	sbarrier.arrive $0xFFFF  }
0xad: {  	_ =	strace $0x9000004D  }
0xae: {  	[bflag:$0x2] =	sbarrier.arrive $0xFFFF  }
0xaf: {  	p0 =	sne.s32 s1, $0x0;
	s0 =	rddreg [dreg:$0x2]  }
0xb0: {  	s0 =	sadd.s32 @!p0 $0x100000, s0  }
0xb1: {  	[sflag:s0] =	ssyncadd.tile.s32 @!p0 $0x1;
	_ =	shalt  }
.Lfunc_end2:
_tile_overlayer_lowered:
.L_overlay_start_2:
0xb2: {  	(tag) =	ssettag $0x2  }
0xb3: {  	s0 =	rddreg [dreg:$0x0];
	s2 =	stileid.u32  }
0xb4: {  	s1 =	rddreg [dreg:$0x1];
	p0 =	sne.s32 s2, $0x0  }
0xb5: {  	s3 =	rddreg [dreg:$0x2];
	[bflag:$0x3] =	sbarrier.arrive $0xFFFF;
	s2 =	simm.s32 @!p0 $0x1C03  }
0xb6: {  	[timem:s3], [sflag:s2] =	dma.local @!p0 [hbm:s0], s1  }
0xb7: {  	s0 =	simm.s32 @!p0 $0x3  }
0xb8: {  	_ =	swait.ge @!p0 [sflag:s0], s1  }
0xb9: {  	s1 =	ssub.s32 @!p0 $0x0, s1;
	[sflag:s0] =	ssyncset.done @!p0 $0x0  }
0xba: {  	[sflag:s0] =	ssyncadd.s32 @!p0 s1  }
0xbb: {  	[bflag:$0x3] =	sbarrier.arrive $0xFFFF  }
0xbc: {  	_ =	shalt  }

// kernel: kernel.9.cloned.1.call-start
scs
__scs_entry_jumppad:
0x0: {  	(pc) =	sbr.rel $0x88, $3  }
0x1: {  	(tag) =	ssettag $0x0;
	lr =	simm.s32 $0x1  }
0x2: {  	[smem:$0x3F91] =	sst lr;
	_ =	strace $0xD0000000  }
0x3: {  	_ = 	snop  }
0x4: {  	_ = 	snop  }
0x5: {  	_ = 	snop  }
0x6: {  	_ = 	snop  }
0x7: {  	_ = 	snop  }
__scs_overlays_trampoline_lowered:
0x8: {  	[smem:$0x3FA0] =	sst s0  }
0x9: {  	[smem:$0x3FA1] =	sst s1  }
0xa: {  	[smem:$0x3FA2] =	sst s2  }
0xb: {  	[smem:$0x3FA3] =	sst s3  }
0xc: {  	[smem:$0x3FA4] =	sst s4  }
0xd: {  	[smem:$0x3FA5] =	sst s5  }
0xe: {  	[smem:$0x3FA6] =	sst s6  }
0xf: {  	[smem:$0x3FA7] =	sst s7  }
0x10: {  	[smem:$0x3FA8] =	sst s8  }
0x11: {  	[smem:$0x3FA9] =	sst s9;
	s0 =	simm.s32 @!p0 $0x0  }
0x12: {  	s1 =	sld [smem:$0x3F8F];
	s0 =	simm.s32 @p0 $0x1  }
0x13: {  	[smem:$0x3FAA] =	sst s0;
	s0 =	simm.s32 @!p1 $0x0  }
0x14: {  	s2 =	sld [smem:$0x3F8E];
	s0 =	simm.s32 @p1 $0x1  }
0x15: {  	[smem:$0x3FAB] =	sst s0;
	s0 =	simm.s32 @!p2 $0x0  }
0x16: {  	s3 =	sld [smem:$0x3FDB];
	s0 =	simm.s32 @p2 $0x1  }
0x17: {  	s4 =	simm.s32 $0x1BF5;
	[smem:$0x3FAD] =	sst s0  }
0x18: {  	s0 =	sld [smem:$0x3F90];
	_ =	swait.ge [sflag:s4], $0x0  }
0x19: {  	s7 =	sld [smem:$0x3F91]  }
0x1a: {  	s8 =	sadd.s32 $0xFFFFE003, lr  }
0x1b: {  	s9 =	sadd.s32 $0xFFFFFEF7, lr;
	s5 =	simm.s32 $0xFFFFFFFF;
	p2 =	slt.u32 s8, $0xFFFFF086  }
0x1c: {  	p1 =	slt.u32 s9, $0xF7A;
	s5 =	simm.s32 @!p2 $0x0  }
0x1d: {  	s5 =	simm.s32 @p1 $0x1;
	p0 =	seq.s32 s7, s2  }
0x1e: {  	s7 =	smul.u32 @!p0 $0xF7A, s2;
	p2 =	seq.s32 @!p0 s5, $0x0  }
0x1f: {  	s9 =	smul.u32 $0xF7A, s1;
	s8 =	simm.s32 @!p0 $0x1BF5;
	p2 =	por !p2, p0  }
0x20: {  	[sflag:s8] =	ssyncset.s32 @!p0 $0xFFFFF086;
	s6 =	sadd.s32 @!p0 s3, s7;
	s7 =	simm.s32 @!p0 $0x108  }
0x21: {  	s3 =	sadd.s32 s3, s9;
	s6 =	sadd.s32 @!p0 $0x88, s6;
	s7 =	simm.s32 @p2 $0x1082  }
0x22: {  	[simem:s7], [sflag:s8] =	dma.local @!p0 [hbm:s6], $0xF7A  }
0x23: {  	s9 =	sor.u32 $0xD0000000, s2;
	s6 =	simm.s32 $0x108;
	_ =	swait.ge @!p0 [sflag:s8], $0x0  }
0x24: {  	s3 =	sadd.s32 $0x88, s3;
	s6 =	simm.s32 @!p1 $0x1082;
	[sflag:s4] =	ssyncset.s32 $0xFFFFF086  }
0x25: {  	[simem:s6], [sflag:s4] =	dma.local [hbm:s3], $0xF7A  }
0x26: {  	[smem:$0x3F91] =	sst s1;
	(tag) =	ssettag s2;
	_ =	strace s9  }
0x27: {  	s1 =	sld [smem:$0x3FA1]  }
0x28: {  	s2 =	sld [smem:$0x3FA2]  }
0x29: {  	s4 =	sld [smem:$0x3FA4]  }
0x2a: {  	p0 =	seq.s32 s5, $0x0;
	s5 =	sld [smem:$0x3FA5]  }
0x2b: {  	s6 =	sld [smem:$0x3FA6]  }
0x2c: {  	s7 =	sld [smem:$0x3FA7]  }
0x2d: {  	s3 =	simm.s32 $0x108;
	s8 =	sld [smem:$0x3FA8]  }
0x2e: {  	s3 =	simm.s32 @!p0 $0x1082;
	s9 =	sld [smem:$0x3FA9]  }
0x2f: {  	lr =	sadd.s32 s0, s3;
	s0 =	sld [smem:$0x3FA0]  }
0x30: {  	s3 =	sld [smem:$0x3FA3]  }
0x31: {  	[smem:$0x3FAC] =	sst s10  }
0x32: {  	s10 =	sld [smem:$0x3FAA];
	_ =	sdelay $0x3  }
0x33: {  	p0 =	seq.s32 s10, $0x1;
	s10 =	sld [smem:$0x3FAC];
	_ =	sdelay $0x3  }
0x34: {  	[smem:$0x3FAC] =	sst s10  }
0x35: {  	s10 =	sld [smem:$0x3FAB];
	_ =	sdelay $0x3  }
0x36: {  	p1 =	seq.s32 s10, $0x1;
	s10 =	sld [smem:$0x3FAC];
	_ =	sdelay $0x3  }
0x37: {  	[smem:$0x3FAC] =	sst s10  }
0x38: {  	s10 =	sld [smem:$0x3FAD]  }
0x39: {  	_ = 	snop;
	(pc) =	sbr.ind lr, $3  }
0x3a: {  	_ = 	snop  }
0x3b: {  	_ = 	snop  }
0x3c: {  	p2 =	seq.s32 s10, $0x1;
	s10 =	sld [smem:$0x3FAC]  }
0x3d: {  	_ =	shalt  }
0x3e: {  	_ =	shalt  }
0x3f: {  	_ =	shalt  }
0x40: {  	_ =	shalt  }
0x41: {  	_ =	shalt  }
0x42: {  	_ =	shalt  }
0x43: {  	_ =	shalt  }
0x44: {  	_ =	shalt  }
0x45: {  	_ =	shalt  }
0x46: {  	_ =	shalt  }
0x47: {  	_ =	shalt  }
0x48: {  	_ =	shalt  }
0x49: {  	_ =	shalt  }
0x4a: {  	_ =	shalt  }
0x4b: {  	_ =	shalt  }
0x4c: {  	_ =	shalt  }
0x4d: {  	_ =	shalt  }
0x4e: {  	_ =	shalt  }
0x4f: {  	_ =	shalt  }
0x50: {  	_ =	shalt  }
0x51: {  	_ =	shalt  }
0x52: {  	_ =	shalt  }
0x53: {  	_ =	shalt  }
0x54: {  	_ =	shalt  }
0x55: {  	_ =	shalt  }
0x56: {  	_ =	shalt  }
0x57: {  	_ =	shalt  }
0x58: {  	_ =	shalt  }
0x59: {  	_ =	shalt  }
0x5a: {  	_ =	shalt  }
0x5b: {  	_ =	shalt  }
0x5c: {  	_ =	shalt  }
0x5d: {  	_ =	shalt  }
0x5e: {  	_ =	shalt  }
0x5f: {  	_ =	shalt  }
0x60: {  	_ =	shalt  }
0x61: {  	_ =	shalt  }
0x62: {  	_ =	shalt  }
0x63: {  	_ =	shalt  }
0x64: {  	_ =	shalt  }
0x65: {  	_ =	shalt  }
0x66: {  	_ =	shalt  }
0x67: {  	_ =	shalt  }
0x68: {  	_ =	shalt  }
0x69: {  	_ =	shalt  }
0x6a: {  	_ =	shalt  }
0x6b: {  	_ =	shalt  }
0x6c: {  	_ =	shalt  }
0x6d: {  	_ =	shalt  }
0x6e: {  	_ =	shalt  }
0x6f: {  	_ =	shalt  }
0x70: {  	_ =	shalt  }
0x71: {  	_ =	shalt  }
0x72: {  	_ =	shalt  }
0x73: {  	_ =	shalt  }
0x74: {  	_ =	shalt  }
0x75: {  	_ =	shalt  }
0x76: {  	_ =	shalt  }
0x77: {  	_ =	shalt  }
0x78: {  	_ =	shalt  }
0x79: {  	_ =	shalt  }
0x7a: {  	_ =	shalt  }
0x7b: {  	_ =	shalt  }
0x7c: {  	_ =	shalt  }
0x7d: {  	_ =	shalt  }
0x7e: {  	_ =	shalt  }
0x7f: {  	_ =	shalt  }
0x80: {  	_ =	shalt  }
0x81: {  	_ =	shalt  }
0x82: {  	_ =	shalt  }
0x83: {  	_ =	shalt  }
0x84: {  	_ =	shalt  }
0x85: {  	_ =	shalt  }
0x86: {  	_ =	shalt  }
0x87: {  	_ =	shalt  }
.Lfunc_end0:
.L_simem_size_0:
called_computation_lowered:
.L_overlay_start_0:
0x88: {  	s2 =	sld [smem:$0x3FD9]  }
0x89: {  	s3 =	sld [smem:$0x3FFE];
	_ =	sdelay $0x1  }
0x8a: {  	s1 =	srdreg.scid  }
0x8b: {  	s0 =	sand.u32 $0x1, s1  }
0x8c: {  	s14 =	sshll.u32 s0, $0xA;
	s2 =	sadd.s32 s3, s2  }
0x8d: {  	s2 =	sadd.s32 s2, s14  }
0x8e: {  	[smem:$0x3FB8] =	sst s2  }
0x8f: {  	_ = 	snop  }
0x90: {  	s2 =	sld [smem:$0x3FD0];
	_ =	sdelay $0x2  }
0x91: {  	s15 =	simm.s32 $0xA;
	s4 =	simm.s32 $0x10  }
0x92: {  	[smem:s4], [sflag:s15] =	dma.local [hbm:s2], $0x1  }
0x93: {  	_ =	swait.eq [sflag:s15], $0x1  }
0x94: {  	[sflag:s15] =	ssyncset.done $0x0  }
0x95: {  	[sflag:s15] =	ssyncadd.s32 $0xFFFFFFFF  }
0x96: {  	s16 =	sld [smem:$0x11];
	(tm) =	ssettm $0x1  }
0x97: {  	s17 =	sld [smem:$0x3FFB];
	_ =	sdelay $0x3  }
0x98: {  	_ =	strace s17  }
0x99: {  	s3 =	sld [smem:$0x3FFC];
	_ =	sdelay $0x3  }
0x9a: {  	_ =	strace s3  }
0x9b: {  	s3 =	sld [smem:$0x3FFD];
	_ =	sdelay $0x3  }
0x9c: {  	_ =	strace s3  }
0x9d: {  	_ =	strace $0x8FFFFFFF  }
0x9e: {  	s18 =	sld [smem:$0x3FDB];
	_ =	sdelay $0x1  }
0x9f: {  	s19 =	simm.s32 $_scs_section_size  }
0xa0: {  	s5 =	simm.s32 $_size__tile_overlayer_lowered;
	s6 =	simm.s32 $_tile_overlayer_lowered  }
0xa1: {  	s22 =	simm.s32 $0x1BFF;
	s21 =	sshll.u32 s6, $0x1;
	s3 =	sadd.s32 s19, s18  }
0xa2: {  	s7 =	simm.s32 $0x0;
	s20 =	sshll.u32 s5, $0x1;
	s5 =	sadd.s32 s21, s3  }
0xa3: {  	[timem:s7], [sflag:s22] =	dma.local [hbm:s5], s20  }
0xa4: {  	_ =	swait.ge [sflag:s22], s20  }
0xa5: {  	s4 =	ssub.s32 $0x0, s20;
	[sflag:s22] =	ssyncset.done $0x0  }
0xa6: {  	[sflag:s22] =	ssyncadd.s32 s4;
	_ =	sdelay $0x1  }
0xa7: {  	s23 =	simm.s32 $0x1B8B  }
0xa8: {  	_ =	swait.ge [sflag:s23], $0x1  }
0xa9: {  	[sflag:s23] =	ssyncset.done $0x0  }
0xaa: {  	s25 =	simm.s32 $0x1B8E;
	s24 =	sld [smem:$0x3FFE];
	[sflag:s23] =	ssyncadd.s32 $0xFFFFFFFF  }
0xab: {  	s26 =	simm.s32 $execute0_lowered;
	[smem:$0x3FD2] =	sst s25  }
0xac: {  	s5 =	sshll.u32 s26, $0x1;
	_ =	strace $0x80000046;
	[dreg:$0x1] =	wrdreg $0xFFFFFFFF  }
0xad: {  	s28 =	simm.s32 $_size_execute0_lowered;
	s3 =	sadd.s32 s3, s5;
	[dreg:$0x0] =	wrdreg $0x0  }
0xae: {  	s5 =	sshll.u32 s28, $0x1;
	[dreg:$0x2] =	wrdreg s3  }
0xaf: {  	[dreg:$0x3] =	wrdreg s5  }
0xb0: {  	[dreg:$0x4] =	wrdreg $0xC0  }
0xb1: {  	_ =	task [dreg:s7], $0x5FFFF  }
0xb2: {  	[dreg:$0x1] =	wrdreg $0xFFFFFFFF  }
0xb3: {  	[dreg:$0x0] =	wrdreg $0x60  }
0xb4: {  	[dreg:$0x2] =	wrdreg s16  }
0xb5: {  	[dreg:$0x3] =	wrdreg s24  }
0xb6: {  	[dreg:$0x4] =	wrdreg $0x140000  }
0xb7: {  	[dreg:$0x5] =	wrdreg $0x9  }
0xb8: {  	_ =	task.clear_ibuf [dreg:s7], $0x6FFFF;
	_ =	strace $0x90000046  }
0xb9: {  	s29 =	simm.s32 $0x9;
	_ =	strace $0x80000048  }
0xba: {  	_ =	swait.ge [sflag:s29], $0x1  }
0xbb: {  	[sflag:s29] =	ssyncadd.s32 $0xFFFFFFFF  }
0xbc: {  	_ =	strace $0x90000048  }
0xbd: {  	_ =	sfence  }
0xbe: {  	s30 =	sld [smem:$0x0];
	_ =	sdelay $0x2  }
0xbf: {  	s31 =	sshll.u32 s1, $0xD;
	s1 =	sshrl.u32 s1, $0x2  }
0xc0: {  	s3 =	sand.u32 $0x4000, s31;
	s1 =	sadd.s32 s1, s30  }
0xc1: {  	s0 =	sor.u32 s3, s0;
	s1 =	sshll.u32 s1, $0x11  }
0xc2: {  	s0 =	sor.u32 s1, s0  }
0xc3: {  	s0 =	sadd.s32 $0x8F2B, s0  }
0xc4: {  	[sflag:s0] =	ssyncadd.remote.s32 $0x1  }
0xc5: {  	_ =	sfence.sel $0xFFFF  }
0xc6: {  	[dreg:$0x0] =	wrdreg $0xFFFFFFFF;
	(pc) =	sbr.abs _section_cstart, $3  }
0xc7: {  	[dreg:$0x1] =	wrdreg $0xFFFFFFFF  }
0xc8: {  	_ =	task.clear_ibuf [dreg:s7], $0x2FFFF;
	_ =	strace $0x9FFFFFFF  }
0xc9: {  	(tm) =	ssettm $0x7FFFFFFF  }
tec
execute0_lowered:
.L_overlay_start_1:
0x0: {  	(tag) =	ssettag $0x1  }
0x1: {  	s1 =	rddreg [dreg:$0x0]  }
0x2: {  	s0 =	rddreg [dreg:$0x1]  }
0x3: {  	s3 =	rddreg [dreg:$0x2]  }
0x4: {  	s4 =	simm.s32 $0x0;
	s2 =	stileid.u32;
	s6 =	srdreg.scid  }
0x5: {  	s13 =	simm.s32 $0x80;
	s14 =	simm.s32 $0xA000;
	s15 =	simm.s32 $0xC000  }
0x6: {  	s17 =	simm.s32 $0xE000;
	s19 =	simm.s32 $0x10000;
	s21 =	simm.s32 $0x12000  }
0x7: {  	s23 =	simm.s32 $0x2;
	s28 =	simm.s32 $0x9D80;
	s29 =	simm.s32 $0x9E00  }
0x8: {  	s30 =	simm.s32 $0x9E80;
	s31 =	simm.s32 $0x9F00;
	s5 =	smul.u32 $0xA00, s2  }
0x9: {  	[smem:$0x7FF] =	sst s4;
	s6 =	sand.u32 $0x1, s6;
	s11 =	smul.u32 $0x9C00, s2  }
0xa: {  	s26 =	smul.u32 $0x28000, s2;
	s18 =	sadd.s32 $0x92400, s3;
	_ =	strace $0x80000047  }
0xb: {  	s7 =	ssub.s32 $0x2, s6;
	s8 =	smul.u32 $0x9C400, s6;
	p0 =	seq.s32 s6, $0x1  }
0xc: {  	s10 =	sadd.s32 s5, s0;
	s5 =	sadd.s32 $0x21800, s0;
	s9 =	sshrl.u32 s7, $0x1  }
0xd: {  	s0 =	sadd.s32 $0x22C00, s0;
	s9 =	ssub.s32 s7, s9;
	s6 =	sadd.s32 $0x17800, s10  }
0xe: {  	s12 =	sadd.s32 s11, s8;
	s7 =	sshrl.u32 s26, $0x2;
	s8 =	sshrl.u32 s8, $0x3  }
0xf: {  	s26 =	simm.s32 $0x1;
	s12 =	sshrl.u32 s12, $0x3;
	s16 =	sadd.s32 s7, s3  }
0x10: {  	s9 =	smax.u32 s9, $0x1;
	s7 =	sadd.s32 s0, s12;
	s0 =	sadd.s32 s0, s8  }
0x11: {  	s12 =	sadd.s32 s11, s3;
	s8 =	sadd.s32 $0x12480, s0;
	s0 =	simm.s32 $0x3800  }
0x12: {  	s11 =	simm.s32 $0x3;
	s0 =	simm.s32 @!p0 $0xD800;
	p0 =	seq.s32 s2, $0xF  }
0x13: {  	s22 =	sshrl.u32 s16, $0x3;
	s10 =	sadd.s32 s0, s10;
	s24 =	sshrl.u32 @p0 s18, $0x3  }
0x14: {  	s25 =	sshrl.u32 @!p0 s12, $0x3;
	s0 =	simm.s32 $0x9F80;
	s12 =	simm.s32 $0x0  }
.LBB2_1:
0x15: {  	[tilespmem:s4], [sflag:$0x3] =	stream.linear.gather [hbm4b:s10+s4], $0x5000, $0x38;
	[tilespmem:$0x1E000] =	vst v63  }
0x16: {  	_ =	swait.ge [sflag:s11], $0x5000  }
0x17: {  	[sflag:s11] =	ssyncset.done $0x0  }
0x18: {  	s16 =	simm.s32 $0x5000;
	[sflag:s11] =	ssyncadd.s32 $0xFFFFB000  }
0x19: {  	[tilespmem:s16], [sflag:$0x3] =	stream.linear.gather [hbm4b:s6+s4], $0x5000, $0x38;
	[tilespmem:$0x1E000] =	vst v63  }
0x1a: {  	_ =	swait.ge [sflag:s11], $0x5000  }
0x1b: {  	[sflag:s11] =	ssyncset.done $0x0  }
0x1c: {  	[sflag:s11] =	ssyncadd.s32 $0xFFFFB000  }
0x1d: {  	[tilespmem:s14], [sflag:$0x1] =	stream.indirect.gather [hbm4b:s1+s13], $0x40, s4, s13, $0xb8;
	[tilespmem:$0x1E000] =	vst v63  }
0x1e: {  	_ = 	snop  }
0x1f: {  	[tilespmem:s15], [sflag:$0x1] =	stream.indirect.gather [hbm4b:s1+s13], $0x40, s13, s13, $0xb8;
	[tilespmem:$0x1E000] =	vst v63  }
0x20: {  	s20 =	simm.s32 $0x100  }
0x21: {  	[tilespmem:s17], [sflag:$0x1] =	stream.indirect.gather [hbm4b:s1+s13], $0x40, s20, s13, $0xb8;
	[tilespmem:$0x1E000] =	vst v63  }
0x22: {  	s18 =	simm.s32 $0x180  }
0x23: {  	[tilespmem:s19], [sflag:$0x1] =	stream.indirect.gather [hbm4b:s1+s13], $0x40, s18, s13, $0xb8;
	[tilespmem:$0x1E000] =	vst v63  }
0x24: {  	s18 =	sshll.u32 s2, $0x6  }
0x25: {  	s20 =	simm.s32 $0x200;
	s16 =	sor.u32 $0x1C02, s18  }
0x26: {  	[tilespmem:s21], [sflag:$0x1] =	stream.indirect.gather [hbm4b:s1+s13], $0x40, s20, s13, $0xb8;
	[tilespmem:$0x1E000] =	vst v63  }
0x27: {  	[spmem:s22], [sflag:s16] =	dma.local [hbm:s5], $0x1400  }
0x28: {  	_ =	swait.ge [sflag:s23], $0x1400  }
0x29: {  	[sflag:s23] =	ssyncset.done $0x0  }
0x2a: {  	[sflag:s23] =	ssyncadd.s32 $0xFFFFEC00  }
0x2b: {  	[bflag:$0x0] =	sbarrier.arrive $0xFFFF  }
0x2c: {  	_ =	swait.ge [sflag:s26], $0x2000  }
0x2d: {  	[sflag:s26] =	ssyncset.done $0x0  }
0x2e: {  	s20 =	simm.s32 $0x5000;
	[sflag:s26] =	ssyncadd.s32 $0xFFFFE000  }
0x2f: {  	[spmem:s3] =	stream.indirect.scatter.add.f32 [tilespmem:s14], [sflag:$0x3], $0x40, s20, s13, $0xb8;
	[tilespmem:$0x1E000] =	vst v63  }
0x30: {  	_ =	swait.ge [sflag:s11], $0x2000  }
0x31: {  	[sflag:s11] =	ssyncset.done $0x0  }
0x32: {  	s18 =	simm.s32 $0x280;
	[sflag:s11] =	ssyncadd.s32 $0xFFFFE000  }
0x33: {  	[tilespmem:s14], [sflag:$0x1] =	stream.indirect.gather [hbm4b:s1+s13], $0x40, s18, s13, $0xb8;
	[tilespmem:$0x1E000] =	vst v63  }
0x34: {  	_ =	swait.ge [sflag:s26], $0x2000  }
0x35: {  	[sflag:s26] =	ssyncset.done $0x0  }
0x36: {  	s20 =	simm.s32 $0x5080;
	[sflag:s26] =	ssyncadd.s32 $0xFFFFE000  }
0x37: {  	[spmem:s3] =	stream.indirect.scatter.add.f32 [tilespmem:s15], [sflag:$0x3], $0x40, s20, s13, $0xb8;
	[tilespmem:$0x1E000] =	vst v63  }
0x38: {  	_ =	swait.ge [sflag:s11], $0x2000  }
0x39: {  	[sflag:s11] =	ssyncset.done $0x0  }
0x3a: {  	s18 =	simm.s32 $0x300;
	[sflag:s11] =	ssyncadd.s32 $0xFFFFE000  }
0x3b: {  	[tilespmem:s15], [sflag:$0x1] =	stream.indirect.gather [hbm4b:s1+s13], $0x40, s18, s13, $0xb8;
	[tilespmem:$0x1E000] =	vst v63  }
0x3c: {  	_ =	swait.ge [sflag:s26], $0x2000  }
0x3d: {  	[sflag:s26] =	ssyncset.done $0x0  }
0x3e: {  	s20 =	simm.s32 $0x5100;
	[sflag:s26] =	ssyncadd.s32 $0xFFFFE000  }
0x3f: {  	[spmem:s3] =	stream.indirect.scatter.add.f32 [tilespmem:s17], [sflag:$0x3], $0x40, s20, s13, $0xb8;
	[tilespmem:$0x1E000] =	vst v63  }
0x40: {  	_ =	swait.ge [sflag:s11], $0x2000  }
0x41: {  	[sflag:s11] =	ssyncset.done $0x0  }
0x42: {  	s18 =	simm.s32 $0x380;
	[sflag:s11] =	ssyncadd.s32 $0xFFFFE000  }
0x43: {  	[tilespmem:s17], [sflag:$0x1] =	stream.indirect.gather [hbm4b:s1+s13], $0x40, s18, s13, $0xb8;
	[tilespmem:$0x1E000] =	vst v63  }
0x44: {  	_ =	swait.ge [sflag:s26], $0x2000  }
0x45: {  	[sflag:s26] =	ssyncset.done $0x0  }
0x46: {  	s20 =	simm.s32 $0x5180;
	[sflag:s26] =	ssyncadd.s32 $0xFFFFE000  }
0x47: {  	[spmem:s3] =	stream.indirect.scatter.add.f32 [tilespmem:s19], [sflag:$0x3], $0x40, s20, s13, $0xb8;
	[tilespmem:$0x1E000] =	vst v63  }
0x48: {  	_ =	swait.ge [sflag:s11], $0x2000  }
0x49: {  	[sflag:s11] =	ssyncset.done $0x0  }
0x4a: {  	s18 =	simm.s32 $0x400;
	[sflag:s11] =	ssyncadd.s32 $0xFFFFE000  }
0x4b: {  	[tilespmem:s19], [sflag:$0x1] =	stream.indirect.gather [hbm4b:s1+s13], $0x40, s18, s13, $0xb8;
	[tilespmem:$0x1E000] =	vst v63  }
0x4c: {  	_ =	swait.ge [sflag:s26], $0x2000  }
0x4d: {  	[sflag:s26] =	ssyncset.done $0x0  }
0x4e: {  	s20 =	simm.s32 $0x5200;
	[sflag:s26] =	ssyncadd.s32 $0xFFFFE000  }
0x4f: {  	[spmem:s3] =	stream.indirect.scatter.add.f32 [tilespmem:s21], [sflag:$0x3], $0x40, s20, s13, $0xb8;
	[tilespmem:$0x1E000] =	vst v63  }
0x50: {  	_ =	swait.ge [sflag:s11], $0x2000  }
0x51: {  	[sflag:s11] =	ssyncset.done $0x0  }
0x52: {  	s16 =	simm.s32 $0xA00;
	s18 =	simm.s32 $0x480;
	[sflag:s11] =	ssyncadd.s32 $0xFFFFE000  }
.LBB2_2:
0x53: {  	[tilespmem:s21], [sflag:$0x1] =	stream.indirect.gather [hbm4b:s1+s13], $0x40, s18, s13, $0xb8;
	[tilespmem:$0x1E000] =	vst v63  }
0x54: {  	s18 =	smov.u32 s16  }
0x55: {  	p1 =	sne.s32 s16, $0x12C00;
	s16 =	sadd.s32 $0xA00, s16;
	_ =	swait.ge [sflag:s26], $0x2000  }
0x56: {  	s18 =	sshra.s32 s18, $0x2;
	[sflag:s26] =	ssyncset.done $0x0  }
0x57: {  	s20 =	sadd.s32 $0x5000, s18;
	[sflag:s26] =	ssyncadd.s32 $0xFFFFE000  }
0x58: {  	[spmem:s3] =	stream.indirect.scatter.add.f32 [tilespmem:s14], [sflag:$0x3], $0x40, s20, s13, $0xb8;
	[tilespmem:$0x1E000] =	vst v63  }
0x59: {  	_ =	swait.ge [sflag:s11], $0x2000  }
0x5a: {  	[sflag:s11] =	ssyncset.done $0x0  }
0x5b: {  	s20 =	sadd.s32 $0x280, s18;
	[sflag:s11] =	ssyncadd.s32 $0xFFFFE000  }
0x5c: {  	[tilespmem:s14], [sflag:$0x1] =	stream.indirect.gather [hbm4b:s1+s13], $0x40, s20, s13, $0xb8;
	[tilespmem:$0x1E000] =	vst v63  }
0x5d: {  	_ =	swait.ge [sflag:s26], $0x2000  }
0x5e: {  	[sflag:s26] =	ssyncset.done $0x0  }
0x5f: {  	s20 =	sadd.s32 $0x5080, s18;
	[sflag:s26] =	ssyncadd.s32 $0xFFFFE000  }
0x60: {  	[spmem:s3] =	stream.indirect.scatter.add.f32 [tilespmem:s15], [sflag:$0x3], $0x40, s20, s13, $0xb8;
	[tilespmem:$0x1E000] =	vst v63  }
0x61: {  	_ =	swait.ge [sflag:s11], $0x2000  }
0x62: {  	[sflag:s11] =	ssyncset.done $0x0  }
0x63: {  	s20 =	sadd.s32 $0x300, s18;
	[sflag:s11] =	ssyncadd.s32 $0xFFFFE000  }
0x64: {  	[tilespmem:s15], [sflag:$0x1] =	stream.indirect.gather [hbm4b:s1+s13], $0x40, s20, s13, $0xb8;
	[tilespmem:$0x1E000] =	vst v63  }
0x65: {  	_ =	swait.ge [sflag:s26], $0x2000  }
0x66: {  	[sflag:s26] =	ssyncset.done $0x0  }
0x67: {  	s20 =	sadd.s32 $0x5100, s18;
	[sflag:s26] =	ssyncadd.s32 $0xFFFFE000  }
0x68: {  	[spmem:s3] =	stream.indirect.scatter.add.f32 [tilespmem:s17], [sflag:$0x3], $0x40, s20, s13, $0xb8;
	[tilespmem:$0x1E000] =	vst v63  }
0x69: {  	_ =	swait.ge [sflag:s11], $0x2000  }
0x6a: {  	[sflag:s11] =	ssyncset.done $0x0  }
0x6b: {  	s20 =	sadd.s32 $0x380, s18;
	[sflag:s11] =	ssyncadd.s32 $0xFFFFE000  }
0x6c: {  	[tilespmem:s17], [sflag:$0x1] =	stream.indirect.gather [hbm4b:s1+s13], $0x40, s20, s13, $0xb8;
	[tilespmem:$0x1E000] =	vst v63  }
0x6d: {  	_ =	swait.ge [sflag:s26], $0x2000  }
0x6e: {  	[sflag:s26] =	ssyncset.done $0x0  }
0x6f: {  	s20 =	sadd.s32 $0x5180, s18;
	[sflag:s26] =	ssyncadd.s32 $0xFFFFE000  }
0x70: {  	[spmem:s3] =	stream.indirect.scatter.add.f32 [tilespmem:s19], [sflag:$0x3], $0x40, s20, s13, $0xb8;
	[tilespmem:$0x1E000] =	vst v63  }
0x71: {  	_ =	swait.ge [sflag:s11], $0x2000  }
0x72: {  	[sflag:s11] =	ssyncset.done $0x0  }
0x73: {  	s20 =	sadd.s32 $0x400, s18;
	[sflag:s11] =	ssyncadd.s32 $0xFFFFE000  }
0x74: {  	[tilespmem:s19], [sflag:$0x1] =	stream.indirect.gather [hbm4b:s1+s13], $0x40, s20, s13, $0xb8;
	[tilespmem:$0x1E000] =	vst v63  }
0x75: {  	_ =	swait.ge [sflag:s26], $0x2000  }
0x76: {  	[sflag:s26] =	ssyncset.done $0x0  }
.Ltmp0:
0x77: {  	s20 =	sadd.s32 $0x5200, s18;
	[sflag:s26] =	ssyncadd.s32 $0xFFFFE000;
	(pc) =	sbr.rel @p1 .LBB2_2-.Ltmp0, $4  }
0x78: {  	[spmem:s3] =	stream.indirect.scatter.add.f32 [tilespmem:s21], [sflag:$0x3], $0x40, s20, s13, $0xb8;
	[tilespmem:$0x1E000] =	vst v63  }
0x79: {  	_ =	swait.ge [sflag:s11], $0x2000  }
0x7a: {  	[sflag:s11] =	ssyncset.done $0x0  }
0x7b: {  	s18 =	sadd.s32 $0x480, s18;
	[sflag:s11] =	ssyncadd.s32 $0xFFFFE000  }
0x7c: {  	[tilespmem:s21], [sflag:$0x1] =	stream.indirect.gather [hbm4b:s1+s13], $0x40, s18, s13, $0xb8;
	[tilespmem:$0x1E000] =	vst v63  }
0x7d: {  	_ =	swait.ge [sflag:s26], $0x2000  }
0x7e: {  	[sflag:s26] =	ssyncset.done $0x0  }
0x7f: {  	[sflag:s26] =	ssyncadd.s32 $0xFFFFE000  }
0x80: {  	[spmem:s3] =	stream.indirect.scatter.add.f32 [tilespmem:s14], [sflag:$0x3], $0x40, s28, s13, $0xb8;
	[tilespmem:$0x1E000] =	vst v63  }
0x81: {  	_ =	swait.ge [sflag:s11], $0x2000  }
0x82: {  	[sflag:s11] =	ssyncset.done $0x0  }
0x83: {  	[sflag:s11] =	ssyncadd.s32 $0xFFFFE000  }
0x84: {  	_ =	swait.ge [sflag:s26], $0x2000  }
0x85: {  	[sflag:s26] =	ssyncset.done $0x0  }
0x86: {  	[sflag:s26] =	ssyncadd.s32 $0xFFFFE000  }
0x87: {  	[spmem:s3] =	stream.indirect.scatter.add.f32 [tilespmem:s15], [sflag:$0x3], $0x40, s29, s13, $0xb8;
	[tilespmem:$0x1E000] =	vst v63  }
0x88: {  	_ =	swait.ge [sflag:s11], $0x2000  }
0x89: {  	[sflag:s11] =	ssyncset.done $0x0  }
0x8a: {  	[sflag:s11] =	ssyncadd.s32 $0xFFFFE000  }
0x8b: {  	_ =	swait.ge [sflag:s26], $0x2000  }
0x8c: {  	[sflag:s26] =	ssyncset.done $0x0  }
0x8d: {  	[sflag:s26] =	ssyncadd.s32 $0xFFFFE000  }
0x8e: {  	[spmem:s3] =	stream.indirect.scatter.add.f32 [tilespmem:s17], [sflag:$0x3], $0x40, s30, s13, $0xb8;
	[tilespmem:$0x1E000] =	vst v63  }
0x8f: {  	_ =	swait.ge [sflag:s11], $0x2000  }
0x90: {  	[sflag:s11] =	ssyncset.done $0x0  }
0x91: {  	[sflag:s11] =	ssyncadd.s32 $0xFFFFE000  }
0x92: {  	_ =	swait.ge [sflag:s26], $0x2000  }
0x93: {  	[sflag:s26] =	ssyncset.done $0x0  }
0x94: {  	[sflag:s26] =	ssyncadd.s32 $0xFFFFE000  }
0x95: {  	[spmem:s3] =	stream.indirect.scatter.add.f32 [tilespmem:s19], [sflag:$0x3], $0x40, s31, s13, $0xb8;
	[tilespmem:$0x1E000] =	vst v63  }
0x96: {  	_ =	swait.ge [sflag:s11], $0x2000  }
0x97: {  	[sflag:s11] =	ssyncset.done $0x0  }
0x98: {  	[sflag:s11] =	ssyncadd.s32 $0xFFFFE000  }
0x99: {  	_ =	swait.ge [sflag:s26], $0x2000  }
0x9a: {  	[sflag:s26] =	ssyncset.done $0x0  }
0x9b: {  	[sflag:s26] =	ssyncadd.s32 $0xFFFFE000  }
0x9c: {  	[spmem:s3] =	stream.indirect.scatter.add.f32 [tilespmem:s21], [sflag:$0x3], $0x40, s0, s13, $0xb8;
	[tilespmem:$0x1E000] =	vst v63  }
0x9d: {  	_ =	swait.ge [sflag:s11], $0x2000  }
0x9e: {  	[sflag:s11] =	ssyncset.done $0x0  }
0x9f: {  	[sflag:s11] =	ssyncadd.s32 $0xFFFFE000  }
0xa0: {  	s16 =	simm.s32 @p0 $0x1FC3;
	[bflag:$0x0] =	sbarrier.arrive $0xFFFF  }
0xa1: {  	[hbm:s8], [sflag:s16] =	dma.local @p0 [spmem:s24], $0x1400  }
0xa2: {  	s16 =	simm.s32 @p0 $0x3  }
0xa3: {  	_ =	swait.ge @p0 [sflag:s16], $0x1400  }
0xa4: {  	s18 =	sshll.u32 @!p0 s2, $0x6;
	s12 =	sadd.s32 $0x1, s12;
	[sflag:s16] =	ssyncset.done @p0 $0x0  }
0xa5: {  	p1 =	sne.s32 s12, s9;
	[sflag:s16] =	ssyncadd.s32 @p0 $0xFFFFEC00;
	s16 =	sor.u32 @!p0 $0x1C03, s18  }
0xa6: {  	[hbm:s7], [sflag:s16] =	dma.local @!p0 [spmem:s25], $0x1380  }
.Ltmp1:
0xa7: {  	_ = 	snop;
	(pc) =	sbr.rel @p1 .LBB2_1-.Ltmp1, $4  }
0xa8: {  	s16 =	simm.s32 @!p0 $0x3  }
0xa9: {  	_ =	swait.ge @!p0 [sflag:s16], $0x1380  }
0xaa: {  	[sflag:s16] =	ssyncset.done @!p0 $0x0  }
0xab: {  	[sflag:s16] =	ssyncadd.s32 @!p0 $0xFFFFEC80  }
0xac: {  	_ =	sfence.sel $0x180000  }
0xad: {  	[bflag:$0x0] =	sbarrier.arrive $0xFFFF  }
0xae: {  	_ =	strace $0x90000047  }
0xaf: {  	[bflag:$0x2] =	sbarrier.arrive $0xFFFF  }
0xb0: {  	p0 =	sne.s32 s2, $0x0;
	s0 =	rddreg [dreg:$0x3]  }
0xb1: {  	s0 =	sadd.s32 @!p0 $0x100000, s0  }
0xb2: {  	[sflag:s0] =	ssyncadd.tile.s32 @!p0 $0x1;
	_ =	shalt  }
.Lfunc_end2:
_tile_overlayer_lowered:
.L_overlay_start_2:
0xb3: {  	(tag) =	ssettag $0x2  }
0xb4: {  	s0 =	rddreg [dreg:$0x0];
	s2 =	stileid.u32  }
0xb5: {  	s1 =	rddreg [dreg:$0x1];
	p0 =	sne.s32 s2, $0x0  }
0xb6: {  	s3 =	rddreg [dreg:$0x2];
	[bflag:$0x3] =	sbarrier.arrive $0xFFFF;
	s2 =	simm.s32 @!p0 $0x1C03  }
0xb7: {  	[timem:s3], [sflag:s2] =	dma.local @!p0 [hbm:s0], s1  }
0xb8: {  	s0 =	simm.s32 @!p0 $0x3  }
0xb9: {  	_ =	swait.ge @!p0 [sflag:s0], s1  }
0xba: {  	s1 =	ssub.s32 @!p0 $0x0, s1;
	[sflag:s0] =	ssyncset.done @!p0 $0x0  }
0xbb: {  	[sflag:s0] =	ssyncadd.s32 @!p0 s1  }
0xbc: {  	[bflag:$0x3] =	sbarrier.arrive $0xFFFF  }
0xbd: {  	_ =	shalt  }

</sc_bundles>
